<compile_context>
chip_gen: v7x
topology: tpu7x:2x2x1
jax: 0.10.2.dev20260603
libtpu: 0.0.44.dev20260713+nightly
codegen_flags: <defaults>
</compile_context>

<pallas_src>
import functools

import jax
import jax.numpy as jnp
from jax.experimental import pallas as pl
from jax.experimental.pallas import tpu as pltpu
from jax.experimental.pallas import tpu_sc as plsc

SEQ = 512
DM = 1024
NE = 6
TOPK = 4
TILE = 512
NC = 2
NS = 16
LANES = 16


def _expert_dims(pl_e):
    step = pl_e // 2
    pn = int((SEQ - pl_e) / step + 1)
    return step, pn


def _gate_sc_body(tpw, t_total, l_hbm, g_hbm, lv, gv):
    wid = jax.lax.axis_index("s") * NC + jax.lax.axis_index("c")
    base = wid * tpw
    pltpu.sync_copy(l_hbm, lv)
    zero = jnp.zeros((LANES,), jnp.float32)
    for g in range(tpw // LANES):
        lvec = [lv[pl.ds(e * t_total + base + g * LANES, LANES)]
                for e in range(NE)]
        rank = []
        for e in range(NE):
            r = jnp.zeros((LANES,), jnp.float32)
            for j in range(NE):
                if j == e:
                    continue
                beats = (lvec[j] > lvec[e]) if j > e else (lvec[j] >= lvec[e])
                r = r + jnp.where(beats, 1.0, 0.0)
            rank.append(r)
        mx = lvec[0]
        for e in range(1, NE):
            mx = jnp.maximum(mx, lvec[e])
        pv = [jnp.where(rank[e] < TOPK, jnp.exp(lvec[e] - mx), 0.0)
              for e in range(NE)]
        inv = 1.0 / (pv[0] + pv[1] + pv[2] + pv[3] + pv[4] + pv[5])
        for e in range(NE):
            gv[pl.ds(e * tpw + g * LANES, LANES)] = pv[e] * inv
        gv[pl.ds(NE * tpw + g * LANES, LANES)] = zero
        gv[pl.ds((NE + 1) * tpw + g * LANES, LANES)] = zero
    pltpu.sync_copy(gv, g_hbm.at[pl.ds(wid * 8 * tpw, 8 * tpw)])


def _logits_body(x_ref, gw_ref, gb_ref, l_ref):
    lt = jax.lax.dot_general(gw_ref[...], x_ref[...],
                             dimension_numbers=(((0,), (1,)), ((), ())),
                             preferred_element_type=jnp.float32)
    l_ref[0:NE, :] = lt + gb_ref[...]
    l_ref[NE:8, :] = jnp.zeros((8 - NE, l_ref.shape[1]), jnp.float32)


def _compose_into(dims, wf_refs, w1_refs, bf_ref, b1_ref, a_ref, m_ref,
                  w1s_ref):
    rows = jax.lax.broadcasted_iota(jnp.int32, (SEQ + 1, DM), 0)
    cols = jax.lax.broadcasted_iota(jnp.int32, (SEQ + 1, DM), 1)
    for e, (pl_e, step, pn, dm) in enumerate(dims):
        if pl_e >= 24:
            m_ref[...] = jnp.zeros((SEQ + 1, DM), jnp.bfloat16)
            wf = wf_refs[e][...]
            for n in range(pn):
                m_ref[n * step:n * step + pl_e, n * dm:(n + 1) * dm] = wf
            m_ref[SEQ:SEQ + 1, :] = bf_ref[e:e + 1, :].astype(jnp.bfloat16)
            mblk = m_ref[...]
        else:
            n = cols // dm
            p = jnp.where((cols < pn * dm) & (rows < SEQ),
                          rows - n * step, -1)
            blk = jnp.where(rows == SEQ, bf_ref[e:e + 1, :], 0.0)
            for pp in range(pl_e):
                blk = blk + jnp.where(p == pp,
                                      wf_refs[e][pp:pp + 1,
                                                 :].astype(jnp.float32),
                                      0.0)
            mblk = blk.astype(jnp.bfloat16)
        nk = pn * dm
        w1s_ref[0:nk, :] = w1_refs[e][...].astype(jnp.bfloat16)
        if nk < DM:
            w1s_ref[nk:DM, :] = jnp.zeros((DM - nk, DM), jnp.bfloat16)
        a_ref[:, e * DM:(e + 1) * DM] = jnp.dot(
            mblk, w1s_ref[...],
            preferred_element_type=jnp.float32).astype(jnp.bfloat16)
        a_ref[SEQ:SEQ + 1, e * DM:(e + 1) * DM] = (
            a_ref[SEQ:SEQ + 1, e * DM:(e + 1) * DM]
            + b1_ref[e:e + 1, :].astype(jnp.bfloat16))


def _fused_body(dims, *refs):
    x_ref, g_ref = refs[:2]
    wf_refs = refs[2:2 + NE]
    w1_refs = refs[2 + NE:2 + 2 * NE]
    bf_ref, b1_ref, o_ref, a_ref, m_ref, w1s_ref = refs[2 + 2 * NE:]
    i = pl.program_id(0)

    @pl.when(i == 0)
    def _compose():
        _compose_into(dims, wf_refs, w1_refs, bf_ref, b1_ref, a_ref,
                      m_ref, w1s_ref)

    @pl.when(i > 0)
    def _tile():
        xb16 = x_ref[...].astype(jnp.bfloat16)
        gcol = jnp.transpose(g_ref[...])
        y = jnp.dot(xb16, a_ref[0:SEQ, :],
                    preferred_element_type=jnp.float32)
        y = y + a_ref[SEQ:SEQ + 1, :].astype(jnp.float32)
        acc = jnp.zeros((TILE, DM), jnp.float32)
        for e in range(NE):
            acc = acc + gcol[:, e:e + 1] * y[:, e * DM:(e + 1) * DM]
        o_ref[...] = acc


def kernel(x, ff_W, ff_b, ff1_W, ff1_b, gate_W, gate_b):
    B, V, S = x.shape
    T = B * V
    dims = []
    for e in range(NE):
        pl_e, dm = ff_W[e].shape
        step, pn = _expert_dims(pl_e)
        dims.append((pl_e, step, pn, dm))
    dims = tuple(dims)

    xf = x.reshape(T, S)
    bf_tiled = jnp.stack([
        jnp.pad(jnp.tile(ff_b[e], dims[e][2]),
                (0, DM - dims[e][2] * dims[e][3]))
        for e in range(NE)])
    b1_stack = jnp.stack(ff1_b)
    wf_args = []
    for e, (pl_e, step, pn, dm) in enumerate(dims):
        if pl_e >= 24:
            wf_args.append(ff_W[e].astype(jnp.bfloat16))
        else:
            wf_args.append(jnp.pad(jnp.tile(ff_W[e], (1, pn)),
                                   ((0, 0), (0, DM - pn * dm))))

    full = lambda shape: pl.BlockSpec(shape, lambda: (0,) * len(shape))

    logits_t = pl.pallas_call(
        _logits_body,
        out_shape=jax.ShapeDtypeStruct((8, T), jnp.float32),
        in_specs=[full((T, S)), full((S, NE)), full((NE, 1))],
        out_specs=full((8, T)),
    )(xf, gate_W, gate_b[:, None])

    tpw = T // (NC * NS)
    gates_w = pl.kernel(
        functools.partial(_gate_sc_body, tpw, T),
        out_type=jax.ShapeDtypeStruct((8 * T,), jnp.float32),
        mesh=plsc.VectorSubcoreMesh(core_axis_name="c", subcore_axis_name="s",
                                    num_cores=NC, num_subcores=NS),
        scratch_types=[pltpu.VMEM((8 * T,), jnp.float32),
                       pltpu.VMEM((8 * tpw,), jnp.float32)],
    )(logits_t.reshape(8 * T))
    gates_t = gates_w.reshape(NC * NS, 8, tpw).transpose(1, 0, 2)

    grid = (T // TILE + 1,)
    shift = lambda i: jnp.maximum(i - 1, 0)
    full_g = lambda shape: pl.BlockSpec(shape,
                                        lambda i: (0,) * len(shape))
    out = pl.pallas_call(
        functools.partial(_fused_body, dims),
        grid=grid,
        out_shape=jax.ShapeDtypeStruct((T, DM), jnp.float32),
        in_specs=[
            pl.BlockSpec((TILE, S), lambda i: (shift(i), 0)),
            pl.BlockSpec((8, TILE), lambda i: (0, shift(i))),
        ]
        + [full_g(w.shape) for w in wf_args]
        + [full_g(w.shape) for w in ff1_W]
        + [full_g((NE, DM)), full_g((NE, DM))],
        out_specs=pl.BlockSpec((TILE, DM), lambda i: (shift(i), 0)),
        scratch_shapes=[pltpu.VMEM((SEQ + 1, NE * DM), jnp.bfloat16),
                        pltpu.VMEM((SEQ + 1, DM), jnp.bfloat16),
                        pltpu.VMEM((DM, DM), jnp.bfloat16)],
    )(xf, gates_t.reshape(8, T), *wf_args, *ff1_W, bf_tiled, b1_stack)

    return out.reshape(B, V, DM)

# --- scband reference (transcript-rebuilt; emitter-appended) ---
"""Pipeline reference for scband-emb-28595892257229 (READ-ONLY COPY).

The authoritative reference and input builder live on the scoring server;
editing this copy changes nothing except your own understanding.
"""

import jax, jax.numpy as jnp
import numpy as np

SEQ_LEN = 512
D_MODEL = 1024
PATCH = [96, 48, 24, 12, 6, 3]
K = 4
B = 64
V = 32


def setup_inputs(seed: int = 0) -> dict:
    key = jax.random.key(seed)
    ks = jax.random.split(key, 32)
    x = jax.random.normal(ks[0], (B, V, SEQ_LEN), dtype=jnp.float32)
    ff_W, ff_b, ff1_W, ff1_b = [], [], [], []
    i = 1
    for pl in PATCH:
        step = pl // 2
        pn = int((SEQ_LEN - pl) / step + 1)
        dm = D_MODEL // pn
        ff_W.append((jax.random.normal(ks[i], (pl, dm), dtype=jnp.float32) * (1.0 / np.sqrt(pl))).astype(jnp.float32)); i += 1
        ff_b.append(jnp.zeros((dm,), jnp.float32))
        ff1_W.append((jax.random.normal(ks[i], (dm * pn, D_MODEL), dtype=jnp.float32) * (1.0 / np.sqrt(dm * pn))).astype(jnp.float32)); i += 1
        ff1_b.append(jnp.zeros((D_MODEL,), jnp.float32))
    gate_W = (jax.random.normal(ks[30], (SEQ_LEN, len(PATCH)), dtype=jnp.float32) * (1.0 / np.sqrt(SEQ_LEN))).astype(jnp.float32)
    gate_b = jnp.zeros((len(PATCH),), jnp.float32)
    return {"x": x, "ff_W": ff_W, "ff_b": ff_b, "ff1_W": ff1_W, "ff1_b": ff1_b, "gate_W": gate_W, "gate_b": gate_b}


def _emblayer(x, Wf, bf, W1, b1):
    pl = Wf.shape[0]
    dm = Wf.shape[1]
    step = pl // 2
    pn = W1.shape[0] // dm
    # torch unfold(dimension=-1, size=pl, step=step) -> gather windows
    idx = np.arange(pn)[:, None] * step + np.arange(pl)[None, :]
    xw = x[..., idx]  # [B, V, pn, pl]
    h = jnp.einsum('bvnp,pd->bvnd', xw, Wf) + bf  # [B, V, pn, dm]
    h = h.reshape(h.shape[0], h.shape[1], pn * dm)  # flatten(start_dim=-2)
    return h @ W1 + b1  # [B, V, D_MODEL]


def reference(x, ff_W, ff_b, ff1_W, ff1_b, gate_W, gate_b):
    # noisy_top_k_gating in eval mode (deterministic: no noise)
    logits = x @ gate_W + gate_b  # [B, V, E]
    top_vals, top_idx = jax.lax.top_k(logits, K)
    top_gates = jax.nn.softmax(top_vals, axis=-1)
    # scatter top-k gates back into dense gate vector
    gates = jnp.sum(jax.nn.one_hot(top_idx, logits.shape[-1], dtype=x.dtype) * top_gates[..., None], axis=-2)  # [B, V, E]
    outs = [_emblayer(x, ff_W[i], ff_b[i], ff1_W[i], ff1_b[i]) for i in range(len(ff_W))]
    expert_outputs = jnp.stack(outs, axis=-2)  # [B, V, E, D_MODEL]
    s_out = jnp.sum(expert_outputs * gates[..., None], axis=-2)  # [B, V, D_MODEL]
    return s_out

if __name__ == "__main__":
    import jax
    _d = setup_inputs()
    print(jax.jit(kernel)(*tuple(_d.values())))

</pallas_src>

<mosaic_0001>
#map = affine_map<(d0, d1) -> (0)>
module attributes {stable_mosaic.version = 14 : i64} {
  func.func @_gate_sc_body(%arg0: i32, %arg1: i32, %arg2: memref<16384xf32, #tpu.memory_space<hbm>>, %arg3: memref<16384xf32, #tpu.memory_space<hbm>>, %arg4: memref<16384xf32, #tpu.memory_space<vmem>>, %arg5: memref<512xf32, #tpu.memory_space<vmem>>) attributes {dimension_semantics = [#tpu.dimension_semantics<core_parallel>, #tpu.dimension_semantics<subcore_parallel>], iteration_bounds = array<i64: 2, 16>, scalar_prefetch = 0 : i64, scratch_operands = 2 : i64, tpu.core_type = #tpu.core_type<sc_vector_subcore>, window_params = [{transform_indices = #map}, {transform_indices = #map}]} {
    %mul3A = arith.constant 2 : i32
    %mul3A_0 = arith.muli %arg1, %mul3A : i32
    %add3A = arith.addi %mul3A_0, %arg0 : i32
    %mul3A_1 = arith.constant 64 : i32
    %mul3A_2 = arith.muli %add3A, %mul3A_1 : i32
    "tpu.region"() ({
      %run_scoped3A = tpu.sem_alloc : memref<!tpu.dma_semaphore, #tpu.memory_space<semaphore_mem>>
      tpu.enqueue_dma source(%arg2 : memref<16384xf32, #tpu.memory_space<hbm>>) target(%arg4 : memref<16384xf32, #tpu.memory_space<vmem>>) target_semaphore(%run_scoped3A : memref<!tpu.dma_semaphore, #tpu.memory_space<semaphore_mem>>)
      tpu.wait_dma2 semaphore(%run_scoped3A : memref<!tpu.dma_semaphore, #tpu.memory_space<semaphore_mem>>) src(%arg2 : memref<16384xf32, #tpu.memory_space<hbm>>) dst(%arg4 : memref<16384xf32, #tpu.memory_space<vmem>>)
      tpu.yield
    }) : () -> ()
    %broadcast_in_dim3A = arith.constant 0.000000e+00 : f32
    %broadcast_in_dim3A_3 = vector.broadcast %broadcast_in_dim3A : f32 to vector<16xf32>
    %add3A_4 = arith.constant 0 : i32
    %add3A_5 = arith.addi %add3A_4, %mul3A_2 : i32
    %add3A_6 = arith.constant 0 : i32
    %add3A_7 = arith.addi %add3A_5, %add3A_6 : i32
    %get3A = arith.index_cast %add3A_7 : i32 to index
    %get3A_8 = tpu.vector_load %arg4[%get3A] {strides = array<i32>} : memref<16384xf32, #tpu.memory_space<vmem>>, vector<16xf32>,
    %get3A_9 = vector.shape_cast %get3A_8 : vector<16xf32> to vector<16xf32>
    %add3A_10 = arith.constant 2048 : i32
    %add3A_11 = arith.addi %add3A_10, %mul3A_2 : i32
    %add3A_12 = arith.constant 0 : i32
    %add3A_13 = arith.addi %add3A_11, %add3A_12 : i32
    %get3A_14 = arith.index_cast %add3A_13 : i32 to index
    %get3A_15 = tpu.vector_load %arg4[%get3A_14] {strides = array<i32>} : memref<16384xf32, #tpu.memory_space<vmem>>, vector<16xf32>,
    %get3A_16 = vector.shape_cast %get3A_15 : vector<16xf32> to vector<16xf32>
    %add3A_17 = arith.constant 4096 : i32
    %add3A_18 = arith.addi %add3A_17, %mul3A_2 : i32
    %add3A_19 = arith.constant 0 : i32
    %add3A_20 = arith.addi %add3A_18, %add3A_19 : i32
    %get3A_21 = arith.index_cast %add3A_20 : i32 to index
    %get3A_22 = tpu.vector_load %arg4[%get3A_21] {strides = array<i32>} : memref<16384xf32, #tpu.memory_space<vmem>>, vector<16xf32>,
    %get3A_23 = vector.shape_cast %get3A_22 : vector<16xf32> to vector<16xf32>
    %add3A_24 = arith.constant 6144 : i32
    %add3A_25 = arith.addi %add3A_24, %mul3A_2 : i32
    %add3A_26 = arith.constant 0 : i32
    %add3A_27 = arith.addi %add3A_25, %add3A_26 : i32
    %get3A_28 = arith.index_cast %add3A_27 : i32 to index
    %get3A_29 = tpu.vector_load %arg4[%get3A_28] {strides = array<i32>} : memref<16384xf32, #tpu.memory_space<vmem>>, vector<16xf32>,
    %get3A_30 = vector.shape_cast %get3A_29 : vector<16xf32> to vector<16xf32>
    %add3A_31 = arith.constant 8192 : i32
    %add3A_32 = arith.addi %add3A_31, %mul3A_2 : i32
    %add3A_33 = arith.constant 0 : i32
    %add3A_34 = arith.addi %add3A_32, %add3A_33 : i32
    %get3A_35 = arith.index_cast %add3A_34 : i32 to index
    %get3A_36 = tpu.vector_load %arg4[%get3A_35] {strides = array<i32>} : memref<16384xf32, #tpu.memory_space<vmem>>, vector<16xf32>,
    %get3A_37 = vector.shape_cast %get3A_36 : vector<16xf32> to vector<16xf32>
    %add3A_38 = arith.constant 10240 : i32
    %add3A_39 = arith.addi %add3A_38, %mul3A_2 : i32
    %add3A_40 = arith.constant 0 : i32
    %add3A_41 = arith.addi %add3A_39, %add3A_40 : i32
    %get3A_42 = arith.index_cast %add3A_41 : i32 to index
    %get3A_43 = tpu.vector_load %arg4[%get3A_42] {strides = array<i32>} : memref<16384xf32, #tpu.memory_space<vmem>>, vector<16xf32>,
    %get3A_44 = vector.shape_cast %get3A_43 : vector<16xf32> to vector<16xf32>
    %broadcast_in_dim3A_45 = arith.constant 0.000000e+00 : f32
    %broadcast_in_dim3A_46 = vector.broadcast %broadcast_in_dim3A_45 : f32 to vector<16xf32>
    %gt3A = arith.cmpf ogt, %get3A_16, %get3A_9 : vector<16xf32>
    %jit3A = arith.constant 1.000000e+00 : f32
    %jit3A_47 = arith.constant 0.000000e+00 : f32
    %broadcast_in_dim3A_48 = vector.broadcast %jit3A : f32 to vector<16xf32>
    %broadcast_in_dim3A_49 = vector.broadcast %jit3A_47 : f32 to vector<16xf32>
    %select_n3A = arith.select %gt3A, %broadcast_in_dim3A_48, %broadcast_in_dim3A_49 : vector<16xi1>, vector<16xf32>
    %add3A_50 = arith.addf %broadcast_in_dim3A_46, %select_n3A : vector<16xf32>
    %gt3A_51 = arith.cmpf ogt, %get3A_23, %get3A_9 : vector<16xf32>
    %jit3A_52 = arith.constant 1.000000e+00 : f32
    %jit3A_53 = arith.constant 0.000000e+00 : f32
    %broadcast_in_dim3A_54 = vector.broadcast %jit3A_52 : f32 to vector<16xf32>
    %broadcast_in_dim3A_55 = vector.broadcast %jit3A_53 : f32 to vector<16xf32>
    %select_n3A_56 = arith.select %gt3A_51, %broadcast_in_dim3A_54, %broadcast_in_dim3A_55 : vector<16xi1>, vector<16xf32>
    %add3A_57 = arith.addf %add3A_50, %select_n3A_56 : vector<16xf32>
    %gt3A_58 = arith.cmpf ogt, %get3A_30, %get3A_9 : vector<16xf32>
    %jit3A_59 = arith.constant 1.000000e+00 : f32
    %jit3A_60 = arith.constant 0.000000e+00 : f32
    %broadcast_in_dim3A_61 = vector.broadcast %jit3A_59 : f32 to vector<16xf32>
    %broadcast_in_dim3A_62 = vector.broadcast %jit3A_60 : f32 to vector<16xf32>
    %select_n3A_63 = arith.select %gt3A_58, %broadcast_in_dim3A_61, %broadcast_in_dim3A_62 : vector<16xi1>, vector<16xf32>
    %add3A_64 = arith.addf %add3A_57, %select_n3A_63 : vector<16xf32>
    %gt3A_65 = arith.cmpf ogt, %get3A_37, %get3A_9 : vector<16xf32>
    %jit3A_66 = arith.constant 1.000000e+00 : f32
    %jit3A_67 = arith.constant 0.000000e+00 : f32
    %broadcast_in_dim3A_68 = vector.broadcast %jit3A_66 : f32 to vector<16xf32>
    %broadcast_in_dim3A_69 = vector.broadcast %jit3A_67 : f32 to vector<16xf32>
    %select_n3A_70 = arith.select %gt3A_65, %broadcast_in_dim3A_68, %broadcast_in_dim3A_69 : vector<16xi1>, vector<16xf32>
    %add3A_71 = arith.addf %add3A_64, %select_n3A_70 : vector<16xf32>
    %gt3A_72 = arith.cmpf ogt, %get3A_44, %get3A_9 : vector<16xf32>
    %jit3A_73 = arith.constant 1.000000e+00 : f32
    %jit3A_74 = arith.constant 0.000000e+00 : f32
    %broadcast_in_dim3A_75 = vector.broadcast %jit3A_73 : f32 to vector<16xf32>
    %broadcast_in_dim3A_76 = vector.broadcast %jit3A_74 : f32 to vector<16xf32>
    %select_n3A_77 = arith.select %gt3A_72, %broadcast_in_dim3A_75, %broadcast_in_dim3A_76 : vector<16xi1>, vector<16xf32>
    %add3A_78 = arith.addf %add3A_71, %select_n3A_77 : vector<16xf32>
    %broadcast_in_dim3A_79 = arith.constant 0.000000e+00 : f32
    %broadcast_in_dim3A_80 = vector.broadcast %broadcast_in_dim3A_79 : f32 to vector<16xf32>
    %ge3A = arith.cmpf oge, %get3A_9, %get3A_16 : vector<16xf32>
    %jit3A_81 = arith.constant 1.000000e+00 : f32
    %jit3A_82 = arith.constant 0.000000e+00 : f32
    %broadcast_in_dim3A_83 = vector.broadcast %jit3A_81 : f32 to vector<16xf32>
    %broadcast_in_dim3A_84 = vector.broadcast %jit3A_82 : f32 to vector<16xf32>
    %select_n3A_85 = arith.select %ge3A, %broadcast_in_dim3A_83, %broadcast_in_dim3A_84 : vector<16xi1>, vector<16xf32>
    %add3A_86 = arith.addf %broadcast_in_dim3A_80, %select_n3A_85 : vector<16xf32>
    %gt3A_87 = arith.cmpf ogt, %get3A_23, %get3A_16 : vector<16xf32>
    %jit3A_88 = arith.constant 1.000000e+00 : f32
    %jit3A_89 = arith.constant 0.000000e+00 : f32
    %broadcast_in_dim3A_90 = vector.broadcast %jit3A_88 : f32 to vector<16xf32>
    %broadcast_in_dim3A_91 = vector.broadcast %jit3A_89 : f32 to vector<16xf32>
    %select_n3A_92 = arith.select %gt3A_87, %broadcast_in_dim3A_90, %broadcast_in_dim3A_91 : vector<16xi1>, vector<16xf32>
    %add3A_93 = arith.addf %add3A_86, %select_n3A_92 : vector<16xf32>
    %gt3A_94 = arith.cmpf ogt, %get3A_30, %get3A_16 : vector<16xf32>
    %jit3A_95 = arith.constant 1.000000e+00 : f32
    %jit3A_96 = arith.constant 0.000000e+00 : f32
    %broadcast_in_dim3A_97 = vector.broadcast %jit3A_95 : f32 to vector<16xf32>
    %broadcast_in_dim3A_98 = vector.broadcast %jit3A_96 : f32 to vector<16xf32>
    %select_n3A_99 = arith.select %gt3A_94, %broadcast_in_dim3A_97, %broadcast_in_dim3A_98 : vector<16xi1>, vector<16xf32>
    %add3A_100 = arith.addf %add3A_93, %select_n3A_99 : vector<16xf32>
    %gt3A_101 = arith.cmpf ogt, %get3A_37, %get3A_16 : vector<16xf32>
    %jit3A_102 = arith.constant 1.000000e+00 : f32
    %jit3A_103 = arith.constant 0.000000e+00 : f32
    %broadcast_in_dim3A_104 = vector.broadcast %jit3A_102 : f32 to vector<16xf32>
    %broadcast_in_dim3A_105 = vector.broadcast %jit3A_103 : f32 to vector<16xf32>
    %select_n3A_106 = arith.select %gt3A_101, %broadcast_in_dim3A_104, %broadcast_in_dim3A_105 : vector<16xi1>, vector<16xf32>
    %add3A_107 = arith.addf %add3A_100, %select_n3A_106 : vector<16xf32>
    %gt3A_108 = arith.cmpf ogt, %get3A_44, %get3A_16 : vector<16xf32>
    %jit3A_109 = arith.constant 1.000000e+00 : f32
    %jit3A_110 = arith.constant 0.000000e+00 : f32
    %broadcast_in_dim3A_111 = vector.broadcast %jit3A_109 : f32 to vector<16xf32>
    %broadcast_in_dim3A_112 = vector.broadcast %jit3A_110 : f32 to vector<16xf32>
    %select_n3A_113 = arith.select %gt3A_108, %broadcast_in_dim3A_111, %broadcast_in_dim3A_112 : vector<16xi1>, vector<16xf32>
    %add3A_114 = arith.addf %add3A_107, %select_n3A_113 : vector<16xf32>
    %broadcast_in_dim3A_115 = arith.constant 0.000000e+00 : f32
    %broadcast_in_dim3A_116 = vector.broadcast %broadcast_in_dim3A_115 : f32 to vector<16xf32>
    %ge3A_117 = arith.cmpf oge, %get3A_9, %get3A_23 : vector<16xf32>
    %jit3A_118 = arith.constant 1.000000e+00 : f32
    %jit3A_119 = arith.constant 0.000000e+00 : f32
    %broadcast_in_dim3A_120 = vector.broadcast %jit3A_118 : f32 to vector<16xf32>
    %broadcast_in_dim3A_121 = vector.broadcast %jit3A_119 : f32 to vector<16xf32>
    %select_n3A_122 = arith.select %ge3A_117, %broadcast_in_dim3A_120, %broadcast_in_dim3A_121 : vector<16xi1>, vector<16xf32>
    %add3A_123 = arith.addf %broadcast_in_dim3A_116, %select_n3A_122 : vector<16xf32>
    %ge3A_124 = arith.cmpf oge, %get3A_16, %get3A_23 : vector<16xf32>
    %jit3A_125 = arith.constant 1.000000e+00 : f32
    %jit3A_126 = arith.constant 0.000000e+00 : f32
    %broadcast_in_dim3A_127 = vector.broadcast %jit3A_125 : f32 to vector<16xf32>
    %broadcast_in_dim3A_128 = vector.broadcast %jit3A_126 : f32 to vector<16xf32>
    %select_n3A_129 = arith.select %ge3A_124, %broadcast_in_dim3A_127, %broadcast_in_dim3A_128 : vector<16xi1>, vector<16xf32>
    %add3A_130 = arith.addf %add3A_123, %select_n3A_129 : vector<16xf32>
    %gt3A_131 = arith.cmpf ogt, %get3A_30, %get3A_23 : vector<16xf32>
    %jit3A_132 = arith.constant 1.000000e+00 : f32
    %jit3A_133 = arith.constant 0.000000e+00 : f32
    %broadcast_in_dim3A_134 = vector.broadcast %jit3A_132 : f32 to vector<16xf32>
    %broadcast_in_dim3A_135 = vector.broadcast %jit3A_133 : f32 to vector<16xf32>
    %select_n3A_136 = arith.select %gt3A_131, %broadcast_in_dim3A_134, %broadcast_in_dim3A_135 : vector<16xi1>, vector<16xf32>
    %add3A_137 = arith.addf %add3A_130, %select_n3A_136 : vector<16xf32>
    %gt3A_138 = arith.cmpf ogt, %get3A_37, %get3A_23 : vector<16xf32>
    %jit3A_139 = arith.constant 1.000000e+00 : f32
    %jit3A_140 = arith.constant 0.000000e+00 : f32
    %broadcast_in_dim3A_141 = vector.broadcast %jit3A_139 : f32 to vector<16xf32>
    %broadcast_in_dim3A_142 = vector.broadcast %jit3A_140 : f32 to vector<16xf32>
    %select_n3A_143 = arith.select %gt3A_138, %broadcast_in_dim3A_141, %broadcast_in_dim3A_142 : vector<16xi1>, vector<16xf32>
    %add3A_144 = arith.addf %add3A_137, %select_n3A_143 : vector<16xf32>
    %gt3A_145 = arith.cmpf ogt, %get3A_44, %get3A_23 : vector<16xf32>
    %jit3A_146 = arith.constant 1.000000e+00 : f32
    %jit3A_147 = arith.constant 0.000000e+00 : f32
    %broadcast_in_dim3A_148 = vector.broadcast %jit3A_146 : f32 to vector<16xf32>
    %broadcast_in_dim3A_149 = vector.broadcast %jit3A_147 : f32 to vector<16xf32>
    %select_n3A_150 = arith.select %gt3A_145, %broadcast_in_dim3A_148, %broadcast_in_dim3A_149 : vector<16xi1>, vector<16xf32>
    %add3A_151 = arith.addf %add3A_144, %select_n3A_150 : vector<16xf32>
    %broadcast_in_dim3A_152 = arith.constant 0.000000e+00 : f32
    %broadcast_in_dim3A_153 = vector.broadcast %broadcast_in_dim3A_152 : f32 to vector<16xf32>
    %ge3A_154 = arith.cmpf oge, %get3A_9, %get3A_30 : vector<16xf32>
    %jit3A_155 = arith.constant 1.000000e+00 : f32
    %jit3A_156 = arith.constant 0.000000e+00 : f32
    %broadcast_in_dim3A_157 = vector.broadcast %jit3A_155 : f32 to vector<16xf32>
    %broadcast_in_dim3A_158 = vector.broadcast %jit3A_156 : f32 to vector<16xf32>
    %select_n3A_159 = arith.select %ge3A_154, %broadcast_in_dim3A_157, %broadcast_in_dim3A_158 : vector<16xi1>, vector<16xf32>
    %add3A_160 = arith.addf %broadcast_in_dim3A_153, %select_n3A_159 : vector<16xf32>
    %ge3A_161 = arith.cmpf oge, %get3A_16, %get3A_30 : vector<16xf32>
    %jit3A_162 = arith.constant 1.000000e+00 : f32
    %jit3A_163 = arith.constant 0.000000e+00 : f32
    %broadcast_in_dim3A_164 = vector.broadcast %jit3A_162 : f32 to vector<16xf32>
    %broadcast_in_dim3A_165 = vector.broadcast %jit3A_163 : f32 to vector<16xf32>
    %select_n3A_166 = arith.select %ge3A_161, %broadcast_in_dim3A_164, %broadcast_in_dim3A_165 : vector<16xi1>, vector<16xf32>
    %add3A_167 = arith.addf %add3A_160, %select_n3A_166 : vector<16xf32>
    %ge3A_168 = arith.cmpf oge, %get3A_23, %get3A_30 : vector<16xf32>
    %jit3A_169 = arith.constant 1.000000e+00 : f32
    %jit3A_170 = arith.constant 0.000000e+00 : f32
    %broadcast_in_dim3A_171 = vector.broadcast %jit3A_169 : f32 to vector<16xf32>
    %broadcast_in_dim3A_172 = vector.broadcast %jit3A_170 : f32 to vector<16xf32>
    %select_n3A_173 = arith.select %ge3A_168, %broadcast_in_dim3A_171, %broadcast_in_dim3A_172 : vector<16xi1>, vector<16xf32>
    %add3A_174 = arith.addf %add3A_167, %select_n3A_173 : vector<16xf32>
    %gt3A_175 = arith.cmpf ogt, %get3A_37, %get3A_30 : vector<16xf32>
    %jit3A_176 = arith.constant 1.000000e+00 : f32
    %jit3A_177 = arith.constant 0.000000e+00 : f32
    %broadcast_in_dim3A_178 = vector.broadcast %jit3A_176 : f32 to vector<16xf32>
    %broadcast_in_dim3A_179 = vector.broadcast %jit3A_177 : f32 to vector<16xf32>
    %select_n3A_180 = arith.select %gt3A_175, %broadcast_in_dim3A_178, %broadcast_in_dim3A_179 : vector<16xi1>, vector<16xf32>
    %add3A_181 = arith.addf %add3A_174, %select_n3A_180 : vector<16xf32>
    %gt3A_182 = arith.cmpf ogt, %get3A_44, %get3A_30 : vector<16xf32>
    %jit3A_183 = arith.constant 1.000000e+00 : f32
    %jit3A_184 = arith.constant 0.000000e+00 : f32
    %broadcast_in_dim3A_185 = vector.broadcast %jit3A_183 : f32 to vector<16xf32>
    %broadcast_in_dim3A_186 = vector.broadcast %jit3A_184 : f32 to vector<16xf32>
    %select_n3A_187 = arith.select %gt3A_182, %broadcast_in_dim3A_185, %broadcast_in_dim3A_186 : vector<16xi1>, vector<16xf32>
    %add3A_188 = arith.addf %add3A_181, %select_n3A_187 : vector<16xf32>
    %broadcast_in_dim3A_189 = arith.constant 0.000000e+00 : f32
    %broadcast_in_dim3A_190 = vector.broadcast %broadcast_in_dim3A_189 : f32 to vector<16xf32>
    %ge3A_191 = arith.cmpf oge, %get3A_9, %get3A_37 : vector<16xf32>
    %jit3A_192 = arith.constant 1.000000e+00 : f32
    %jit3A_193 = arith.constant 0.000000e+00 : f32
    %broadcast_in_dim3A_194 = vector.broadcast %jit3A_192 : f32 to vector<16xf32>
    %broadcast_in_dim3A_195 = vector.broadcast %jit3A_193 : f32 to vector<16xf32>
    %select_n3A_196 = arith.select %ge3A_191, %broadcast_in_dim3A_194, %broadcast_in_dim3A_195 : vector<16xi1>, vector<16xf32>
    %add3A_197 = arith.addf %broadcast_in_dim3A_190, %select_n3A_196 : vector<16xf32>
    %ge3A_198 = arith.cmpf oge, %get3A_16, %get3A_37 : vector<16xf32>
    %jit3A_199 = arith.constant 1.000000e+00 : f32
    %jit3A_200 = arith.constant 0.000000e+00 : f32
    %broadcast_in_dim3A_201 = vector.broadcast %jit3A_199 : f32 to vector<16xf32>
    %broadcast_in_dim3A_202 = vector.broadcast %jit3A_200 : f32 to vector<16xf32>
    %select_n3A_203 = arith.select %ge3A_198, %broadcast_in_dim3A_201, %broadcast_in_dim3A_202 : vector<16xi1>, vector<16xf32>
    %add3A_204 = arith.addf %add3A_197, %select_n3A_203 : vector<16xf32>
    %ge3A_205 = arith.cmpf oge, %get3A_23, %get3A_37 : vector<16xf32>
    %jit3A_206 = arith.constant 1.000000e+00 : f32
    %jit3A_207 = arith.constant 0.000000e+00 : f32
    %broadcast_in_dim3A_208 = vector.broadcast %jit3A_206 : f32 to vector<16xf32>
    %broadcast_in_dim3A_209 = vector.broadcast %jit3A_207 : f32 to vector<16xf32>
    %select_n3A_210 = arith.select %ge3A_205, %broadcast_in_dim3A_208, %broadcast_in_dim3A_209 : vector<16xi1>, vector<16xf32>
    %add3A_211 = arith.addf %add3A_204, %select_n3A_210 : vector<16xf32>
    %ge3A_212 = arith.cmpf oge, %get3A_30, %get3A_37 : vector<16xf32>
    %jit3A_213 = arith.constant 1.000000e+00 : f32
    %jit3A_214 = arith.constant 0.000000e+00 : f32
    %broadcast_in_dim3A_215 = vector.broadcast %jit3A_213 : f32 to vector<16xf32>
    %broadcast_in_dim3A_216 = vector.broadcast %jit3A_214 : f32 to vector<16xf32>
    %select_n3A_217 = arith.select %ge3A_212, %broadcast_in_dim3A_215, %broadcast_in_dim3A_216 : vector<16xi1>, vector<16xf32>
    %add3A_218 = arith.addf %add3A_211, %select_n3A_217 : vector<16xf32>
    %gt3A_219 = arith.cmpf ogt, %get3A_44, %get3A_37 : vector<16xf32>
    %jit3A_220 = arith.constant 1.000000e+00 : f32
    %jit3A_221 = arith.constant 0.000000e+00 : f32
    %broadcast_in_dim3A_222 = vector.broadcast %jit3A_220 : f32 to vector<16xf32>
    %broadcast_in_dim3A_223 = vector.broadcast %jit3A_221 : f32 to vector<16xf32>
    %select_n3A_224 = arith.select %gt3A_219, %broadcast_in_dim3A_222, %broadcast_in_dim3A_223 : vector<16xi1>, vector<16xf32>
    %add3A_225 = arith.addf %add3A_218, %select_n3A_224 : vector<16xf32>
    %broadcast_in_dim3A_226 = arith.constant 0.000000e+00 : f32
    %broadcast_in_dim3A_227 = vector.broadcast %broadcast_in_dim3A_226 : f32 to vector<16xf32>
    %ge3A_228 = arith.cmpf oge, %get3A_9, %get3A_44 : vector<16xf32>
    %jit3A_229 = arith.constant 1.000000e+00 : f32
    %jit3A_230 = arith.constant 0.000000e+00 : f32
    %broadcast_in_dim3A_231 = vector.broadcast %jit3A_229 : f32 to vector<16xf32>
    %broadcast_in_dim3A_232 = vector.broadcast %jit3A_230 : f32 to vector<16xf32>
    %select_n3A_233 = arith.select %ge3A_228, %broadcast_in_dim3A_231, %broadcast_in_dim3A_232 : vector<16xi1>, vector<16xf32>
    %add3A_234 = arith.addf %broadcast_in_dim3A_227, %select_n3A_233 : vector<16xf32>
    %ge3A_235 = arith.cmpf oge, %get3A_16, %get3A_44 : vector<16xf32>
    %jit3A_236 = arith.constant 1.000000e+00 : f32
    %jit3A_237 = arith.constant 0.000000e+00 : f32
    %broadcast_in_dim3A_238 = vector.broadcast %jit3A_236 : f32 to vector<16xf32>
    %broadcast_in_dim3A_239 = vector.broadcast %jit3A_237 : f32 to vector<16xf32>
    %select_n3A_240 = arith.select %ge3A_235, %broadcast_in_dim3A_238, %broadcast_in_dim3A_239 : vector<16xi1>, vector<16xf32>
    %add3A_241 = arith.addf %add3A_234, %select_n3A_240 : vector<16xf32>
    %ge3A_242 = arith.cmpf oge, %get3A_23, %get3A_44 : vector<16xf32>
    %jit3A_243 = arith.constant 1.000000e+00 : f32
    %jit3A_244 = arith.constant 0.000000e+00 : f32
    %broadcast_in_dim3A_245 = vector.broadcast %jit3A_243 : f32 to vector<16xf32>
    %broadcast_in_dim3A_246 = vector.broadcast %jit3A_244 : f32 to vector<16xf32>
    %select_n3A_247 = arith.select %ge3A_242, %broadcast_in_dim3A_245, %broadcast_in_dim3A_246 : vector<16xi1>, vector<16xf32>
    %add3A_248 = arith.addf %add3A_241, %select_n3A_247 : vector<16xf32>
    %ge3A_249 = arith.cmpf oge, %get3A_30, %get3A_44 : vector<16xf32>
    %jit3A_250 = arith.constant 1.000000e+00 : f32
    %jit3A_251 = arith.constant 0.000000e+00 : f32
    %broadcast_in_dim3A_252 = vector.broadcast %jit3A_250 : f32 to vector<16xf32>
    %broadcast_in_dim3A_253 = vector.broadcast %jit3A_251 : f32 to vector<16xf32>
    %select_n3A_254 = arith.select %ge3A_249, %broadcast_in_dim3A_252, %broadcast_in_dim3A_253 : vector<16xi1>, vector<16xf32>
    %add3A_255 = arith.addf %add3A_248, %select_n3A_254 : vector<16xf32>
    %ge3A_256 = arith.cmpf oge, %get3A_37, %get3A_44 : vector<16xf32>
    %jit3A_257 = arith.constant 1.000000e+00 : f32
    %jit3A_258 = arith.constant 0.000000e+00 : f32
    %broadcast_in_dim3A_259 = vector.broadcast %jit3A_257 : f32 to vector<16xf32>
    %broadcast_in_dim3A_260 = vector.broadcast %jit3A_258 : f32 to vector<16xf32>
    %select_n3A_261 = arith.select %ge3A_256, %broadcast_in_dim3A_259, %broadcast_in_dim3A_260 : vector<16xi1>, vector<16xf32>
    %add3A_262 = arith.addf %add3A_255, %select_n3A_261 : vector<16xf32>
    %max3A = arith.maximumf %get3A_9, %get3A_16 : vector<16xf32>
    %max3A_263 = arith.maximumf %max3A, %get3A_23 : vector<16xf32>
    %max3A_264 = arith.maximumf %max3A_263, %get3A_30 : vector<16xf32>
    %max3A_265 = arith.maximumf %max3A_264, %get3A_37 : vector<16xf32>
    %max3A_266 = arith.maximumf %max3A_265, %get3A_44 : vector<16xf32>
    %lt3A = arith.constant 4.000000e+00 : f32
    %lt3A_267 = vector.broadcast %lt3A : f32 to vector<16xf32>
    %lt3A_268 = arith.cmpf olt, %add3A_78, %lt3A_267 : vector<16xf32>
    %sub3A = arith.subf %get3A_9, %max3A_266 : vector<16xf32>
    %exp3A = math.exp %sub3A : vector<16xf32>
    %jit3A_269 = arith.constant 0.000000e+00 : f32
    %broadcast_in_dim3A_270 = vector.broadcast %jit3A_269 : f32 to vector<16xf32>
    %select_n3A_271 = arith.select %lt3A_268, %exp3A, %broadcast_in_dim3A_270 : vector<16xi1>, vector<16xf32>
    %lt3A_272 = arith.constant 4.000000e+00 : f32
    %lt3A_273 = vector.broadcast %lt3A_272 : f32 to vector<16xf32>
    %lt3A_274 = arith.cmpf olt, %add3A_114, %lt3A_273 : vector<16xf32>
    %sub3A_275 = arith.subf %get3A_16, %max3A_266 : vector<16xf32>
    %exp3A_276 = math.exp %sub3A_275 : vector<16xf32>
    %jit3A_277 = arith.constant 0.000000e+00 : f32
    %broadcast_in_dim3A_278 = vector.broadcast %jit3A_277 : f32 to vector<16xf32>
    %select_n3A_279 = arith.select %lt3A_274, %exp3A_276, %broadcast_in_dim3A_278 : vector<16xi1>, vector<16xf32>
    %lt3A_280 = arith.constant 4.000000e+00 : f32
    %lt3A_281 = vector.broadcast %lt3A_280 : f32 to vector<16xf32>
    %lt3A_282 = arith.cmpf olt, %add3A_151, %lt3A_281 : vector<16xf32>
    %sub3A_283 = arith.subf %get3A_23, %max3A_266 : vector<16xf32>
    %exp3A_284 = math.exp %sub3A_283 : vector<16xf32>
    %jit3A_285 = arith.constant 0.000000e+00 : f32
    %broadcast_in_dim3A_286 = vector.broadcast %jit3A_285 : f32 to vector<16xf32>
    %select_n3A_287 = arith.select %lt3A_282, %exp3A_284, %broadcast_in_dim3A_286 : vector<16xi1>, vector<16xf32>
    %lt3A_288 = arith.constant 4.000000e+00 : f32
    %lt3A_289 = vector.broadcast %lt3A_288 : f32 to vector<16xf32>
    %lt3A_290 = arith.cmpf olt, %add3A_188, %lt3A_289 : vector<16xf32>
    %sub3A_291 = arith.subf %get3A_30, %max3A_266 : vector<16xf32>
    %exp3A_292 = math.exp %sub3A_291 : vector<16xf32>
    %jit3A_293 = arith.constant 0.000000e+00 : f32
    %broadcast_in_dim3A_294 = vector.broadcast %jit3A_293 : f32 to vector<16xf32>
    %select_n3A_295 = arith.select %lt3A_290, %exp3A_292, %broadcast_in_dim3A_294 : vector<16xi1>, vector<16xf32>
    %lt3A_296 = arith.constant 4.000000e+00 : f32
    %lt3A_297 = vector.broadcast %lt3A_296 : f32 to vector<16xf32>
    %lt3A_298 = arith.cmpf olt, %add3A_225, %lt3A_297 : vector<16xf32>
    %sub3A_299 = arith.subf %get3A_37, %max3A_266 : vector<16xf32>
    %exp3A_300 = math.exp %sub3A_299 : vector<16xf32>
    %jit3A_301 = arith.constant 0.000000e+00 : f32
    %broadcast_in_dim3A_302 = vector.broadcast %jit3A_301 : f32 to vector<16xf32>
    %select_n3A_303 = arith.select %lt3A_298, %exp3A_300, %broadcast_in_dim3A_302 : vector<16xi1>, vector<16xf32>
    %lt3A_304 = arith.constant 4.000000e+00 : f32
    %lt3A_305 = vector.broadcast %lt3A_304 : f32 to vector<16xf32>
    %lt3A_306 = arith.cmpf olt, %add3A_262, %lt3A_305 : vector<16xf32>
    %sub3A_307 = arith.subf %get3A_44, %max3A_266 : vector<16xf32>
    %exp3A_308 = math.exp %sub3A_307 : vector<16xf32>
    %jit3A_309 = arith.constant 0.000000e+00 : f32
    %broadcast_in_dim3A_310 = vector.broadcast %jit3A_309 : f32 to vector<16xf32>
    %select_n3A_311 = arith.select %lt3A_306, %exp3A_308, %broadcast_in_dim3A_310 : vector<16xi1>, vector<16xf32>
    %add3A_312 = arith.addf %select_n3A_271, %select_n3A_279 : vector<16xf32>
    %add3A_313 = arith.addf %add3A_312, %select_n3A_287 : vector<16xf32>
    %add3A_314 = arith.addf %add3A_313, %select_n3A_295 : vector<16xf32>
    %add3A_315 = arith.addf %add3A_314, %select_n3A_303 : vector<16xf32>
    %add3A_316 = arith.addf %add3A_315, %select_n3A_311 : vector<16xf32>
    %div3A = arith.constant 1.000000e+00 : f32
    %div3A_317 = vector.broadcast %div3A : f32 to vector<16xf32>
    %div3A_318 = arith.divf %div3A_317, %add3A_316 : vector<16xf32>
    %mul3A_319 = arith.mulf %select_n3A_271, %div3A_318 : vector<16xf32>
    %swap3A = arith.constant 0 : index
    %swap3A_320 = tpu.vector_load %arg5[%swap3A] {strides = array<i32>} : memref<512xf32, #tpu.memory_space<vmem>>, vector<16xf32>,
    %swap3A_321 = vector.shape_cast %swap3A_320 : vector<16xf32> to vector<16xf32>
    %swap3A_322 = vector.shape_cast %mul3A_319 : vector<16xf32> to vector<16xf32>
    tpu.vector_store %arg5[%swap3A], %swap3A_322 {strides = array<i32>} : memref<512xf32, #tpu.memory_space<vmem>>, vector<16xf32>,
    %mul3A_323 = arith.mulf %select_n3A_279, %div3A_318 : vector<16xf32>
    %swap3A_324 = arith.constant 64 : index
    %swap3A_325 = tpu.vector_load %arg5[%swap3A_324] {strides = array<i32>} : memref<512xf32, #tpu.memory_space<vmem>>, vector<16xf32>,
    %swap3A_326 = vector.shape_cast %swap3A_325 : vector<16xf32> to vector<16xf32>
    %swap3A_327 = vector.shape_cast %mul3A_323 : vector<16xf32> to vector<16xf32>
    tpu.vector_store %arg5[%swap3A_324], %swap3A_327 {strides = array<i32>} : memref<512xf32, #tpu.memory_space<vmem>>, vector<16xf32>,
    %mul3A_328 = arith.mulf %select_n3A_287, %div3A_318 : vector<16xf32>
    %swap3A_329 = arith.constant 128 : index
    %swap3A_330 = tpu.vector_load %arg5[%swap3A_329] {strides = array<i32>} : memref<512xf32, #tpu.memory_space<vmem>>, vector<16xf32>,
    %swap3A_331 = vector.shape_cast %swap3A_330 : vector<16xf32> to vector<16xf32>
    %swap3A_332 = vector.shape_cast %mul3A_328 : vector<16xf32> to vector<16xf32>
    tpu.vector_store %arg5[%swap3A_329], %swap3A_332 {strides = array<i32>} : memref<512xf32, #tpu.memory_space<vmem>>, vector<16xf32>,
    %mul3A_333 = arith.mulf %select_n3A_295, %div3A_318 : vector<16xf32>
    %swap3A_334 = arith.constant 192 : index
    %swap3A_335 = tpu.vector_load %arg5[%swap3A_334] {strides = array<i32>} : memref<512xf32, #tpu.memory_space<vmem>>, vector<16xf32>,
    %swap3A_336 = vector.shape_cast %swap3A_335 : vector<16xf32> to vector<16xf32>
    %swap3A_337 = vector.shape_cast %mul3A_333 : vector<16xf32> to vector<16xf32>
    tpu.vector_store %arg5[%swap3A_334], %swap3A_337 {strides = array<i32>} : memref<512xf32, #tpu.memory_space<vmem>>, vector<16xf32>,
    %mul3A_338 = arith.mulf %select_n3A_303, %div3A_318 : vector<16xf32>
    %swap3A_339 = arith.constant 256 : index
    %swap3A_340 = tpu.vector_load %arg5[%swap3A_339] {strides = array<i32>} : memref<512xf32, #tpu.memory_space<vmem>>, vector<16xf32>,
    %swap3A_341 = vector.shape_cast %swap3A_340 : vector<16xf32> to vector<16xf32>
    %swap3A_342 = vector.shape_cast %mul3A_338 : vector<16xf32> to vector<16xf32>
    tpu.vector_store %arg5[%swap3A_339], %swap3A_342 {strides = array<i32>} : memref<512xf32, #tpu.memory_space<vmem>>, vector<16xf32>,
    %mul3A_343 = arith.mulf %select_n3A_311, %div3A_318 : vector<16xf32>
    %swap3A_344 = arith.constant 320 : index
    %swap3A_345 = tpu.vector_load %arg5[%swap3A_344] {strides = array<i32>} : memref<512xf32, #tpu.memory_space<vmem>>, vector<16xf32>,
    %swap3A_346 = vector.shape_cast %swap3A_345 : vector<16xf32> to vector<16xf32>
    %swap3A_347 = vector.shape_cast %mul3A_343 : vector<16xf32> to vector<16xf32>
    tpu.vector_store %arg5[%swap3A_344], %swap3A_347 {strides = array<i32>} : memref<512xf32, #tpu.memory_space<vmem>>, vector<16xf32>,
    %swap3A_348 = arith.constant 384 : index
    %swap3A_349 = tpu.vector_load %arg5[%swap3A_348] {strides = array<i32>} : memref<512xf32, #tpu.memory_space<vmem>>, vector<16xf32>,
    %swap3A_350 = vector.shape_cast %swap3A_349 : vector<16xf32> to vector<16xf32>
    %swap3A_351 = vector.shape_cast %broadcast_in_dim3A_3 : vector<16xf32> to vector<16xf32>
    tpu.vector_store %arg5[%swap3A_348], %swap3A_351 {strides = array<i32>} : memref<512xf32, #tpu.memory_space<vmem>>, vector<16xf32>,
    %swap3A_352 = arith.constant 448 : index
    %swap3A_353 = tpu.vector_load %arg5[%swap3A_352] {strides = array<i32>} : memref<512xf32, #tpu.memory_space<vmem>>, vector<16xf32>,
    %swap3A_354 = vector.shape_cast %swap3A_353 : vector<16xf32> to vector<16xf32>
    %swap3A_355 = vector.shape_cast %broadcast_in_dim3A_3 : vector<16xf32> to vector<16xf32>
    tpu.vector_store %arg5[%swap3A_352], %swap3A_355 {strides = array<i32>} : memref<512xf32, #tpu.memory_space<vmem>>, vector<16xf32>,
    %add3A_356 = arith.constant 0 : i32
    %add3A_357 = arith.addi %add3A_356, %mul3A_2 : i32
    %add3A_358 = arith.constant 16 : i32
    %add3A_359 = arith.addi %add3A_357, %add3A_358 : i32
    %get3A_360 = arith.index_cast %add3A_359 : i32 to index
    %get3A_361 = tpu.vector_load %arg4[%get3A_360] {strides = array<i32>} : memref<16384xf32, #tpu.memory_space<vmem>>, vector<16xf32>,
    %get3A_362 = vector.shape_cast %get3A_361 : vector<16xf32> to vector<16xf32>
    %add3A_363 = arith.constant 2048 : i32
    %add3A_364 = arith.addi %add3A_363, %mul3A_2 : i32
    %add3A_365 = arith.constant 16 : i32
    %add3A_366 = arith.addi %add3A_364, %add3A_365 : i32
    %get3A_367 = arith.index_cast %add3A_366 : i32 to index
    %get3A_368 = tpu.vector_load %arg4[%get3A_367] {strides = array<i32>} : memref<16384xf32, #tpu.memory_space<vmem>>, vector<16xf32>,
    %get3A_369 = vector.shape_cast %get3A_368 : vector<16xf32> to vector<16xf32>
    %add3A_370 = arith.constant 4096 : i32
    %add3A_371 = arith.addi %add3A_370, %mul3A_2 : i32
    %add3A_372 = arith.constant 16 : i32
    %add3A_373 = arith.addi %add3A_371, %add3A_372 : i32
    %get3A_374 = arith.index_cast %add3A_373 : i32 to index
    %get3A_375 = tpu.vector_load %arg4[%get3A_374] {strides = array<i32>} : memref<16384xf32, #tpu.memory_space<vmem>>, vector<16xf32>,
    %get3A_376 = vector.shape_cast %get3A_375 : vector<16xf32> to vector<16xf32>
    %add3A_377 = arith.constant 6144 : i32
    %add3A_378 = arith.addi %add3A_377, %mul3A_2 : i32
    %add3A_379 = arith.constant 16 : i32
    %add3A_380 = arith.addi %add3A_378, %add3A_379 : i32
    %get3A_381 = arith.index_cast %add3A_380 : i32 to index
    %get3A_382 = tpu.vector_load %arg4[%get3A_381] {strides = array<i32>} : memref<16384xf32, #tpu.memory_space<vmem>>, vector<16xf32>,
    %get3A_383 = vector.shape_cast %get3A_382 : vector<16xf32> to vector<16xf32>
    %add3A_384 = arith.constant 8192 : i32
    %add3A_385 = arith.addi %add3A_384, %mul3A_2 : i32
    %add3A_386 = arith.constant 16 : i32
    %add3A_387 = arith.addi %add3A_385, %add3A_386 : i32
    %get3A_388 = arith.index_cast %add3A_387 : i32 to index
    %get3A_389 = tpu.vector_load %arg4[%get3A_388] {strides = array<i32>} : memref<16384xf32, #tpu.memory_space<vmem>>, vector<16xf32>,
    %get3A_390 = vector.shape_cast %get3A_389 : vector<16xf32> to vector<16xf32>
    %add3A_391 = arith.constant 10240 : i32
    %add3A_392 = arith.addi %add3A_391, %mul3A_2 : i32
    %add3A_393 = arith.constant 16 : i32
    %add3A_394 = arith.addi %add3A_392, %add3A_393 : i32
    %get3A_395 = arith.index_cast %add3A_394 : i32 to index
    %get3A_396 = tpu.vector_load %arg4[%get3A_395] {strides = array<i32>} : memref<16384xf32, #tpu.memory_space<vmem>>, vector<16xf32>,
    %get3A_397 = vector.shape_cast %get3A_396 : vector<16xf32> to vector<16xf32>
    %broadcast_in_dim3A_398 = arith.constant 0.000000e+00 : f32
    %broadcast_in_dim3A_399 = vector.broadcast %broadcast_in_dim3A_398 : f32 to vector<16xf32>
    %gt3A_400 = arith.cmpf ogt, %get3A_369, %get3A_362 : vector<16xf32>
    %jit3A_401 = arith.constant 1.000000e+00 : f32
    %jit3A_402 = arith.constant 0.000000e+00 : f32
    %broadcast_in_dim3A_403 = vector.broadcast %jit3A_401 : f32 to vector<16xf32>
    %broadcast_in_dim3A_404 = vector.broadcast %jit3A_402 : f32 to vector<16xf32>
    %select_n3A_405 = arith.select %gt3A_400, %broadcast_in_dim3A_403, %broadcast_in_dim3A_404 : vector<16xi1>, vector<16xf32>
    %add3A_406 = arith.addf %broadcast_in_dim3A_399, %select_n3A_405 : vector<16xf32>
    %gt3A_407 = arith.cmpf ogt, %get3A_376, %get3A_362 : vector<16xf32>
    %jit3A_408 = arith.constant 1.000000e+00 : f32
    %jit3A_409 = arith.constant 0.000000e+00 : f32
    %broadcast_in_dim3A_410 = vector.broadcast %jit3A_408 : f32 to vector<16xf32>
    %broadcast_in_dim3A_411 = vector.broadcast %jit3A_409 : f32 to vector<16xf32>
    %select_n3A_412 = arith.select %gt3A_407, %broadcast_in_dim3A_410, %broadcast_in_dim3A_411 : vector<16xi1>, vector<16xf32>
    %add3A_413 = arith.addf %add3A_406, %select_n3A_412 : vector<16xf32>
    %gt3A_414 = arith.cmpf ogt, %get3A_383, %get3A_362 : vector<16xf32>
    %jit3A_415 = arith.constant 1.000000e+00 : f32
    %jit3A_416 = arith.constant 0.000000e+00 : f32
    %broadcast_in_dim3A_417 = vector.broadcast %jit3A_415 : f32 to vector<16xf32>
    %broadcast_in_dim3A_418 = vector.broadcast %jit3A_416 : f32 to vector<16xf32>
    %select_n3A_419 = arith.select %gt3A_414, %broadcast_in_dim3A_417, %broadcast_in_dim3A_418 : vector<16xi1>, vector<16xf32>
    %add3A_420 = arith.addf %add3A_413, %select_n3A_419 : vector<16xf32>
    %gt3A_421 = arith.cmpf ogt, %get3A_390, %get3A_362 : vector<16xf32>
    %jit3A_422 = arith.constant 1.000000e+00 : f32
    %jit3A_423 = arith.constant 0.000000e+00 : f32
    %broadcast_in_dim3A_424 = vector.broadcast %jit3A_422 : f32 to vector<16xf32>
    %broadcast_in_dim3A_425 = vector.broadcast %jit3A_423 : f32 to vector<16xf32>
    %select_n3A_426 = arith.select %gt3A_421, %broadcast_in_dim3A_424, %broadcast_in_dim3A_425 : vector<16xi1>, vector<16xf32>
    %add3A_427 = arith.addf %add3A_420, %select_n3A_426 : vector<16xf32>
    %gt3A_428 = arith.cmpf ogt, %get3A_397, %get3A_362 : vector<16xf32>
    %jit3A_429 = arith.constant 1.000000e+00 : f32
    %jit3A_430 = arith.constant 0.000000e+00 : f32
    %broadcast_in_dim3A_431 = vector.broadcast %jit3A_429 : f32 to vector<16xf32>
    %broadcast_in_dim3A_432 = vector.broadcast %jit3A_430 : f32 to vector<16xf32>
    %select_n3A_433 = arith.select %gt3A_428, %broadcast_in_dim3A_431, %broadcast_in_dim3A_432 : vector<16xi1>, vector<16xf32>
    %add3A_434 = arith.addf %add3A_427, %select_n3A_433 : vector<16xf32>
    %broadcast_in_dim3A_435 = arith.constant 0.000000e+00 : f32
    %broadcast_in_dim3A_436 = vector.broadcast %broadcast_in_dim3A_435 : f32 to vector<16xf32>
    %ge3A_437 = arith.cmpf oge, %get3A_362, %get3A_369 : vector<16xf32>
    %jit3A_438 = arith.constant 1.000000e+00 : f32
    %jit3A_439 = arith.constant 0.000000e+00 : f32
    %broadcast_in_dim3A_440 = vector.broadcast %jit3A_438 : f32 to vector<16xf32>
    %broadcast_in_dim3A_441 = vector.broadcast %jit3A_439 : f32 to vector<16xf32>
    %select_n3A_442 = arith.select %ge3A_437, %broadcast_in_dim3A_440, %broadcast_in_dim3A_441 : vector<16xi1>, vector<16xf32>
    %add3A_443 = arith.addf %broadcast_in_dim3A_436, %select_n3A_442 : vector<16xf32>
    %gt3A_444 = arith.cmpf ogt, %get3A_376, %get3A_369 : vector<16xf32>
    %jit3A_445 = arith.constant 1.000000e+00 : f32
    %jit3A_446 = arith.constant 0.000000e+00 : f32
    %broadcast_in_dim3A_447 = vector.broadcast %jit3A_445 : f32 to vector<16xf32>
    %broadcast_in_dim3A_448 = vector.broadcast %jit3A_446 : f32 to vector<16xf32>
    %select_n3A_449 = arith.select %gt3A_444, %broadcast_in_dim3A_447, %broadcast_in_dim3A_448 : vector<16xi1>, vector<16xf32>
    %add3A_450 = arith.addf %add3A_443, %select_n3A_449 : vector<16xf32>
    %gt3A_451 = arith.cmpf ogt, %get3A_383, %get3A_369 : vector<16xf32>
    %jit3A_452 = arith.constant 1.000000e+00 : f32
    %jit3A_453 = arith.constant 0.000000e+00 : f32
    %broadcast_in_dim3A_454 = vector.broadcast %jit3A_452 : f32 to vector<16xf32>
    %broadcast_in_dim3A_455 = vector.broadcast %jit3A_453 : f32 to vector<16xf32>
    %select_n3A_456 = arith.select %gt3A_451, %broadcast_in_dim3A_454, %broadcast_in_dim3A_455 : vector<16xi1>, vector<16xf32>
    %add3A_457 = arith.addf %add3A_450, %select_n3A_456 : vector<16xf32>
    %gt3A_458 = arith.cmpf ogt, %get3A_390, %get3A_369 : vector<16xf32>
    %jit3A_459 = arith.constant 1.000000e+00 : f32
    %jit3A_460 = arith.constant 0.000000e+00 : f32
    %broadcast_in_dim3A_461 = vector.broadcast %jit3A_459 : f32 to vector<16xf32>
    %broadcast_in_dim3A_462 = vector.broadcast %jit3A_460 : f32 to vector<16xf32>
    %select_n3A_463 = arith.select %gt3A_458, %broadcast_in_dim3A_461, %broadcast_in_dim3A_462 : vector<16xi1>, vector<16xf32>
    %add3A_464 = arith.addf %add3A_457, %select_n3A_463 : vector<16xf32>
    %gt3A_465 = arith.cmpf ogt, %get3A_397, %get3A_369 : vector<16xf32>
    %jit3A_466 = arith.constant 1.000000e+00 : f32
    %jit3A_467 = arith.constant 0.000000e+00 : f32
    %broadcast_in_dim3A_468 = vector.broadcast %jit3A_466 : f32 to vector<16xf32>
    %broadcast_in_dim3A_469 = vector.broadcast %jit3A_467 : f32 to vector<16xf32>
    %select_n3A_470 = arith.select %gt3A_465, %broadcast_in_dim3A_468, %broadcast_in_dim3A_469 : vector<16xi1>, vector<16xf32>
    %add3A_471 = arith.addf %add3A_464, %select_n3A_470 : vector<16xf32>
    %broadcast_in_dim3A_472 = arith.constant 0.000000e+00 : f32
    %broadcast_in_dim3A_473 = vector.broadcast %broadcast_in_dim3A_472 : f32 to vector<16xf32>
    %ge3A_474 = arith.cmpf oge, %get3A_362, %get3A_376 : vector<16xf32>
    %jit3A_475 = arith.constant 1.000000e+00 : f32
    %jit3A_476 = arith.constant 0.000000e+00 : f32
    %broadcast_in_dim3A_477 = vector.broadcast %jit3A_475 : f32 to vector<16xf32>
    %broadcast_in_dim3A_478 = vector.broadcast %jit3A_476 : f32 to vector<16xf32>
    %select_n3A_479 = arith.select %ge3A_474, %broadcast_in_dim3A_477, %broadcast_in_dim3A_478 : vector<16xi1>, vector<16xf32>
    %add3A_480 = arith.addf %broadcast_in_dim3A_473, %select_n3A_479 : vector<16xf32>
    %ge3A_481 = arith.cmpf oge, %get3A_369, %get3A_376 : vector<16xf32>
    %jit3A_482 = arith.constant 1.000000e+00 : f32
    %jit3A_483 = arith.constant 0.000000e+00 : f32
    %broadcast_in_dim3A_484 = vector.broadcast %jit3A_482 : f32 to vector<16xf32>
    %broadcast_in_dim3A_485 = vector.broadcast %jit3A_483 : f32 to vector<16xf32>
    %select_n3A_486 = arith.select %ge3A_481, %broadcast_in_dim3A_484, %broadcast_in_dim3A_485 : vector<16xi1>, vector<16xf32>
    %add3A_487 = arith.addf %add3A_480, %select_n3A_486 : vector<16xf32>
    %gt3A_488 = arith.cmpf ogt, %get3A_383, %get3A_376 : vector<16xf32>
    %jit3A_489 = arith.constant 1.000000e+00 : f32
    %jit3A_490 = arith.constant 0.000000e+00 : f32
    %broadcast_in_dim3A_491 = vector.broadcast %jit3A_489 : f32 to vector<16xf32>
    %broadcast_in_dim3A_492 = vector.broadcast %jit3A_490 : f32 to vector<16xf32>
    %select_n3A_493 = arith.select %gt3A_488, %broadcast_in_dim3A_491, %broadcast_in_dim3A_492 : vector<16xi1>, vector<16xf32>
    %add3A_494 = arith.addf %add3A_487, %select_n3A_493 : vector<16xf32>
    %gt3A_495 = arith.cmpf ogt, %get3A_390, %get3A_376 : vector<16xf32>
    %jit3A_496 = arith.constant 1.000000e+00 : f32
    %jit3A_497 = arith.constant 0.000000e+00 : f32
    %broadcast_in_dim3A_498 = vector.broadcast %jit3A_496 : f32 to vector<16xf32>
    %broadcast_in_dim3A_499 = vector.broadcast %jit3A_497 : f32 to vector<16xf32>
    %select_n3A_500 = arith.select %gt3A_495, %broadcast_in_dim3A_498, %broadcast_in_dim3A_499 : vector<16xi1>, vector<16xf32>
    %add3A_501 = arith.addf %add3A_494, %select_n3A_500 : vector<16xf32>
    %gt3A_502 = arith.cmpf ogt, %get3A_397, %get3A_376 : vector<16xf32>
    %jit3A_503 = arith.constant 1.000000e+00 : f32
    %jit3A_504 = arith.constant 0.000000e+00 : f32
    %broadcast_in_dim3A_505 = vector.broadcast %jit3A_503 : f32 to vector<16xf32>
    %broadcast_in_dim3A_506 = vector.broadcast %jit3A_504 : f32 to vector<16xf32>
    %select_n3A_507 = arith.select %gt3A_502, %broadcast_in_dim3A_505, %broadcast_in_dim3A_506 : vector<16xi1>, vector<16xf32>
    %add3A_508 = arith.addf %add3A_501, %select_n3A_507 : vector<16xf32>
    %broadcast_in_dim3A_509 = arith.constant 0.000000e+00 : f32
    %broadcast_in_dim3A_510 = vector.broadcast %broadcast_in_dim3A_509 : f32 to vector<16xf32>
    %ge3A_511 = arith.cmpf oge, %get3A_362, %get3A_383 : vector<16xf32>
    %jit3A_512 = arith.constant 1.000000e+00 : f32
    %jit3A_513 = arith.constant 0.000000e+00 : f32
    %broadcast_in_dim3A_514 = vector.broadcast %jit3A_512 : f32 to vector<16xf32>
    %broadcast_in_dim3A_515 = vector.broadcast %jit3A_513 : f32 to vector<16xf32>
    %select_n3A_516 = arith.select %ge3A_511, %broadcast_in_dim3A_514, %broadcast_in_dim3A_515 : vector<16xi1>, vector<16xf32>
    %add3A_517 = arith.addf %broadcast_in_dim3A_510, %select_n3A_516 : vector<16xf32>
    %ge3A_518 = arith.cmpf oge, %get3A_369, %get3A_383 : vector<16xf32>
    %jit3A_519 = arith.constant 1.000000e+00 : f32
    %jit3A_520 = arith.constant 0.000000e+00 : f32
    %broadcast_in_dim3A_521 = vector.broadcast %jit3A_519 : f32 to vector<16xf32>
    %broadcast_in_dim3A_522 = vector.broadcast %jit3A_520 : f32 to vector<16xf32>
    %select_n3A_523 = arith.select %ge3A_518, %broadcast_in_dim3A_521, %broadcast_in_dim3A_522 : vector<16xi1>, vector<16xf32>
    %add3A_524 = arith.addf %add3A_517, %select_n3A_523 : vector<16xf32>
    %ge3A_525 = arith.cmpf oge, %get3A_376, %get3A_383 : vector<16xf32>
    %jit3A_526 = arith.constant 1.000000e+00 : f32
    %jit3A_527 = arith.constant 0.000000e+00 : f32
    %broadcast_in_dim3A_528 = vector.broadcast %jit3A_526 : f32 to vector<16xf32>
    %broadcast_in_dim3A_529 = vector.broadcast %jit3A_527 : f32 to vector<16xf32>
    %select_n3A_530 = arith.select %ge3A_525, %broadcast_in_dim3A_528, %broadcast_in_dim3A_529 : vector<16xi1>, vector<16xf32>
    %add3A_531 = arith.addf %add3A_524, %select_n3A_530 : vector<16xf32>
    %gt3A_532 = arith.cmpf ogt, %get3A_390, %get3A_383 : vector<16xf32>
    %jit3A_533 = arith.constant 1.000000e+00 : f32
    %jit3A_534 = arith.constant 0.000000e+00 : f32
    %broadcast_in_dim3A_535 = vector.broadcast %jit3A_533 : f32 to vector<16xf32>
    %broadcast_in_dim3A_536 = vector.broadcast %jit3A_534 : f32 to vector<16xf32>
    %select_n3A_537 = arith.select %gt3A_532, %broadcast_in_dim3A_535, %broadcast_in_dim3A_536 : vector<16xi1>, vector<16xf32>
    %add3A_538 = arith.addf %add3A_531, %select_n3A_537 : vector<16xf32>
    %gt3A_539 = arith.cmpf ogt, %get3A_397, %get3A_383 : vector<16xf32>
    %jit3A_540 = arith.constant 1.000000e+00 : f32
    %jit3A_541 = arith.constant 0.000000e+00 : f32
    %broadcast_in_dim3A_542 = vector.broadcast %jit3A_540 : f32 to vector<16xf32>
    %broadcast_in_dim3A_543 = vector.broadcast %jit3A_541 : f32 to vector<16xf32>
    %select_n3A_544 = arith.select %gt3A_539, %broadcast_in_dim3A_542, %broadcast_in_dim3A_543 : vector<16xi1>, vector<16xf32>
    %add3A_545 = arith.addf %add3A_538, %select_n3A_544 : vector<16xf32>
    %broadcast_in_dim3A_546 = arith.constant 0.000000e+00 : f32
    %broadcast_in_dim3A_547 = vector.broadcast %broadcast_in_dim3A_546 : f32 to vector<16xf32>
    %ge3A_548 = arith.cmpf oge, %get3A_362, %get3A_390 : vector<16xf32>
    %jit3A_549 = arith.constant 1.000000e+00 : f32
    %jit3A_550 = arith.constant 0.000000e+00 : f32
    %broadcast_in_dim3A_551 = vector.broadcast %jit3A_549 : f32 to vector<16xf32>
    %broadcast_in_dim3A_552 = vector.broadcast %jit3A_550 : f32 to vector<16xf32>
    %select_n3A_553 = arith.select %ge3A_548, %broadcast_in_dim3A_551, %broadcast_in_dim3A_552 : vector<16xi1>, vector<16xf32>
    %add3A_554 = arith.addf %broadcast_in_dim3A_547, %select_n3A_553 : vector<16xf32>
    %ge3A_555 = arith.cmpf oge, %get3A_369, %get3A_390 : vector<16xf32>
    %jit3A_556 = arith.constant 1.000000e+00 : f32
    %jit3A_557 = arith.constant 0.000000e+00 : f32
    %broadcast_in_dim3A_558 = vector.broadcast %jit3A_556 : f32 to vector<16xf32>
    %broadcast_in_dim3A_559 = vector.broadcast %jit3A_557 : f32 to vector<16xf32>
    %select_n3A_560 = arith.select %ge3A_555, %broadcast_in_dim3A_558, %broadcast_in_dim3A_559 : vector<16xi1>, vector<16xf32>
    %add3A_561 = arith.addf %add3A_554, %select_n3A_560 : vector<16xf32>
    %ge3A_562 = arith.cmpf oge, %get3A_376, %get3A_390 : vector<16xf32>
    %jit3A_563 = arith.constant 1.000000e+00 : f32
    %jit3A_564 = arith.constant 0.000000e+00 : f32
    %broadcast_in_dim3A_565 = vector.broadcast %jit3A_563 : f32 to vector<16xf32>
    %broadcast_in_dim3A_566 = vector.broadcast %jit3A_564 : f32 to vector<16xf32>
    %select_n3A_567 = arith.select %ge3A_562, %broadcast_in_dim3A_565, %broadcast_in_dim3A_566 : vector<16xi1>, vector<16xf32>
    %add3A_568 = arith.addf %add3A_561, %select_n3A_567 : vector<16xf32>
    %ge3A_569 = arith.cmpf oge, %get3A_383, %get3A_390 : vector<16xf32>
    %jit3A_570 = arith.constant 1.000000e+00 : f32
    %jit3A_571 = arith.constant 0.000000e+00 : f32
    %broadcast_in_dim3A_572 = vector.broadcast %jit3A_570 : f32 to vector<16xf32>
    %broadcast_in_dim3A_573 = vector.broadcast %jit3A_571 : f32 to vector<16xf32>
    %select_n3A_574 = arith.select %ge3A_569, %broadcast_in_dim3A_572, %broadcast_in_dim3A_573 : vector<16xi1>, vector<16xf32>
    %add3A_575 = arith.addf %add3A_568, %select_n3A_574 : vector<16xf32>
    %gt3A_576 = arith.cmpf ogt, %get3A_397, %get3A_390 : vector<16xf32>
    %jit3A_577 = arith.constant 1.000000e+00 : f32
    %jit3A_578 = arith.constant 0.000000e+00 : f32
    %broadcast_in_dim3A_579 = vector.broadcast %jit3A_577 : f32 to vector<16xf32>
    %broadcast_in_dim3A_580 = vector.broadcast %jit3A_578 : f32 to vector<16xf32>
    %select_n3A_581 = arith.select %gt3A_576, %broadcast_in_dim3A_579, %broadcast_in_dim3A_580 : vector<16xi1>, vector<16xf32>
    %add3A_582 = arith.addf %add3A_575, %select_n3A_581 : vector<16xf32>
    %broadcast_in_dim3A_583 = arith.constant 0.000000e+00 : f32
    %broadcast_in_dim3A_584 = vector.broadcast %broadcast_in_dim3A_583 : f32 to vector<16xf32>
    %ge3A_585 = arith.cmpf oge, %get3A_362, %get3A_397 : vector<16xf32>
    %jit3A_586 = arith.constant 1.000000e+00 : f32
    %jit3A_587 = arith.constant 0.000000e+00 : f32
    %broadcast_in_dim3A_588 = vector.broadcast %jit3A_586 : f32 to vector<16xf32>
    %broadcast_in_dim3A_589 = vector.broadcast %jit3A_587 : f32 to vector<16xf32>
    %select_n3A_590 = arith.select %ge3A_585, %broadcast_in_dim3A_588, %broadcast_in_dim3A_589 : vector<16xi1>, vector<16xf32>
    %add3A_591 = arith.addf %broadcast_in_dim3A_584, %select_n3A_590 : vector<16xf32>
    %ge3A_592 = arith.cmpf oge, %get3A_369, %get3A_397 : vector<16xf32>
    %jit3A_593 = arith.constant 1.000000e+00 : f32
    %jit3A_594 = arith.constant 0.000000e+00 : f32
    %broadcast_in_dim3A_595 = vector.broadcast %jit3A_593 : f32 to vector<16xf32>
    %broadcast_in_dim3A_596 = vector.broadcast %jit3A_594 : f32 to vector<16xf32>
    %select_n3A_597 = arith.select %ge3A_592, %broadcast_in_dim3A_595, %broadcast_in_dim3A_596 : vector<16xi1>, vector<16xf32>
    %add3A_598 = arith.addf %add3A_591, %select_n3A_597 : vector<16xf32>
    %ge3A_599 = arith.cmpf oge, %get3A_376, %get3A_397 : vector<16xf32>
    %jit3A_600 = arith.constant 1.000000e+00 : f32
    %jit3A_601 = arith.constant 0.000000e+00 : f32
    %broadcast_in_dim3A_602 = vector.broadcast %jit3A_600 : f32 to vector<16xf32>
    %broadcast_in_dim3A_603 = vector.broadcast %jit3A_601 : f32 to vector<16xf32>
    %select_n3A_604 = arith.select %ge3A_599, %broadcast_in_dim3A_602, %broadcast_in_dim3A_603 : vector<16xi1>, vector<16xf32>
    %add3A_605 = arith.addf %add3A_598, %select_n3A_604 : vector<16xf32>
    %ge3A_606 = arith.cmpf oge, %get3A_383, %get3A_397 : vector<16xf32>
    %jit3A_607 = arith.constant 1.000000e+00 : f32
    %jit3A_608 = arith.constant 0.000000e+00 : f32
    %broadcast_in_dim3A_609 = vector.broadcast %jit3A_607 : f32 to vector<16xf32>
    %broadcast_in_dim3A_610 = vector.broadcast %jit3A_608 : f32 to vector<16xf32>
    %select_n3A_611 = arith.select %ge3A_606, %broadcast_in_dim3A_609, %broadcast_in_dim3A_610 : vector<16xi1>, vector<16xf32>
    %add3A_612 = arith.addf %add3A_605, %select_n3A_611 : vector<16xf32>
    %ge3A_613 = arith.cmpf oge, %get3A_390, %get3A_397 : vector<16xf32>
    %jit3A_614 = arith.constant 1.000000e+00 : f32
    %jit3A_615 = arith.constant 0.000000e+00 : f32
    %broadcast_in_dim3A_616 = vector.broadcast %jit3A_614 : f32 to vector<16xf32>
    %broadcast_in_dim3A_617 = vector.broadcast %jit3A_615 : f32 to vector<16xf32>
    %select_n3A_618 = arith.select %ge3A_613, %broadcast_in_dim3A_616, %broadcast_in_dim3A_617 : vector<16xi1>, vector<16xf32>
    %add3A_619 = arith.addf %add3A_612, %select_n3A_618 : vector<16xf32>
    %max3A_620 = arith.maximumf %get3A_362, %get3A_369 : vector<16xf32>
    %max3A_621 = arith.maximumf %max3A_620, %get3A_376 : vector<16xf32>
    %max3A_622 = arith.maximumf %max3A_621, %get3A_383 : vector<16xf32>
    %max3A_623 = arith.maximumf %max3A_622, %get3A_390 : vector<16xf32>
    %max3A_624 = arith.maximumf %max3A_623, %get3A_397 : vector<16xf32>
    %lt3A_625 = arith.constant 4.000000e+00 : f32
    %lt3A_626 = vector.broadcast %lt3A_625 : f32 to vector<16xf32>
    %lt3A_627 = arith.cmpf olt, %add3A_434, %lt3A_626 : vector<16xf32>
    %sub3A_628 = arith.subf %get3A_362, %max3A_624 : vector<16xf32>
    %exp3A_629 = math.exp %sub3A_628 : vector<16xf32>
    %jit3A_630 = arith.constant 0.000000e+00 : f32
    %broadcast_in_dim3A_631 = vector.broadcast %jit3A_630 : f32 to vector<16xf32>
    %select_n3A_632 = arith.select %lt3A_627, %exp3A_629, %broadcast_in_dim3A_631 : vector<16xi1>, vector<16xf32>
    %lt3A_633 = arith.constant 4.000000e+00 : f32
    %lt3A_634 = vector.broadcast %lt3A_633 : f32 to vector<16xf32>
    %lt3A_635 = arith.cmpf olt, %add3A_471, %lt3A_634 : vector<16xf32>
    %sub3A_636 = arith.subf %get3A_369, %max3A_624 : vector<16xf32>
    %exp3A_637 = math.exp %sub3A_636 : vector<16xf32>
    %jit3A_638 = arith.constant 0.000000e+00 : f32
    %broadcast_in_dim3A_639 = vector.broadcast %jit3A_638 : f32 to vector<16xf32>
    %select_n3A_640 = arith.select %lt3A_635, %exp3A_637, %broadcast_in_dim3A_639 : vector<16xi1>, vector<16xf32>
    %lt3A_641 = arith.constant 4.000000e+00 : f32
    %lt3A_642 = vector.broadcast %lt3A_641 : f32 to vector<16xf32>
    %lt3A_643 = arith.cmpf olt, %add3A_508, %lt3A_642 : vector<16xf32>
    %sub3A_644 = arith.subf %get3A_376, %max3A_624 : vector<16xf32>
    %exp3A_645 = math.exp %sub3A_644 : vector<16xf32>
    %jit3A_646 = arith.constant 0.000000e+00 : f32
    %broadcast_in_dim3A_647 = vector.broadcast %jit3A_646 : f32 to vector<16xf32>
    %select_n3A_648 = arith.select %lt3A_643, %exp3A_645, %broadcast_in_dim3A_647 : vector<16xi1>, vector<16xf32>
    %lt3A_649 = arith.constant 4.000000e+00 : f32
    %lt3A_650 = vector.broadcast %lt3A_649 : f32 to vector<16xf32>
    %lt3A_651 = arith.cmpf olt, %add3A_545, %lt3A_650 : vector<16xf32>
    %sub3A_652 = arith.subf %get3A_383, %max3A_624 : vector<16xf32>
    %exp3A_653 = math.exp %sub3A_652 : vector<16xf32>
    %jit3A_654 = arith.constant 0.000000e+00 : f32
    %broadcast_in_dim3A_655 = vector.broadcast %jit3A_654 : f32 to vector<16xf32>
    %select_n3A_656 = arith.select %lt3A_651, %exp3A_653, %broadcast_in_dim3A_655 : vector<16xi1>, vector<16xf32>
    %lt3A_657 = arith.constant 4.000000e+00 : f32
    %lt3A_658 = vector.broadcast %lt3A_657 : f32 to vector<16xf32>
    %lt3A_659 = arith.cmpf olt, %add3A_582, %lt3A_658 : vector<16xf32>
    %sub3A_660 = arith.subf %get3A_390, %max3A_624 : vector<16xf32>
    %exp3A_661 = math.exp %sub3A_660 : vector<16xf32>
    %jit3A_662 = arith.constant 0.000000e+00 : f32
    %broadcast_in_dim3A_663 = vector.broadcast %jit3A_662 : f32 to vector<16xf32>
    %select_n3A_664 = arith.select %lt3A_659, %exp3A_661, %broadcast_in_dim3A_663 : vector<16xi1>, vector<16xf32>
    %lt3A_665 = arith.constant 4.000000e+00 : f32
    %lt3A_666 = vector.broadcast %lt3A_665 : f32 to vector<16xf32>
    %lt3A_667 = arith.cmpf olt, %add3A_619, %lt3A_666 : vector<16xf32>
    %sub3A_668 = arith.subf %get3A_397, %max3A_624 : vector<16xf32>
    %exp3A_669 = math.exp %sub3A_668 : vector<16xf32>
    %jit3A_670 = arith.constant 0.000000e+00 : f32
    %broadcast_in_dim3A_671 = vector.broadcast %jit3A_670 : f32 to vector<16xf32>
    %select_n3A_672 = arith.select %lt3A_667, %exp3A_669, %broadcast_in_dim3A_671 : vector<16xi1>, vector<16xf32>
    %add3A_673 = arith.addf %select_n3A_632, %select_n3A_640 : vector<16xf32>
    %add3A_674 = arith.addf %add3A_673, %select_n3A_648 : vector<16xf32>
    %add3A_675 = arith.addf %add3A_674, %select_n3A_656 : vector<16xf32>
    %add3A_676 = arith.addf %add3A_675, %select_n3A_664 : vector<16xf32>
    %add3A_677 = arith.addf %add3A_676, %select_n3A_672 : vector<16xf32>
    %div3A_678 = arith.constant 1.000000e+00 : f32
    %div3A_679 = vector.broadcast %div3A_678 : f32 to vector<16xf32>
    %div3A_680 = arith.divf %div3A_679, %add3A_677 : vector<16xf32>
    %mul3A_681 = arith.mulf %select_n3A_632, %div3A_680 : vector<16xf32>
    %swap3A_682 = arith.constant 16 : index
    %swap3A_683 = tpu.vector_load %arg5[%swap3A_682] {strides = array<i32>} : memref<512xf32, #tpu.memory_space<vmem>>, vector<16xf32>,
    %swap3A_684 = vector.shape_cast %swap3A_683 : vector<16xf32> to vector<16xf32>
    %swap3A_685 = vector.shape_cast %mul3A_681 : vector<16xf32> to vector<16xf32>
    tpu.vector_store %arg5[%swap3A_682], %swap3A_685 {strides = array<i32>} : memref<512xf32, #tpu.memory_space<vmem>>, vector<16xf32>,
    %mul3A_686 = arith.mulf %select_n3A_640, %div3A_680 : vector<16xf32>
    %swap3A_687 = arith.constant 80 : index
    %swap3A_688 = tpu.vector_load %arg5[%swap3A_687] {strides = array<i32>} : memref<512xf32, #tpu.memory_space<vmem>>, vector<16xf32>,
    %swap3A_689 = vector.shape_cast %swap3A_688 : vector<16xf32> to vector<16xf32>
    %swap3A_690 = vector.shape_cast %mul3A_686 : vector<16xf32> to vector<16xf32>
    tpu.vector_store %arg5[%swap3A_687], %swap3A_690 {strides = array<i32>} : memref<512xf32, #tpu.memory_space<vmem>>, vector<16xf32>,
    %mul3A_691 = arith.mulf %select_n3A_648, %div3A_680 : vector<16xf32>
    %swap3A_692 = arith.constant 144 : index
    %swap3A_693 = tpu.vector_load %arg5[%swap3A_692] {strides = array<i32>} : memref<512xf32, #tpu.memory_space<vmem>>, vector<16xf32>,
    %swap3A_694 = vector.shape_cast %swap3A_693 : vector<16xf32> to vector<16xf32>
    %swap3A_695 = vector.shape_cast %mul3A_691 : vector<16xf32> to vector<16xf32>
    tpu.vector_store %arg5[%swap3A_692], %swap3A_695 {strides = array<i32>} : memref<512xf32, #tpu.memory_space<vmem>>, vector<16xf32>,
    %mul3A_696 = arith.mulf %select_n3A_656, %div3A_680 : vector<16xf32>
    %swap3A_697 = arith.constant 208 : index
    %swap3A_698 = tpu.vector_load %arg5[%swap3A_697] {strides = array<i32>} : memref<512xf32, #tpu.memory_space<vmem>>, vector<16xf32>,
    %swap3A_699 = vector.shape_cast %swap3A_698 : vector<16xf32> to vector<16xf32>
    %swap3A_700 = vector.shape_cast %mul3A_696 : vector<16xf32> to vector<16xf32>
    tpu.vector_store %arg5[%swap3A_697], %swap3A_700 {strides = array<i32>} : memref<512xf32, #tpu.memory_space<vmem>>, vector<16xf32>,
    %mul3A_701 = arith.mulf %select_n3A_664, %div3A_680 : vector<16xf32>
    %swap3A_702 = arith.constant 272 : index
    %swap3A_703 = tpu.vector_load %arg5[%swap3A_702] {strides = array<i32>} : memref<512xf32, #tpu.memory_space<vmem>>, vector<16xf32>,
    %swap3A_704 = vector.shape_cast %swap3A_703 : vector<16xf32> to vector<16xf32>
    %swap3A_705 = vector.shape_cast %mul3A_701 : vector<16xf32> to vector<16xf32>
    tpu.vector_store %arg5[%swap3A_702], %swap3A_705 {strides = array<i32>} : memref<512xf32, #tpu.memory_space<vmem>>, vector<16xf32>,
    %mul3A_706 = arith.mulf %select_n3A_672, %div3A_680 : vector<16xf32>
    %swap3A_707 = arith.constant 336 : index
    %swap3A_708 = tpu.vector_load %arg5[%swap3A_707] {strides = array<i32>} : memref<512xf32, #tpu.memory_space<vmem>>, vector<16xf32>,
    %swap3A_709 = vector.shape_cast %swap3A_708 : vector<16xf32> to vector<16xf32>
    %swap3A_710 = vector.shape_cast %mul3A_706 : vector<16xf32> to vector<16xf32>
    tpu.vector_store %arg5[%swap3A_707], %swap3A_710 {strides = array<i32>} : memref<512xf32, #tpu.memory_space<vmem>>, vector<16xf32>,
    %swap3A_711 = arith.constant 400 : index
    %swap3A_712 = tpu.vector_load %arg5[%swap3A_711] {strides = array<i32>} : memref<512xf32, #tpu.memory_space<vmem>>, vector<16xf32>,
    %swap3A_713 = vector.shape_cast %swap3A_712 : vector<16xf32> to vector<16xf32>
    %swap3A_714 = vector.shape_cast %broadcast_in_dim3A_3 : vector<16xf32> to vector<16xf32>
    tpu.vector_store %arg5[%swap3A_711], %swap3A_714 {strides = array<i32>} : memref<512xf32, #tpu.memory_space<vmem>>, vector<16xf32>,
    %swap3A_715 = arith.constant 464 : index
    %swap3A_716 = tpu.vector_load %arg5[%swap3A_715] {strides = array<i32>} : memref<512xf32, #tpu.memory_space<vmem>>, vector<16xf32>,
    %swap3A_717 = vector.shape_cast %swap3A_716 : vector<16xf32> to vector<16xf32>
    %swap3A_718 = vector.shape_cast %broadcast_in_dim3A_3 : vector<16xf32> to vector<16xf32>
    tpu.vector_store %arg5[%swap3A_715], %swap3A_718 {strides = array<i32>} : memref<512xf32, #tpu.memory_space<vmem>>, vector<16xf32>,
    %add3A_719 = arith.constant 0 : i32
    %add3A_720 = arith.addi %add3A_719, %mul3A_2 : i32
    %add3A_721 = arith.constant 32 : i32
    %add3A_722 = arith.addi %add3A_720, %add3A_721 : i32
    %get3A_723 = arith.index_cast %add3A_722 : i32 to index
    %get3A_724 = tpu.vector_load %arg4[%get3A_723] {strides = array<i32>} : memref<16384xf32, #tpu.memory_space<vmem>>, vector<16xf32>,
    %get3A_725 = vector.shape_cast %get3A_724 : vector<16xf32> to vector<16xf32>
    %add3A_726 = arith.constant 2048 : i32
    %add3A_727 = arith.addi %add3A_726, %mul3A_2 : i32
    %add3A_728 = arith.constant 32 : i32
    %add3A_729 = arith.addi %add3A_727, %add3A_728 : i32
    %get3A_730 = arith.index_cast %add3A_729 : i32 to index
    %get3A_731 = tpu.vector_load %arg4[%get3A_730] {strides = array<i32>} : memref<16384xf32, #tpu.memory_space<vmem>>, vector<16xf32>,
    %get3A_732 = vector.shape_cast %get3A_731 : vector<16xf32> to vector<16xf32>
    %add3A_733 = arith.constant 4096 : i32
    %add3A_734 = arith.addi %add3A_733, %mul3A_2 : i32
    %add3A_735 = arith.constant 32 : i32
    %add3A_736 = arith.addi %add3A_734, %add3A_735 : i32
    %get3A_737 = arith.index_cast %add3A_736 : i32 to index
    %get3A_738 = tpu.vector_load %arg4[%get3A_737] {strides = array<i32>} : memref<16384xf32, #tpu.memory_space<vmem>>, vector<16xf32>,
    %get3A_739 = vector.shape_cast %get3A_738 : vector<16xf32> to vector<16xf32>
    %add3A_740 = arith.constant 6144 : i32
    %add3A_741 = arith.addi %add3A_740, %mul3A_2 : i32
    %add3A_742 = arith.constant 32 : i32
    %add3A_743 = arith.addi %add3A_741, %add3A_742 : i32
    %get3A_744 = arith.index_cast %add3A_743 : i32 to index
    %get3A_745 = tpu.vector_load %arg4[%get3A_744] {strides = array<i32>} : memref<16384xf32, #tpu.memory_space<vmem>>, vector<16xf32>,
    %get3A_746 = vector.shape_cast %get3A_745 : vector<16xf32> to vector<16xf32>
    %add3A_747 = arith.constant 8192 : i32
    %add3A_748 = arith.addi %add3A_747, %mul3A_2 : i32
    %add3A_749 = arith.constant 32 : i32
    %add3A_750 = arith.addi %add3A_748, %add3A_749 : i32
    %get3A_751 = arith.index_cast %add3A_750 : i32 to index
    %get3A_752 = tpu.vector_load %arg4[%get3A_751] {strides = array<i32>} : memref<16384xf32, #tpu.memory_space<vmem>>, vector<16xf32>,
    %get3A_753 = vector.shape_cast %get3A_752 : vector<16xf32> to vector<16xf32>
    %add3A_754 = arith.constant 10240 : i32
    %add3A_755 = arith.addi %add3A_754, %mul3A_2 : i32
    %add3A_756 = arith.constant 32 : i32
    %add3A_757 = arith.addi %add3A_755, %add3A_756 : i32
    %get3A_758 = arith.index_cast %add3A_757 : i32 to index
    %get3A_759 = tpu.vector_load %arg4[%get3A_758] {strides = array<i32>} : memref<16384xf32, #tpu.memory_space<vmem>>, vector<16xf32>,
    %get3A_760 = vector.shape_cast %get3A_759 : vector<16xf32> to vector<16xf32>
    %broadcast_in_dim3A_761 = arith.constant 0.000000e+00 : f32
    %broadcast_in_dim3A_762 = vector.broadcast %broadcast_in_dim3A_761 : f32 to vector<16xf32>
    %gt3A_763 = arith.cmpf ogt, %get3A_732, %get3A_725 : vector<16xf32>
    %jit3A_764 = arith.constant 1.000000e+00 : f32
    %jit3A_765 = arith.constant 0.000000e+00 : f32
    %broadcast_in_dim3A_766 = vector.broadcast %jit3A_764 : f32 to vector<16xf32>
    %broadcast_in_dim3A_767 = vector.broadcast %jit3A_765 : f32 to vector<16xf32>
    %select_n3A_768 = arith.select %gt3A_763, %broadcast_in_dim3A_766, %broadcast_in_dim3A_767 : vector<16xi1>, vector<16xf32>
    %add3A_769 = arith.addf %broadcast_in_dim3A_762, %select_n3A_768 : vector<16xf32>
    %gt3A_770 = arith.cmpf ogt, %get3A_739, %get3A_725 : vector<16xf32>
    %jit3A_771 = arith.constant 1.000000e+00 : f32
    %jit3A_772 = arith.constant 0.000000e+00 : f32
    %broadcast_in_dim3A_773 = vector.broadcast %jit3A_771 : f32 to vector<16xf32>
    %broadcast_in_dim3A_774 = vector.broadcast %jit3A_772 : f32 to vector<16xf32>
    %select_n3A_775 = arith.select %gt3A_770, %broadcast_in_dim3A_773, %broadcast_in_dim3A_774 : vector<16xi1>, vector<16xf32>
    %add3A_776 = arith.addf %add3A_769, %select_n3A_775 : vector<16xf32>
    %gt3A_777 = arith.cmpf ogt, %get3A_746, %get3A_725 : vector<16xf32>
    %jit3A_778 = arith.constant 1.000000e+00 : f32
    %jit3A_779 = arith.constant 0.000000e+00 : f32
    %broadcast_in_dim3A_780 = vector.broadcast %jit3A_778 : f32 to vector<16xf32>
    %broadcast_in_dim3A_781 = vector.broadcast %jit3A_779 : f32 to vector<16xf32>
    %select_n3A_782 = arith.select %gt3A_777, %broadcast_in_dim3A_780, %broadcast_in_dim3A_781 : vector<16xi1>, vector<16xf32>
    %add3A_783 = arith.addf %add3A_776, %select_n3A_782 : vector<16xf32>
    %gt3A_784 = arith.cmpf ogt, %get3A_753, %get3A_725 : vector<16xf32>
    %jit3A_785 = arith.constant 1.000000e+00 : f32
    %jit3A_786 = arith.constant 0.000000e+00 : f32
    %broadcast_in_dim3A_787 = vector.broadcast %jit3A_785 : f32 to vector<16xf32>
    %broadcast_in_dim3A_788 = vector.broadcast %jit3A_786 : f32 to vector<16xf32>
    %select_n3A_789 = arith.select %gt3A_784, %broadcast_in_dim3A_787, %broadcast_in_dim3A_788 : vector<16xi1>, vector<16xf32>
    %add3A_790 = arith.addf %add3A_783, %select_n3A_789 : vector<16xf32>
    %gt3A_791 = arith.cmpf ogt, %get3A_760, %get3A_725 : vector<16xf32>
    %jit3A_792 = arith.constant 1.000000e+00 : f32
    %jit3A_793 = arith.constant 0.000000e+00 : f32
    %broadcast_in_dim3A_794 = vector.broadcast %jit3A_792 : f32 to vector<16xf32>
    %broadcast_in_dim3A_795 = vector.broadcast %jit3A_793 : f32 to vector<16xf32>
    %select_n3A_796 = arith.select %gt3A_791, %broadcast_in_dim3A_794, %broadcast_in_dim3A_795 : vector<16xi1>, vector<16xf32>
    %add3A_797 = arith.addf %add3A_790, %select_n3A_796 : vector<16xf32>
    %broadcast_in_dim3A_798 = arith.constant 0.000000e+00 : f32
    %broadcast_in_dim3A_799 = vector.broadcast %broadcast_in_dim3A_798 : f32 to vector<16xf32>
    %ge3A_800 = arith.cmpf oge, %get3A_725, %get3A_732 : vector<16xf32>
    %jit3A_801 = arith.constant 1.000000e+00 : f32
    %jit3A_802 = arith.constant 0.000000e+00 : f32
    %broadcast_in_dim3A_803 = vector.broadcast %jit3A_801 : f32 to vector<16xf32>
    %broadcast_in_dim3A_804 = vector.broadcast %jit3A_802 : f32 to vector<16xf32>
    %select_n3A_805 = arith.select %ge3A_800, %broadcast_in_dim3A_803, %broadcast_in_dim3A_804 : vector<16xi1>, vector<16xf32>
    %add3A_806 = arith.addf %broadcast_in_dim3A_799, %select_n3A_805 : vector<16xf32>
    %gt3A_807 = arith.cmpf ogt, %get3A_739, %get3A_732 : vector<16xf32>
    %jit3A_808 = arith.constant 1.000000e+00 : f32
    %jit3A_809 = arith.constant 0.000000e+00 : f32
    %broadcast_in_dim3A_810 = vector.broadcast %jit3A_808 : f32 to vector<16xf32>
    %broadcast_in_dim3A_811 = vector.broadcast %jit3A_809 : f32 to vector<16xf32>
    %select_n3A_812 = arith.select %gt3A_807, %broadcast_in_dim3A_810, %broadcast_in_dim3A_811 : vector<16xi1>, vector<16xf32>
    %add3A_813 = arith.addf %add3A_806, %select_n3A_812 : vector<16xf32>
    %gt3A_814 = arith.cmpf ogt, %get3A_746, %get3A_732 : vector<16xf32>
    %jit3A_815 = arith.constant 1.000000e+00 : f32
    %jit3A_816 = arith.constant 0.000000e+00 : f32
    %broadcast_in_dim3A_817 = vector.broadcast %jit3A_815 : f32 to vector<16xf32>
    %broadcast_in_dim3A_818 = vector.broadcast %jit3A_816 : f32 to vector<16xf32>
    %select_n3A_819 = arith.select %gt3A_814, %broadcast_in_dim3A_817, %broadcast_in_dim3A_818 : vector<16xi1>, vector<16xf32>
    %add3A_820 = arith.addf %add3A_813, %select_n3A_819 : vector<16xf32>
    %gt3A_821 = arith.cmpf ogt, %get3A_753, %get3A_732 : vector<16xf32>
    %jit3A_822 = arith.constant 1.000000e+00 : f32
    %jit3A_823 = arith.constant 0.000000e+00 : f32
    %broadcast_in_dim3A_824 = vector.broadcast %jit3A_822 : f32 to vector<16xf32>
    %broadcast_in_dim3A_825 = vector.broadcast %jit3A_823 : f32 to vector<16xf32>
    %select_n3A_826 = arith.select %gt3A_821, %broadcast_in_dim3A_824, %broadcast_in_dim3A_825 : vector<16xi1>, vector<16xf32>
    %add3A_827 = arith.addf %add3A_820, %select_n3A_826 : vector<16xf32>
    %gt3A_828 = arith.cmpf ogt, %get3A_760, %get3A_732 : vector<16xf32>
    %jit3A_829 = arith.constant 1.000000e+00 : f32
    %jit3A_830 = arith.constant 0.000000e+00 : f32
    %broadcast_in_dim3A_831 = vector.broadcast %jit3A_829 : f32 to vector<16xf32>
    %broadcast_in_dim3A_832 = vector.broadcast %jit3A_830 : f32 to vector<16xf32>
    %select_n3A_833 = arith.select %gt3A_828, %broadcast_in_dim3A_831, %broadcast_in_dim3A_832 : vector<16xi1>, vector<16xf32>
    %add3A_834 = arith.addf %add3A_827, %select_n3A_833 : vector<16xf32>
    %broadcast_in_dim3A_835 = arith.constant 0.000000e+00 : f32
    %broadcast_in_dim3A_836 = vector.broadcast %broadcast_in_dim3A_835 : f32 to vector<16xf32>
    %ge3A_837 = arith.cmpf oge, %get3A_725, %get3A_739 : vector<16xf32>
    %jit3A_838 = arith.constant 1.000000e+00 : f32
    %jit3A_839 = arith.constant 0.000000e+00 : f32
    %broadcast_in_dim3A_840 = vector.broadcast %jit3A_838 : f32 to vector<16xf32>
    %broadcast_in_dim3A_841 = vector.broadcast %jit3A_839 : f32 to vector<16xf32>
    %select_n3A_842 = arith.select %ge3A_837, %broadcast_in_dim3A_840, %broadcast_in_dim3A_841 : vector<16xi1>, vector<16xf32>
    %add3A_843 = arith.addf %broadcast_in_dim3A_836, %select_n3A_842 : vector<16xf32>
    %ge3A_844 = arith.cmpf oge, %get3A_732, %get3A_739 : vector<16xf32>
    %jit3A_845 = arith.constant 1.000000e+00 : f32
    %jit3A_846 = arith.constant 0.000000e+00 : f32
    %broadcast_in_dim3A_847 = vector.broadcast %jit3A_845 : f32 to vector<16xf32>
    %broadcast_in_dim3A_848 = vector.broadcast %jit3A_846 : f32 to vector<16xf32>
    %select_n3A_849 = arith.select %ge3A_844, %broadcast_in_dim3A_847, %broadcast_in_dim3A_848 : vector<16xi1>, vector<16xf32>
    %add3A_850 = arith.addf %add3A_843, %select_n3A_849 : vector<16xf32>
    %gt3A_851 = arith.cmpf ogt, %get3A_746, %get3A_739 : vector<16xf32>
    %jit3A_852 = arith.constant 1.000000e+00 : f32
    %jit3A_853 = arith.constant 0.000000e+00 : f32
    %broadcast_in_dim3A_854 = vector.broadcast %jit3A_852 : f32 to vector<16xf32>
    %broadcast_in_dim3A_855 = vector.broadcast %jit3A_853 : f32 to vector<16xf32>
    %select_n3A_856 = arith.select %gt3A_851, %broadcast_in_dim3A_854, %broadcast_in_dim3A_855 : vector<16xi1>, vector<16xf32>
    %add3A_857 = arith.addf %add3A_850, %select_n3A_856 : vector<16xf32>
    %gt3A_858 = arith.cmpf ogt, %get3A_753, %get3A_739 : vector<16xf32>
    %jit3A_859 = arith.constant 1.000000e+00 : f32
    %jit3A_860 = arith.constant 0.000000e+00 : f32
    %broadcast_in_dim3A_861 = vector.broadcast %jit3A_859 : f32 to vector<16xf32>
    %broadcast_in_dim3A_862 = vector.broadcast %jit3A_860 : f32 to vector<16xf32>
    %select_n3A_863 = arith.select %gt3A_858, %broadcast_in_dim3A_861, %broadcast_in_dim3A_862 : vector<16xi1>, vector<16xf32>
    %add3A_864 = arith.addf %add3A_857, %select_n3A_863 : vector<16xf32>
    %gt3A_865 = arith.cmpf ogt, %get3A_760, %get3A_739 : vector<16xf32>
    %jit3A_866 = arith.constant 1.000000e+00 : f32
    %jit3A_867 = arith.constant 0.000000e+00 : f32
    %broadcast_in_dim3A_868 = vector.broadcast %jit3A_866 : f32 to vector<16xf32>
    %broadcast_in_dim3A_869 = vector.broadcast %jit3A_867 : f32 to vector<16xf32>
    %select_n3A_870 = arith.select %gt3A_865, %broadcast_in_dim3A_868, %broadcast_in_dim3A_869 : vector<16xi1>, vector<16xf32>
    %add3A_871 = arith.addf %add3A_864, %select_n3A_870 : vector<16xf32>
    %broadcast_in_dim3A_872 = arith.constant 0.000000e+00 : f32
    %broadcast_in_dim3A_873 = vector.broadcast %broadcast_in_dim3A_872 : f32 to vector<16xf32>
    %ge3A_874 = arith.cmpf oge, %get3A_725, %get3A_746 : vector<16xf32>
    %jit3A_875 = arith.constant 1.000000e+00 : f32
    %jit3A_876 = arith.constant 0.000000e+00 : f32
    %broadcast_in_dim3A_877 = vector.broadcast %jit3A_875 : f32 to vector<16xf32>
    %broadcast_in_dim3A_878 = vector.broadcast %jit3A_876 : f32 to vector<16xf32>
    %select_n3A_879 = arith.select %ge3A_874, %broadcast_in_dim3A_877, %broadcast_in_dim3A_878 : vector<16xi1>, vector<16xf32>
    %add3A_880 = arith.addf %broadcast_in_dim3A_873, %select_n3A_879 : vector<16xf32>
    %ge3A_881 = arith.cmpf oge, %get3A_732, %get3A_746 : vector<16xf32>
    %jit3A_882 = arith.constant 1.000000e+00 : f32
    %jit3A_883 = arith.constant 0.000000e+00 : f32
    %broadcast_in_dim3A_884 = vector.broadcast %jit3A_882 : f32 to vector<16xf32>
    %broadcast_in_dim3A_885 = vector.broadcast %jit3A_883 : f32 to vector<16xf32>
    %select_n3A_886 = arith.select %ge3A_881, %broadcast_in_dim3A_884, %broadcast_in_dim3A_885 : vector<16xi1>, vector<16xf32>
    %add3A_887 = arith.addf %add3A_880, %select_n3A_886 : vector<16xf32>
    %ge3A_888 = arith.cmpf oge, %get3A_739, %get3A_746 : vector<16xf32>
    %jit3A_889 = arith.constant 1.000000e+00 : f32
    %jit3A_890 = arith.constant 0.000000e+00 : f32
    %broadcast_in_dim3A_891 = vector.broadcast %jit3A_889 : f32 to vector<16xf32>
    %broadcast_in_dim3A_892 = vector.broadcast %jit3A_890 : f32 to vector<16xf32>
    %select_n3A_893 = arith.select %ge3A_888, %broadcast_in_dim3A_891, %broadcast_in_dim3A_892 : vector<16xi1>, vector<16xf32>
    %add3A_894 = arith.addf %add3A_887, %select_n3A_893 : vector<16xf32>
    %gt3A_895 = arith.cmpf ogt, %get3A_753, %get3A_746 : vector<16xf32>
    %jit3A_896 = arith.constant 1.000000e+00 : f32
    %jit3A_897 = arith.constant 0.000000e+00 : f32
    %broadcast_in_dim3A_898 = vector.broadcast %jit3A_896 : f32 to vector<16xf32>
    %broadcast_in_dim3A_899 = vector.broadcast %jit3A_897 : f32 to vector<16xf32>
    %select_n3A_900 = arith.select %gt3A_895, %broadcast_in_dim3A_898, %broadcast_in_dim3A_899 : vector<16xi1>, vector<16xf32>
    %add3A_901 = arith.addf %add3A_894, %select_n3A_900 : vector<16xf32>
    %gt3A_902 = arith.cmpf ogt, %get3A_760, %get3A_746 : vector<16xf32>
    %jit3A_903 = arith.constant 1.000000e+00 : f32
    %jit3A_904 = arith.constant 0.000000e+00 : f32
    %broadcast_in_dim3A_905 = vector.broadcast %jit3A_903 : f32 to vector<16xf32>
    %broadcast_in_dim3A_906 = vector.broadcast %jit3A_904 : f32 to vector<16xf32>
    %select_n3A_907 = arith.select %gt3A_902, %broadcast_in_dim3A_905, %broadcast_in_dim3A_906 : vector<16xi1>, vector<16xf32>
    %add3A_908 = arith.addf %add3A_901, %select_n3A_907 : vector<16xf32>
    %broadcast_in_dim3A_909 = arith.constant 0.000000e+00 : f32
    %broadcast_in_dim3A_910 = vector.broadcast %broadcast_in_dim3A_909 : f32 to vector<16xf32>
    %ge3A_911 = arith.cmpf oge, %get3A_725, %get3A_753 : vector<16xf32>
    %jit3A_912 = arith.constant 1.000000e+00 : f32
    %jit3A_913 = arith.constant 0.000000e+00 : f32
    %broadcast_in_dim3A_914 = vector.broadcast %jit3A_912 : f32 to vector<16xf32>
    %broadcast_in_dim3A_915 = vector.broadcast %jit3A_913 : f32 to vector<16xf32>
    %select_n3A_916 = arith.select %ge3A_911, %broadcast_in_dim3A_914, %broadcast_in_dim3A_915 : vector<16xi1>, vector<16xf32>
    %add3A_917 = arith.addf %broadcast_in_dim3A_910, %select_n3A_916 : vector<16xf32>
    %ge3A_918 = arith.cmpf oge, %get3A_732, %get3A_753 : vector<16xf32>
    %jit3A_919 = arith.constant 1.000000e+00 : f32
    %jit3A_920 = arith.constant 0.000000e+00 : f32
    %broadcast_in_dim3A_921 = vector.broadcast %jit3A_919 : f32 to vector<16xf32>
    %broadcast_in_dim3A_922 = vector.broadcast %jit3A_920 : f32 to vector<16xf32>
    %select_n3A_923 = arith.select %ge3A_918, %broadcast_in_dim3A_921, %broadcast_in_dim3A_922 : vector<16xi1>, vector<16xf32>
    %add3A_924 = arith.addf %add3A_917, %select_n3A_923 : vector<16xf32>
    %ge3A_925 = arith.cmpf oge, %get3A_739, %get3A_753 : vector<16xf32>
    %jit3A_926 = arith.constant 1.000000e+00 : f32
    %jit3A_927 = arith.constant 0.000000e+00 : f32
    %broadcast_in_dim3A_928 = vector.broadcast %jit3A_926 : f32 to vector<16xf32>
    %broadcast_in_dim3A_929 = vector.broadcast %jit3A_927 : f32 to vector<16xf32>
    %select_n3A_930 = arith.select %ge3A_925, %broadcast_in_dim3A_928, %broadcast_in_dim3A_929 : vector<16xi1>, vector<16xf32>
    %add3A_931 = arith.addf %add3A_924, %select_n3A_930 : vector<16xf32>
    %ge3A_932 = arith.cmpf oge, %get3A_746, %get3A_753 : vector<16xf32>
    %jit3A_933 = arith.constant 1.000000e+00 : f32
    %jit3A_934 = arith.constant 0.000000e+00 : f32
    %broadcast_in_dim3A_935 = vector.broadcast %jit3A_933 : f32 to vector<16xf32>
    %broadcast_in_dim3A_936 = vector.broadcast %jit3A_934 : f32 to vector<16xf32>
    %select_n3A_937 = arith.select %ge3A_932, %broadcast_in_dim3A_935, %broadcast_in_dim3A_936 : vector<16xi1>, vector<16xf32>
    %add3A_938 = arith.addf %add3A_931, %select_n3A_937 : vector<16xf32>
    %gt3A_939 = arith.cmpf ogt, %get3A_760, %get3A_753 : vector<16xf32>
    %jit3A_940 = arith.constant 1.000000e+00 : f32
    %jit3A_941 = arith.constant 0.000000e+00 : f32
    %broadcast_in_dim3A_942 = vector.broadcast %jit3A_940 : f32 to vector<16xf32>
    %broadcast_in_dim3A_943 = vector.broadcast %jit3A_941 : f32 to vector<16xf32>
    %select_n3A_944 = arith.select %gt3A_939, %broadcast_in_dim3A_942, %broadcast_in_dim3A_943 : vector<16xi1>, vector<16xf32>
    %add3A_945 = arith.addf %add3A_938, %select_n3A_944 : vector<16xf32>
    %broadcast_in_dim3A_946 = arith.constant 0.000000e+00 : f32
    %broadcast_in_dim3A_947 = vector.broadcast %broadcast_in_dim3A_946 : f32 to vector<16xf32>
    %ge3A_948 = arith.cmpf oge, %get3A_725, %get3A_760 : vector<16xf32>
    %jit3A_949 = arith.constant 1.000000e+00 : f32
    %jit3A_950 = arith.constant 0.000000e+00 : f32
    %broadcast_in_dim3A_951 = vector.broadcast %jit3A_949 : f32 to vector<16xf32>
    %broadcast_in_dim3A_952 = vector.broadcast %jit3A_950 : f32 to vector<16xf32>
    %select_n3A_953 = arith.select %ge3A_948, %broadcast_in_dim3A_951, %broadcast_in_dim3A_952 : vector<16xi1>, vector<16xf32>
    %add3A_954 = arith.addf %broadcast_in_dim3A_947, %select_n3A_953 : vector<16xf32>
    %ge3A_955 = arith.cmpf oge, %get3A_732, %get3A_760 : vector<16xf32>
    %jit3A_956 = arith.constant 1.000000e+00 : f32
    %jit3A_957 = arith.constant 0.000000e+00 : f32
    %broadcast_in_dim3A_958 = vector.broadcast %jit3A_956 : f32 to vector<16xf32>
    %broadcast_in_dim3A_959 = vector.broadcast %jit3A_957 : f32 to vector<16xf32>
    %select_n3A_960 = arith.select %ge3A_955, %broadcast_in_dim3A_958, %broadcast_in_dim3A_959 : vector<16xi1>, vector<16xf32>
    %add3A_961 = arith.addf %add3A_954, %select_n3A_960 : vector<16xf32>
    %ge3A_962 = arith.cmpf oge, %get3A_739, %get3A_760 : vector<16xf32>
    %jit3A_963 = arith.constant 1.000000e+00 : f32
    %jit3A_964 = arith.constant 0.000000e+00 : f32
    %broadcast_in_dim3A_965 = vector.broadcast %jit3A_963 : f32 to vector<16xf32>
    %broadcast_in_dim3A_966 = vector.broadcast %jit3A_964 : f32 to vector<16xf32>
    %select_n3A_967 = arith.select %ge3A_962, %broadcast_in_dim3A_965, %broadcast_in_dim3A_966 : vector<16xi1>, vector<16xf32>
    %add3A_968 = arith.addf %add3A_961, %select_n3A_967 : vector<16xf32>
    %ge3A_969 = arith.cmpf oge, %get3A_746, %get3A_760 : vector<16xf32>
    %jit3A_970 = arith.constant 1.000000e+00 : f32
    %jit3A_971 = arith.constant 0.000000e+00 : f32
    %broadcast_in_dim3A_972 = vector.broadcast %jit3A_970 : f32 to vector<16xf32>
    %broadcast_in_dim3A_973 = vector.broadcast %jit3A_971 : f32 to vector<16xf32>
    %select_n3A_974 = arith.select %ge3A_969, %broadcast_in_dim3A_972, %broadcast_in_dim3A_973 : vector<16xi1>, vector<16xf32>
    %add3A_975 = arith.addf %add3A_968, %select_n3A_974 : vector<16xf32>
    %ge3A_976 = arith.cmpf oge, %get3A_753, %get3A_760 : vector<16xf32>
    %jit3A_977 = arith.constant 1.000000e+00 : f32
    %jit3A_978 = arith.constant 0.000000e+00 : f32
    %broadcast_in_dim3A_979 = vector.broadcast %jit3A_977 : f32 to vector<16xf32>
    %broadcast_in_dim3A_980 = vector.broadcast %jit3A_978 : f32 to vector<16xf32>
    %select_n3A_981 = arith.select %ge3A_976, %broadcast_in_dim3A_979, %broadcast_in_dim3A_980 : vector<16xi1>, vector<16xf32>
    %add3A_982 = arith.addf %add3A_975, %select_n3A_981 : vector<16xf32>
    %max3A_983 = arith.maximumf %get3A_725, %get3A_732 : vector<16xf32>
    %max3A_984 = arith.maximumf %max3A_983, %get3A_739 : vector<16xf32>
    %max3A_985 = arith.maximumf %max3A_984, %get3A_746 : vector<16xf32>
    %max3A_986 = arith.maximumf %max3A_985, %get3A_753 : vector<16xf32>
    %max3A_987 = arith.maximumf %max3A_986, %get3A_760 : vector<16xf32>
    %lt3A_988 = arith.constant 4.000000e+00 : f32
    %lt3A_989 = vector.broadcast %lt3A_988 : f32 to vector<16xf32>
    %lt3A_990 = arith.cmpf olt, %add3A_797, %lt3A_989 : vector<16xf32>
    %sub3A_991 = arith.subf %get3A_725, %max3A_987 : vector<16xf32>
    %exp3A_992 = math.exp %sub3A_991 : vector<16xf32>
    %jit3A_993 = arith.constant 0.000000e+00 : f32
    %broadcast_in_dim3A_994 = vector.broadcast %jit3A_993 : f32 to vector<16xf32>
    %select_n3A_995 = arith.select %lt3A_990, %exp3A_992, %broadcast_in_dim3A_994 : vector<16xi1>, vector<16xf32>
    %lt3A_996 = arith.constant 4.000000e+00 : f32
    %lt3A_997 = vector.broadcast %lt3A_996 : f32 to vector<16xf32>
    %lt3A_998 = arith.cmpf olt, %add3A_834, %lt3A_997 : vector<16xf32>
    %sub3A_999 = arith.subf %get3A_732, %max3A_987 : vector<16xf32>
    %exp3A_1000 = math.exp %sub3A_999 : vector<16xf32>
    %jit3A_1001 = arith.constant 0.000000e+00 : f32
    %broadcast_in_dim3A_1002 = vector.broadcast %jit3A_1001 : f32 to vector<16xf32>
    %select_n3A_1003 = arith.select %lt3A_998, %exp3A_1000, %broadcast_in_dim3A_1002 : vector<16xi1>, vector<16xf32>
    %lt3A_1004 = arith.constant 4.000000e+00 : f32
    %lt3A_1005 = vector.broadcast %lt3A_1004 : f32 to vector<16xf32>
    %lt3A_1006 = arith.cmpf olt, %add3A_871, %lt3A_1005 : vector<16xf32>
    %sub3A_1007 = arith.subf %get3A_739, %max3A_987 : vector<16xf32>
    %exp3A_1008 = math.exp %sub3A_1007 : vector<16xf32>
    %jit3A_1009 = arith.constant 0.000000e+00 : f32
    %broadcast_in_dim3A_1010 = vector.broadcast %jit3A_1009 : f32 to vector<16xf32>
    %select_n3A_1011 = arith.select %lt3A_1006, %exp3A_1008, %broadcast_in_dim3A_1010 : vector<16xi1>, vector<16xf32>
    %lt3A_1012 = arith.constant 4.000000e+00 : f32
    %lt3A_1013 = vector.broadcast %lt3A_1012 : f32 to vector<16xf32>
    %lt3A_1014 = arith.cmpf olt, %add3A_908, %lt3A_1013 : vector<16xf32>
    %sub3A_1015 = arith.subf %get3A_746, %max3A_987 : vector<16xf32>
    %exp3A_1016 = math.exp %sub3A_1015 : vector<16xf32>
    %jit3A_1017 = arith.constant 0.000000e+00 : f32
    %broadcast_in_dim3A_1018 = vector.broadcast %jit3A_1017 : f32 to vector<16xf32>
    %select_n3A_1019 = arith.select %lt3A_1014, %exp3A_1016, %broadcast_in_dim3A_1018 : vector<16xi1>, vector<16xf32>
    %lt3A_1020 = arith.constant 4.000000e+00 : f32
    %lt3A_1021 = vector.broadcast %lt3A_1020 : f32 to vector<16xf32>
    %lt3A_1022 = arith.cmpf olt, %add3A_945, %lt3A_1021 : vector<16xf32>
    %sub3A_1023 = arith.subf %get3A_753, %max3A_987 : vector<16xf32>
    %exp3A_1024 = math.exp %sub3A_1023 : vector<16xf32>
    %jit3A_1025 = arith.constant 0.000000e+00 : f32
    %broadcast_in_dim3A_1026 = vector.broadcast %jit3A_1025 : f32 to vector<16xf32>
    %select_n3A_1027 = arith.select %lt3A_1022, %exp3A_1024, %broadcast_in_dim3A_1026 : vector<16xi1>, vector<16xf32>
    %lt3A_1028 = arith.constant 4.000000e+00 : f32
    %lt3A_1029 = vector.broadcast %lt3A_1028 : f32 to vector<16xf32>
    %lt3A_1030 = arith.cmpf olt, %add3A_982, %lt3A_1029 : vector<16xf32>
    %sub3A_1031 = arith.subf %get3A_760, %max3A_987 : vector<16xf32>
    %exp3A_1032 = math.exp %sub3A_1031 : vector<16xf32>
    %jit3A_1033 = arith.constant 0.000000e+00 : f32
    %broadcast_in_dim3A_1034 = vector.broadcast %jit3A_1033 : f32 to vector<16xf32>
    %select_n3A_1035 = arith.select %lt3A_1030, %exp3A_1032, %broadcast_in_dim3A_1034 : vector<16xi1>, vector<16xf32>
    %add3A_1036 = arith.addf %select_n3A_995, %select_n3A_1003 : vector<16xf32>
    %add3A_1037 = arith.addf %add3A_1036, %select_n3A_1011 : vector<16xf32>
    %add3A_1038 = arith.addf %add3A_1037, %select_n3A_1019 : vector<16xf32>
    %add3A_1039 = arith.addf %add3A_1038, %select_n3A_1027 : vector<16xf32>
    %add3A_1040 = arith.addf %add3A_1039, %select_n3A_1035 : vector<16xf32>
    %div3A_1041 = arith.constant 1.000000e+00 : f32
    %div3A_1042 = vector.broadcast %div3A_1041 : f32 to vector<16xf32>
    %div3A_1043 = arith.divf %div3A_1042, %add3A_1040 : vector<16xf32>
    %mul3A_1044 = arith.mulf %select_n3A_995, %div3A_1043 : vector<16xf32>
    %swap3A_1045 = arith.constant 32 : index
    %swap3A_1046 = tpu.vector_load %arg5[%swap3A_1045] {strides = array<i32>} : memref<512xf32, #tpu.memory_space<vmem>>, vector<16xf32>,
    %swap3A_1047 = vector.shape_cast %swap3A_1046 : vector<16xf32> to vector<16xf32>
    %swap3A_1048 = vector.shape_cast %mul3A_1044 : vector<16xf32> to vector<16xf32>
    tpu.vector_store %arg5[%swap3A_1045], %swap3A_1048 {strides = array<i32>} : memref<512xf32, #tpu.memory_space<vmem>>, vector<16xf32>,
    %mul3A_1049 = arith.mulf %select_n3A_1003, %div3A_1043 : vector<16xf32>
    %swap3A_1050 = arith.constant 96 : index
    %swap3A_1051 = tpu.vector_load %arg5[%swap3A_1050] {strides = array<i32>} : memref<512xf32, #tpu.memory_space<vmem>>, vector<16xf32>,
    %swap3A_1052 = vector.shape_cast %swap3A_1051 : vector<16xf32> to vector<16xf32>
    %swap3A_1053 = vector.shape_cast %mul3A_1049 : vector<16xf32> to vector<16xf32>
    tpu.vector_store %arg5[%swap3A_1050], %swap3A_1053 {strides = array<i32>} : memref<512xf32, #tpu.memory_space<vmem>>, vector<16xf32>,
    %mul3A_1054 = arith.mulf %select_n3A_1011, %div3A_1043 : vector<16xf32>
    %swap3A_1055 = arith.constant 160 : index
    %swap3A_1056 = tpu.vector_load %arg5[%swap3A_1055] {strides = array<i32>} : memref<512xf32, #tpu.memory_space<vmem>>, vector<16xf32>,
    %swap3A_1057 = vector.shape_cast %swap3A_1056 : vector<16xf32> to vector<16xf32>
    %swap3A_1058 = vector.shape_cast %mul3A_1054 : vector<16xf32> to vector<16xf32>
    tpu.vector_store %arg5[%swap3A_1055], %swap3A_1058 {strides = array<i32>} : memref<512xf32, #tpu.memory_space<vmem>>, vector<16xf32>,
    %mul3A_1059 = arith.mulf %select_n3A_1019, %div3A_1043 : vector<16xf32>
    %swap3A_1060 = arith.constant 224 : index
    %swap3A_1061 = tpu.vector_load %arg5[%swap3A_1060] {strides = array<i32>} : memref<512xf32, #tpu.memory_space<vmem>>, vector<16xf32>,
    %swap3A_1062 = vector.shape_cast %swap3A_1061 : vector<16xf32> to vector<16xf32>
    %swap3A_1063 = vector.shape_cast %mul3A_1059 : vector<16xf32> to vector<16xf32>
    tpu.vector_store %arg5[%swap3A_1060], %swap3A_1063 {strides = array<i32>} : memref<512xf32, #tpu.memory_space<vmem>>, vector<16xf32>,
    %mul3A_1064 = arith.mulf %select_n3A_1027, %div3A_1043 : vector<16xf32>
    %swap3A_1065 = arith.constant 288 : index
    %swap3A_1066 = tpu.vector_load %arg5[%swap3A_1065] {strides = array<i32>} : memref<512xf32, #tpu.memory_space<vmem>>, vector<16xf32>,
    %swap3A_1067 = vector.shape_cast %swap3A_1066 : vector<16xf32> to vector<16xf32>
    %swap3A_1068 = vector.shape_cast %mul3A_1064 : vector<16xf32> to vector<16xf32>
    tpu.vector_store %arg5[%swap3A_1065], %swap3A_1068 {strides = array<i32>} : memref<512xf32, #tpu.memory_space<vmem>>, vector<16xf32>,
    %mul3A_1069 = arith.mulf %select_n3A_1035, %div3A_1043 : vector<16xf32>
    %swap3A_1070 = arith.constant 352 : index
    %swap3A_1071 = tpu.vector_load %arg5[%swap3A_1070] {strides = array<i32>} : memref<512xf32, #tpu.memory_space<vmem>>, vector<16xf32>,
    %swap3A_1072 = vector.shape_cast %swap3A_1071 : vector<16xf32> to vector<16xf32>
    %swap3A_1073 = vector.shape_cast %mul3A_1069 : vector<16xf32> to vector<16xf32>
    tpu.vector_store %arg5[%swap3A_1070], %swap3A_1073 {strides = array<i32>} : memref<512xf32, #tpu.memory_space<vmem>>, vector<16xf32>,
    %swap3A_1074 = arith.constant 416 : index
    %swap3A_1075 = tpu.vector_load %arg5[%swap3A_1074] {strides = array<i32>} : memref<512xf32, #tpu.memory_space<vmem>>, vector<16xf32>,
    %swap3A_1076 = vector.shape_cast %swap3A_1075 : vector<16xf32> to vector<16xf32>
    %swap3A_1077 = vector.shape_cast %broadcast_in_dim3A_3 : vector<16xf32> to vector<16xf32>
    tpu.vector_store %arg5[%swap3A_1074], %swap3A_1077 {strides = array<i32>} : memref<512xf32, #tpu.memory_space<vmem>>, vector<16xf32>,
    %swap3A_1078 = arith.constant 480 : index
    %swap3A_1079 = tpu.vector_load %arg5[%swap3A_1078] {strides = array<i32>} : memref<512xf32, #tpu.memory_space<vmem>>, vector<16xf32>,
    %swap3A_1080 = vector.shape_cast %swap3A_1079 : vector<16xf32> to vector<16xf32>
    %swap3A_1081 = vector.shape_cast %broadcast_in_dim3A_3 : vector<16xf32> to vector<16xf32>
    tpu.vector_store %arg5[%swap3A_1078], %swap3A_1081 {strides = array<i32>} : memref<512xf32, #tpu.memory_space<vmem>>, vector<16xf32>,
    %add3A_1082 = arith.constant 0 : i32
    %add3A_1083 = arith.addi %add3A_1082, %mul3A_2 : i32
    %add3A_1084 = arith.constant 48 : i32
    %add3A_1085 = arith.addi %add3A_1083, %add3A_1084 : i32
    %get3A_1086 = arith.index_cast %add3A_1085 : i32 to index
    %get3A_1087 = tpu.vector_load %arg4[%get3A_1086] {strides = array<i32>} : memref<16384xf32, #tpu.memory_space<vmem>>, vector<16xf32>,
    %get3A_1088 = vector.shape_cast %get3A_1087 : vector<16xf32> to vector<16xf32>
    %add3A_1089 = arith.constant 2048 : i32
    %add3A_1090 = arith.addi %add3A_1089, %mul3A_2 : i32
    %add3A_1091 = arith.constant 48 : i32
    %add3A_1092 = arith.addi %add3A_1090, %add3A_1091 : i32
    %get3A_1093 = arith.index_cast %add3A_1092 : i32 to index
    %get3A_1094 = tpu.vector_load %arg4[%get3A_1093] {strides = array<i32>} : memref<16384xf32, #tpu.memory_space<vmem>>, vector<16xf32>,
    %get3A_1095 = vector.shape_cast %get3A_1094 : vector<16xf32> to vector<16xf32>
    %add3A_1096 = arith.constant 4096 : i32
    %add3A_1097 = arith.addi %add3A_1096, %mul3A_2 : i32
    %add3A_1098 = arith.constant 48 : i32
    %add3A_1099 = arith.addi %add3A_1097, %add3A_1098 : i32
    %get3A_1100 = arith.index_cast %add3A_1099 : i32 to index
    %get3A_1101 = tpu.vector_load %arg4[%get3A_1100] {strides = array<i32>} : memref<16384xf32, #tpu.memory_space<vmem>>, vector<16xf32>,
    %get3A_1102 = vector.shape_cast %get3A_1101 : vector<16xf32> to vector<16xf32>
    %add3A_1103 = arith.constant 6144 : i32
    %add3A_1104 = arith.addi %add3A_1103, %mul3A_2 : i32
    %add3A_1105 = arith.constant 48 : i32
    %add3A_1106 = arith.addi %add3A_1104, %add3A_1105 : i32
    %get3A_1107 = arith.index_cast %add3A_1106 : i32 to index
    %get3A_1108 = tpu.vector_load %arg4[%get3A_1107] {strides = array<i32>} : memref<16384xf32, #tpu.memory_space<vmem>>, vector<16xf32>,
    %get3A_1109 = vector.shape_cast %get3A_1108 : vector<16xf32> to vector<16xf32>
    %add3A_1110 = arith.constant 8192 : i32
    %add3A_1111 = arith.addi %add3A_1110, %mul3A_2 : i32
    %add3A_1112 = arith.constant 48 : i32
    %add3A_1113 = arith.addi %add3A_1111, %add3A_1112 : i32
    %get3A_1114 = arith.index_cast %add3A_1113 : i32 to index
    %get3A_1115 = tpu.vector_load %arg4[%get3A_1114] {strides = array<i32>} : memref<16384xf32, #tpu.memory_space<vmem>>, vector<16xf32>,
    %get3A_1116 = vector.shape_cast %get3A_1115 : vector<16xf32> to vector<16xf32>
    %add3A_1117 = arith.constant 10240 : i32
    %add3A_1118 = arith.addi %add3A_1117, %mul3A_2 : i32
    %add3A_1119 = arith.constant 48 : i32
    %add3A_1120 = arith.addi %add3A_1118, %add3A_1119 : i32
    %get3A_1121 = arith.index_cast %add3A_1120 : i32 to index
    %get3A_1122 = tpu.vector_load %arg4[%get3A_1121] {strides = array<i32>} : memref<16384xf32, #tpu.memory_space<vmem>>, vector<16xf32>,
    %get3A_1123 = vector.shape_cast %get3A_1122 : vector<16xf32> to vector<16xf32>
    %broadcast_in_dim3A_1124 = arith.constant 0.000000e+00 : f32
    %broadcast_in_dim3A_1125 = vector.broadcast %broadcast_in_dim3A_1124 : f32 to vector<16xf32>
    %gt3A_1126 = arith.cmpf ogt, %get3A_1095, %get3A_1088 : vector<16xf32>
    %jit3A_1127 = arith.constant 1.000000e+00 : f32
    %jit3A_1128 = arith.constant 0.000000e+00 : f32
    %broadcast_in_dim3A_1129 = vector.broadcast %jit3A_1127 : f32 to vector<16xf32>
    %broadcast_in_dim3A_1130 = vector.broadcast %jit3A_1128 : f32 to vector<16xf32>
    %select_n3A_1131 = arith.select %gt3A_1126, %broadcast_in_dim3A_1129, %broadcast_in_dim3A_1130 : vector<16xi1>, vector<16xf32>
    %add3A_1132 = arith.addf %broadcast_in_dim3A_1125, %select_n3A_1131 : vector<16xf32>
    %gt3A_1133 = arith.cmpf ogt, %get3A_1102, %get3A_1088 : vector<16xf32>
    %jit3A_1134 = arith.constant 1.000000e+00 : f32
    %jit3A_1135 = arith.constant 0.000000e+00 : f32
    %broadcast_in_dim3A_1136 = vector.broadcast %jit3A_1134 : f32 to vector<16xf32>
    %broadcast_in_dim3A_1137 = vector.broadcast %jit3A_1135 : f32 to vector<16xf32>
    %select_n3A_1138 = arith.select %gt3A_1133, %broadcast_in_dim3A_1136, %broadcast_in_dim3A_1137 : vector<16xi1>, vector<16xf32>
    %add3A_1139 = arith.addf %add3A_1132, %select_n3A_1138 : vector<16xf32>
    %gt3A_1140 = arith.cmpf ogt, %get3A_1109, %get3A_1088 : vector<16xf32>
    %jit3A_1141 = arith.constant 1.000000e+00 : f32
    %jit3A_1142 = arith.constant 0.000000e+00 : f32
    %broadcast_in_dim3A_1143 = vector.broadcast %jit3A_1141 : f32 to vector<16xf32>
    %broadcast_in_dim3A_1144 = vector.broadcast %jit3A_1142 : f32 to vector<16xf32>
    %select_n3A_1145 = arith.select %gt3A_1140, %broadcast_in_dim3A_1143, %broadcast_in_dim3A_1144 : vector<16xi1>, vector<16xf32>
    %add3A_1146 = arith.addf %add3A_1139, %select_n3A_1145 : vector<16xf32>
    %gt3A_1147 = arith.cmpf ogt, %get3A_1116, %get3A_1088 : vector<16xf32>
    %jit3A_1148 = arith.constant 1.000000e+00 : f32
    %jit3A_1149 = arith.constant 0.000000e+00 : f32
    %broadcast_in_dim3A_1150 = vector.broadcast %jit3A_1148 : f32 to vector<16xf32>
    %broadcast_in_dim3A_1151 = vector.broadcast %jit3A_1149 : f32 to vector<16xf32>
    %select_n3A_1152 = arith.select %gt3A_1147, %broadcast_in_dim3A_1150, %broadcast_in_dim3A_1151 : vector<16xi1>, vector<16xf32>
    %add3A_1153 = arith.addf %add3A_1146, %select_n3A_1152 : vector<16xf32>
    %gt3A_1154 = arith.cmpf ogt, %get3A_1123, %get3A_1088 : vector<16xf32>
    %jit3A_1155 = arith.constant 1.000000e+00 : f32
    %jit3A_1156 = arith.constant 0.000000e+00 : f32
    %broadcast_in_dim3A_1157 = vector.broadcast %jit3A_1155 : f32 to vector<16xf32>
    %broadcast_in_dim3A_1158 = vector.broadcast %jit3A_1156 : f32 to vector<16xf32>
    %select_n3A_1159 = arith.select %gt3A_1154, %broadcast_in_dim3A_1157, %broadcast_in_dim3A_1158 : vector<16xi1>, vector<16xf32>
    %add3A_1160 = arith.addf %add3A_1153, %select_n3A_1159 : vector<16xf32>
    %broadcast_in_dim3A_1161 = arith.constant 0.000000e+00 : f32
    %broadcast_in_dim3A_1162 = vector.broadcast %broadcast_in_dim3A_1161 : f32 to vector<16xf32>
    %ge3A_1163 = arith.cmpf oge, %get3A_1088, %get3A_1095 : vector<16xf32>
    %jit3A_1164 = arith.constant 1.000000e+00 : f32
    %jit3A_1165 = arith.constant 0.000000e+00 : f32
    %broadcast_in_dim3A_1166 = vector.broadcast %jit3A_1164 : f32 to vector<16xf32>
    %broadcast_in_dim3A_1167 = vector.broadcast %jit3A_1165 : f32 to vector<16xf32>
    %select_n3A_1168 = arith.select %ge3A_1163, %broadcast_in_dim3A_1166, %broadcast_in_dim3A_1167 : vector<16xi1>, vector<16xf32>
    %add3A_1169 = arith.addf %broadcast_in_dim3A_1162, %select_n3A_1168 : vector<16xf32>
    %gt3A_1170 = arith.cmpf ogt, %get3A_1102, %get3A_1095 : vector<16xf32>
    %jit3A_1171 = arith.constant 1.000000e+00 : f32
    %jit3A_1172 = arith.constant 0.000000e+00 : f32
    %broadcast_in_dim3A_1173 = vector.broadcast %jit3A_1171 : f32 to vector<16xf32>
    %broadcast_in_dim3A_1174 = vector.broadcast %jit3A_1172 : f32 to vector<16xf32>
    %select_n3A_1175 = arith.select %gt3A_1170, %broadcast_in_dim3A_1173, %broadcast_in_dim3A_1174 : vector<16xi1>, vector<16xf32>
    %add3A_1176 = arith.addf %add3A_1169, %select_n3A_1175 : vector<16xf32>
    %gt3A_1177 = arith.cmpf ogt, %get3A_1109, %get3A_1095 : vector<16xf32>
    %jit3A_1178 = arith.constant 1.000000e+00 : f32
    %jit3A_1179 = arith.constant 0.000000e+00 : f32
    %broadcast_in_dim3A_1180 = vector.broadcast %jit3A_1178 : f32 to vector<16xf32>
    %broadcast_in_dim3A_1181 = vector.broadcast %jit3A_1179 : f32 to vector<16xf32>
    %select_n3A_1182 = arith.select %gt3A_1177, %broadcast_in_dim3A_1180, %broadcast_in_dim3A_1181 : vector<16xi1>, vector<16xf32>
    %add3A_1183 = arith.addf %add3A_1176, %select_n3A_1182 : vector<16xf32>
    %gt3A_1184 = arith.cmpf ogt, %get3A_1116, %get3A_1095 : vector<16xf32>
    %jit3A_1185 = arith.constant 1.000000e+00 : f32
    %jit3A_1186 = arith.constant 0.000000e+00 : f32
    %broadcast_in_dim3A_1187 = vector.broadcast %jit3A_1185 : f32 to vector<16xf32>
    %broadcast_in_dim3A_1188 = vector.broadcast %jit3A_1186 : f32 to vector<16xf32>
    %select_n3A_1189 = arith.select %gt3A_1184, %broadcast_in_dim3A_1187, %broadcast_in_dim3A_1188 : vector<16xi1>, vector<16xf32>
    %add3A_1190 = arith.addf %add3A_1183, %select_n3A_1189 : vector<16xf32>
    %gt3A_1191 = arith.cmpf ogt, %get3A_1123, %get3A_1095 : vector<16xf32>
    %jit3A_1192 = arith.constant 1.000000e+00 : f32
    %jit3A_1193 = arith.constant 0.000000e+00 : f32
    %broadcast_in_dim3A_1194 = vector.broadcast %jit3A_1192 : f32 to vector<16xf32>
    %broadcast_in_dim3A_1195 = vector.broadcast %jit3A_1193 : f32 to vector<16xf32>
    %select_n3A_1196 = arith.select %gt3A_1191, %broadcast_in_dim3A_1194, %broadcast_in_dim3A_1195 : vector<16xi1>, vector<16xf32>
    %add3A_1197 = arith.addf %add3A_1190, %select_n3A_1196 : vector<16xf32>
    %broadcast_in_dim3A_1198 = arith.constant 0.000000e+00 : f32
    %broadcast_in_dim3A_1199 = vector.broadcast %broadcast_in_dim3A_1198 : f32 to vector<16xf32>
    %ge3A_1200 = arith.cmpf oge, %get3A_1088, %get3A_1102 : vector<16xf32>
    %jit3A_1201 = arith.constant 1.000000e+00 : f32
    %jit3A_1202 = arith.constant 0.000000e+00 : f32
    %broadcast_in_dim3A_1203 = vector.broadcast %jit3A_1201 : f32 to vector<16xf32>
    %broadcast_in_dim3A_1204 = vector.broadcast %jit3A_1202 : f32 to vector<16xf32>
    %select_n3A_1205 = arith.select %ge3A_1200, %broadcast_in_dim3A_1203, %broadcast_in_dim3A_1204 : vector<16xi1>, vector<16xf32>
    %add3A_1206 = arith.addf %broadcast_in_dim3A_1199, %select_n3A_1205 : vector<16xf32>
    %ge3A_1207 = arith.cmpf oge, %get3A_1095, %get3A_1102 : vector<16xf32>
    %jit3A_1208 = arith.constant 1.000000e+00 : f32
    %jit3A_1209 = arith.constant 0.000000e+00 : f32
    %broadcast_in_dim3A_1210 = vector.broadcast %jit3A_1208 : f32 to vector<16xf32>
    %broadcast_in_dim3A_1211 = vector.broadcast %jit3A_1209 : f32 to vector<16xf32>
    %select_n3A_1212 = arith.select %ge3A_1207, %broadcast_in_dim3A_1210, %broadcast_in_dim3A_1211 : vector<16xi1>, vector<16xf32>
    %add3A_1213 = arith.addf %add3A_1206, %select_n3A_1212 : vector<16xf32>
    %gt3A_1214 = arith.cmpf ogt, %get3A_1109, %get3A_1102 : vector<16xf32>
    %jit3A_1215 = arith.constant 1.000000e+00 : f32
    %jit3A_1216 = arith.constant 0.000000e+00 : f32
    %broadcast_in_dim3A_1217 = vector.broadcast %jit3A_1215 : f32 to vector<16xf32>
    %broadcast_in_dim3A_1218 = vector.broadcast %jit3A_1216 : f32 to vector<16xf32>
    %select_n3A_1219 = arith.select %gt3A_1214, %broadcast_in_dim3A_1217, %broadcast_in_dim3A_1218 : vector<16xi1>, vector<16xf32>
    %add3A_1220 = arith.addf %add3A_1213, %select_n3A_1219 : vector<16xf32>
    %gt3A_1221 = arith.cmpf ogt, %get3A_1116, %get3A_1102 : vector<16xf32>
    %jit3A_1222 = arith.constant 1.000000e+00 : f32
    %jit3A_1223 = arith.constant 0.000000e+00 : f32
    %broadcast_in_dim3A_1224 = vector.broadcast %jit3A_1222 : f32 to vector<16xf32>
    %broadcast_in_dim3A_1225 = vector.broadcast %jit3A_1223 : f32 to vector<16xf32>
    %select_n3A_1226 = arith.select %gt3A_1221, %broadcast_in_dim3A_1224, %broadcast_in_dim3A_1225 : vector<16xi1>, vector<16xf32>
    %add3A_1227 = arith.addf %add3A_1220, %select_n3A_1226 : vector<16xf32>
    %gt3A_1228 = arith.cmpf ogt, %get3A_1123, %get3A_1102 : vector<16xf32>
    %jit3A_1229 = arith.constant 1.000000e+00 : f32
    %jit3A_1230 = arith.constant 0.000000e+00 : f32
    %broadcast_in_dim3A_1231 = vector.broadcast %jit3A_1229 : f32 to vector<16xf32>
    %broadcast_in_dim3A_1232 = vector.broadcast %jit3A_1230 : f32 to vector<16xf32>
    %select_n3A_1233 = arith.select %gt3A_1228, %broadcast_in_dim3A_1231, %broadcast_in_dim3A_1232 : vector<16xi1>, vector<16xf32>
    %add3A_1234 = arith.addf %add3A_1227, %select_n3A_1233 : vector<16xf32>
    %broadcast_in_dim3A_1235 = arith.constant 0.000000e+00 : f32
    %broadcast_in_dim3A_1236 = vector.broadcast %broadcast_in_dim3A_1235 : f32 to vector<16xf32>
    %ge3A_1237 = arith.cmpf oge, %get3A_1088, %get3A_1109 : vector<16xf32>
    %jit3A_1238 = arith.constant 1.000000e+00 : f32
    %jit3A_1239 = arith.constant 0.000000e+00 : f32
    %broadcast_in_dim3A_1240 = vector.broadcast %jit3A_1238 : f32 to vector<16xf32>
    %broadcast_in_dim3A_1241 = vector.broadcast %jit3A_1239 : f32 to vector<16xf32>
    %select_n3A_1242 = arith.select %ge3A_1237, %broadcast_in_dim3A_1240, %broadcast_in_dim3A_1241 : vector<16xi1>, vector<16xf32>
    %add3A_1243 = arith.addf %broadcast_in_dim3A_1236, %select_n3A_1242 : vector<16xf32>
    %ge3A_1244 = arith.cmpf oge, %get3A_1095, %get3A_1109 : vector<16xf32>
    %jit3A_1245 = arith.constant 1.000000e+00 : f32
    %jit3A_1246 = arith.constant 0.000000e+00 : f32
    %broadcast_in_dim3A_1247 = vector.broadcast %jit3A_1245 : f32 to vector<16xf32>
    %broadcast_in_dim3A_1248 = vector.broadcast %jit3A_1246 : f32 to vector<16xf32>
    %select_n3A_1249 = arith.select %ge3A_1244, %broadcast_in_dim3A_1247, %broadcast_in_dim3A_1248 : vector<16xi1>, vector<16xf32>
    %add3A_1250 = arith.addf %add3A_1243, %select_n3A_1249 : vector<16xf32>
    %ge3A_1251 = arith.cmpf oge, %get3A_1102, %get3A_1109 : vector<16xf32>
    %jit3A_1252 = arith.constant 1.000000e+00 : f32
    %jit3A_1253 = arith.constant 0.000000e+00 : f32
    %broadcast_in_dim3A_1254 = vector.broadcast %jit3A_1252 : f32 to vector<16xf32>
    %broadcast_in_dim3A_1255 = vector.broadcast %jit3A_1253 : f32 to vector<16xf32>
    %select_n3A_1256 = arith.select %ge3A_1251, %broadcast_in_dim3A_1254, %broadcast_in_dim3A_1255 : vector<16xi1>, vector<16xf32>
    %add3A_1257 = arith.addf %add3A_1250, %select_n3A_1256 : vector<16xf32>
    %gt3A_1258 = arith.cmpf ogt, %get3A_1116, %get3A_1109 : vector<16xf32>
    %jit3A_1259 = arith.constant 1.000000e+00 : f32
    %jit3A_1260 = arith.constant 0.000000e+00 : f32
    %broadcast_in_dim3A_1261 = vector.broadcast %jit3A_1259 : f32 to vector<16xf32>
    %broadcast_in_dim3A_1262 = vector.broadcast %jit3A_1260 : f32 to vector<16xf32>
    %select_n3A_1263 = arith.select %gt3A_1258, %broadcast_in_dim3A_1261, %broadcast_in_dim3A_1262 : vector<16xi1>, vector<16xf32>
    %add3A_1264 = arith.addf %add3A_1257, %select_n3A_1263 : vector<16xf32>
    %gt3A_1265 = arith.cmpf ogt, %get3A_1123, %get3A_1109 : vector<16xf32>
    %jit3A_1266 = arith.constant 1.000000e+00 : f32
    %jit3A_1267 = arith.constant 0.000000e+00 : f32
    %broadcast_in_dim3A_1268 = vector.broadcast %jit3A_1266 : f32 to vector<16xf32>
    %broadcast_in_dim3A_1269 = vector.broadcast %jit3A_1267 : f32 to vector<16xf32>
    %select_n3A_1270 = arith.select %gt3A_1265, %broadcast_in_dim3A_1268, %broadcast_in_dim3A_1269 : vector<16xi1>, vector<16xf32>
    %add3A_1271 = arith.addf %add3A_1264, %select_n3A_1270 : vector<16xf32>
    %broadcast_in_dim3A_1272 = arith.constant 0.000000e+00 : f32
    %broadcast_in_dim3A_1273 = vector.broadcast %broadcast_in_dim3A_1272 : f32 to vector<16xf32>
    %ge3A_1274 = arith.cmpf oge, %get3A_1088, %get3A_1116 : vector<16xf32>
    %jit3A_1275 = arith.constant 1.000000e+00 : f32
    %jit3A_1276 = arith.constant 0.000000e+00 : f32
    %broadcast_in_dim3A_1277 = vector.broadcast %jit3A_1275 : f32 to vector<16xf32>
    %broadcast_in_dim3A_1278 = vector.broadcast %jit3A_1276 : f32 to vector<16xf32>
    %select_n3A_1279 = arith.select %ge3A_1274, %broadcast_in_dim3A_1277, %broadcast_in_dim3A_1278 : vector<16xi1>, vector<16xf32>
    %add3A_1280 = arith.addf %broadcast_in_dim3A_1273, %select_n3A_1279 : vector<16xf32>
    %ge3A_1281 = arith.cmpf oge, %get3A_1095, %get3A_1116 : vector<16xf32>
    %jit3A_1282 = arith.constant 1.000000e+00 : f32
    %jit3A_1283 = arith.constant 0.000000e+00 : f32
    %broadcast_in_dim3A_1284 = vector.broadcast %jit3A_1282 : f32 to vector<16xf32>
    %broadcast_in_dim3A_1285 = vector.broadcast %jit3A_1283 : f32 to vector<16xf32>
    %select_n3A_1286 = arith.select %ge3A_1281, %broadcast_in_dim3A_1284, %broadcast_in_dim3A_1285 : vector<16xi1>, vector<16xf32>
    %add3A_1287 = arith.addf %add3A_1280, %select_n3A_1286 : vector<16xf32>
    %ge3A_1288 = arith.cmpf oge, %get3A_1102, %get3A_1116 : vector<16xf32>
    %jit3A_1289 = arith.constant 1.000000e+00 : f32
    %jit3A_1290 = arith.constant 0.000000e+00 : f32
    %broadcast_in_dim3A_1291 = vector.broadcast %jit3A_1289 : f32 to vector<16xf32>
    %broadcast_in_dim3A_1292 = vector.broadcast %jit3A_1290 : f32 to vector<16xf32>
    %select_n3A_1293 = arith.select %ge3A_1288, %broadcast_in_dim3A_1291, %broadcast_in_dim3A_1292 : vector<16xi1>, vector<16xf32>
    %add3A_1294 = arith.addf %add3A_1287, %select_n3A_1293 : vector<16xf32>
    %ge3A_1295 = arith.cmpf oge, %get3A_1109, %get3A_1116 : vector<16xf32>
    %jit3A_1296 = arith.constant 1.000000e+00 : f32
    %jit3A_1297 = arith.constant 0.000000e+00 : f32
    %broadcast_in_dim3A_1298 = vector.broadcast %jit3A_1296 : f32 to vector<16xf32>
    %broadcast_in_dim3A_1299 = vector.broadcast %jit3A_1297 : f32 to vector<16xf32>
    %select_n3A_1300 = arith.select %ge3A_1295, %broadcast_in_dim3A_1298, %broadcast_in_dim3A_1299 : vector<16xi1>, vector<16xf32>
    %add3A_1301 = arith.addf %add3A_1294, %select_n3A_1300 : vector<16xf32>
    %gt3A_1302 = arith.cmpf ogt, %get3A_1123, %get3A_1116 : vector<16xf32>
    %jit3A_1303 = arith.constant 1.000000e+00 : f32
    %jit3A_1304 = arith.constant 0.000000e+00 : f32
    %broadcast_in_dim3A_1305 = vector.broadcast %jit3A_1303 : f32 to vector<16xf32>
    %broadcast_in_dim3A_1306 = vector.broadcast %jit3A_1304 : f32 to vector<16xf32>
    %select_n3A_1307 = arith.select %gt3A_1302, %broadcast_in_dim3A_1305, %broadcast_in_dim3A_1306 : vector<16xi1>, vector<16xf32>
    %add3A_1308 = arith.addf %add3A_1301, %select_n3A_1307 : vector<16xf32>
    %broadcast_in_dim3A_1309 = arith.constant 0.000000e+00 : f32
    %broadcast_in_dim3A_1310 = vector.broadcast %broadcast_in_dim3A_1309 : f32 to vector<16xf32>
    %ge3A_1311 = arith.cmpf oge, %get3A_1088, %get3A_1123 : vector<16xf32>
    %jit3A_1312 = arith.constant 1.000000e+00 : f32
    %jit3A_1313 = arith.constant 0.000000e+00 : f32
    %broadcast_in_dim3A_1314 = vector.broadcast %jit3A_1312 : f32 to vector<16xf32>
    %broadcast_in_dim3A_1315 = vector.broadcast %jit3A_1313 : f32 to vector<16xf32>
    %select_n3A_1316 = arith.select %ge3A_1311, %broadcast_in_dim3A_1314, %broadcast_in_dim3A_1315 : vector<16xi1>, vector<16xf32>
    %add3A_1317 = arith.addf %broadcast_in_dim3A_1310, %select_n3A_1316 : vector<16xf32>
    %ge3A_1318 = arith.cmpf oge, %get3A_1095, %get3A_1123 : vector<16xf32>
    %jit3A_1319 = arith.constant 1.000000e+00 : f32
    %jit3A_1320 = arith.constant 0.000000e+00 : f32
    %broadcast_in_dim3A_1321 = vector.broadcast %jit3A_1319 : f32 to vector<16xf32>
    %broadcast_in_dim3A_1322 = vector.broadcast %jit3A_1320 : f32 to vector<16xf32>
    %select_n3A_1323 = arith.select %ge3A_1318, %broadcast_in_dim3A_1321, %broadcast_in_dim3A_1322 : vector<16xi1>, vector<16xf32>
    %add3A_1324 = arith.addf %add3A_1317, %select_n3A_1323 : vector<16xf32>
    %ge3A_1325 = arith.cmpf oge, %get3A_1102, %get3A_1123 : vector<16xf32>
    %jit3A_1326 = arith.constant 1.000000e+00 : f32
    %jit3A_1327 = arith.constant 0.000000e+00 : f32
    %broadcast_in_dim3A_1328 = vector.broadcast %jit3A_1326 : f32 to vector<16xf32>
    %broadcast_in_dim3A_1329 = vector.broadcast %jit3A_1327 : f32 to vector<16xf32>
    %select_n3A_1330 = arith.select %ge3A_1325, %broadcast_in_dim3A_1328, %broadcast_in_dim3A_1329 : vector<16xi1>, vector<16xf32>
    %add3A_1331 = arith.addf %add3A_1324, %select_n3A_1330 : vector<16xf32>
    %ge3A_1332 = arith.cmpf oge, %get3A_1109, %get3A_1123 : vector<16xf32>
    %jit3A_1333 = arith.constant 1.000000e+00 : f32
    %jit3A_1334 = arith.constant 0.000000e+00 : f32
    %broadcast_in_dim3A_1335 = vector.broadcast %jit3A_1333 : f32 to vector<16xf32>
    %broadcast_in_dim3A_1336 = vector.broadcast %jit3A_1334 : f32 to vector<16xf32>
    %select_n3A_1337 = arith.select %ge3A_1332, %broadcast_in_dim3A_1335, %broadcast_in_dim3A_1336 : vector<16xi1>, vector<16xf32>
    %add3A_1338 = arith.addf %add3A_1331, %select_n3A_1337 : vector<16xf32>
    %ge3A_1339 = arith.cmpf oge, %get3A_1116, %get3A_1123 : vector<16xf32>
    %jit3A_1340 = arith.constant 1.000000e+00 : f32
    %jit3A_1341 = arith.constant 0.000000e+00 : f32
    %broadcast_in_dim3A_1342 = vector.broadcast %jit3A_1340 : f32 to vector<16xf32>
    %broadcast_in_dim3A_1343 = vector.broadcast %jit3A_1341 : f32 to vector<16xf32>
    %select_n3A_1344 = arith.select %ge3A_1339, %broadcast_in_dim3A_1342, %broadcast_in_dim3A_1343 : vector<16xi1>, vector<16xf32>
    %add3A_1345 = arith.addf %add3A_1338, %select_n3A_1344 : vector<16xf32>
    %max3A_1346 = arith.maximumf %get3A_1088, %get3A_1095 : vector<16xf32>
    %max3A_1347 = arith.maximumf %max3A_1346, %get3A_1102 : vector<16xf32>
    %max3A_1348 = arith.maximumf %max3A_1347, %get3A_1109 : vector<16xf32>
    %max3A_1349 = arith.maximumf %max3A_1348, %get3A_1116 : vector<16xf32>
    %max3A_1350 = arith.maximumf %max3A_1349, %get3A_1123 : vector<16xf32>
    %lt3A_1351 = arith.constant 4.000000e+00 : f32
    %lt3A_1352 = vector.broadcast %lt3A_1351 : f32 to vector<16xf32>
    %lt3A_1353 = arith.cmpf olt, %add3A_1160, %lt3A_1352 : vector<16xf32>
    %sub3A_1354 = arith.subf %get3A_1088, %max3A_1350 : vector<16xf32>
    %exp3A_1355 = math.exp %sub3A_1354 : vector<16xf32>
    %jit3A_1356 = arith.constant 0.000000e+00 : f32
    %broadcast_in_dim3A_1357 = vector.broadcast %jit3A_1356 : f32 to vector<16xf32>
    %select_n3A_1358 = arith.select %lt3A_1353, %exp3A_1355, %broadcast_in_dim3A_1357 : vector<16xi1>, vector<16xf32>
    %lt3A_1359 = arith.constant 4.000000e+00 : f32
    %lt3A_1360 = vector.broadcast %lt3A_1359 : f32 to vector<16xf32>
    %lt3A_1361 = arith.cmpf olt, %add3A_1197, %lt3A_1360 : vector<16xf32>
    %sub3A_1362 = arith.subf %get3A_1095, %max3A_1350 : vector<16xf32>
    %exp3A_1363 = math.exp %sub3A_1362 : vector<16xf32>
    %jit3A_1364 = arith.constant 0.000000e+00 : f32
    %broadcast_in_dim3A_1365 = vector.broadcast %jit3A_1364 : f32 to vector<16xf32>
    %select_n3A_1366 = arith.select %lt3A_1361, %exp3A_1363, %broadcast_in_dim3A_1365 : vector<16xi1>, vector<16xf32>
    %lt3A_1367 = arith.constant 4.000000e+00 : f32
    %lt3A_1368 = vector.broadcast %lt3A_1367 : f32 to vector<16xf32>
    %lt3A_1369 = arith.cmpf olt, %add3A_1234, %lt3A_1368 : vector<16xf32>
    %sub3A_1370 = arith.subf %get3A_1102, %max3A_1350 : vector<16xf32>
    %exp3A_1371 = math.exp %sub3A_1370 : vector<16xf32>
    %jit3A_1372 = arith.constant 0.000000e+00 : f32
    %broadcast_in_dim3A_1373 = vector.broadcast %jit3A_1372 : f32 to vector<16xf32>
    %select_n3A_1374 = arith.select %lt3A_1369, %exp3A_1371, %broadcast_in_dim3A_1373 : vector<16xi1>, vector<16xf32>
    %lt3A_1375 = arith.constant 4.000000e+00 : f32
    %lt3A_1376 = vector.broadcast %lt3A_1375 : f32 to vector<16xf32>
    %lt3A_1377 = arith.cmpf olt, %add3A_1271, %lt3A_1376 : vector<16xf32>
    %sub3A_1378 = arith.subf %get3A_1109, %max3A_1350 : vector<16xf32>
    %exp3A_1379 = math.exp %sub3A_1378 : vector<16xf32>
    %jit3A_1380 = arith.constant 0.000000e+00 : f32
    %broadcast_in_dim3A_1381 = vector.broadcast %jit3A_1380 : f32 to vector<16xf32>
    %select_n3A_1382 = arith.select %lt3A_1377, %exp3A_1379, %broadcast_in_dim3A_1381 : vector<16xi1>, vector<16xf32>
    %lt3A_1383 = arith.constant 4.000000e+00 : f32
    %lt3A_1384 = vector.broadcast %lt3A_1383 : f32 to vector<16xf32>
    %lt3A_1385 = arith.cmpf olt, %add3A_1308, %lt3A_1384 : vector<16xf32>
    %sub3A_1386 = arith.subf %get3A_1116, %max3A_1350 : vector<16xf32>
    %exp3A_1387 = math.exp %sub3A_1386 : vector<16xf32>
    %jit3A_1388 = arith.constant 0.000000e+00 : f32
    %broadcast_in_dim3A_1389 = vector.broadcast %jit3A_1388 : f32 to vector<16xf32>
    %select_n3A_1390 = arith.select %lt3A_1385, %exp3A_1387, %broadcast_in_dim3A_1389 : vector<16xi1>, vector<16xf32>
    %lt3A_1391 = arith.constant 4.000000e+00 : f32
    %lt3A_1392 = vector.broadcast %lt3A_1391 : f32 to vector<16xf32>
    %lt3A_1393 = arith.cmpf olt, %add3A_1345, %lt3A_1392 : vector<16xf32>
    %sub3A_1394 = arith.subf %get3A_1123, %max3A_1350 : vector<16xf32>
    %exp3A_1395 = math.exp %sub3A_1394 : vector<16xf32>
    %jit3A_1396 = arith.constant 0.000000e+00 : f32
    %broadcast_in_dim3A_1397 = vector.broadcast %jit3A_1396 : f32 to vector<16xf32>
    %select_n3A_1398 = arith.select %lt3A_1393, %exp3A_1395, %broadcast_in_dim3A_1397 : vector<16xi1>, vector<16xf32>
    %add3A_1399 = arith.addf %select_n3A_1358, %select_n3A_1366 : vector<16xf32>
    %add3A_1400 = arith.addf %add3A_1399, %select_n3A_1374 : vector<16xf32>
    %add3A_1401 = arith.addf %add3A_1400, %select_n3A_1382 : vector<16xf32>
    %add3A_1402 = arith.addf %add3A_1401, %select_n3A_1390 : vector<16xf32>
    %add3A_1403 = arith.addf %add3A_1402, %select_n3A_1398 : vector<16xf32>
    %div3A_1404 = arith.constant 1.000000e+00 : f32
    %div3A_1405 = vector.broadcast %div3A_1404 : f32 to vector<16xf32>
    %div3A_1406 = arith.divf %div3A_1405, %add3A_1403 : vector<16xf32>
    %mul3A_1407 = arith.mulf %select_n3A_1358, %div3A_1406 : vector<16xf32>
    %swap3A_1408 = arith.constant 48 : index
    %swap3A_1409 = tpu.vector_load %arg5[%swap3A_1408] {strides = array<i32>} : memref<512xf32, #tpu.memory_space<vmem>>, vector<16xf32>,
    %swap3A_1410 = vector.shape_cast %swap3A_1409 : vector<16xf32> to vector<16xf32>
    %swap3A_1411 = vector.shape_cast %mul3A_1407 : vector<16xf32> to vector<16xf32>
    tpu.vector_store %arg5[%swap3A_1408], %swap3A_1411 {strides = array<i32>} : memref<512xf32, #tpu.memory_space<vmem>>, vector<16xf32>,
    %mul3A_1412 = arith.mulf %select_n3A_1366, %div3A_1406 : vector<16xf32>
    %swap3A_1413 = arith.constant 112 : index
    %swap3A_1414 = tpu.vector_load %arg5[%swap3A_1413] {strides = array<i32>} : memref<512xf32, #tpu.memory_space<vmem>>, vector<16xf32>,
    %swap3A_1415 = vector.shape_cast %swap3A_1414 : vector<16xf32> to vector<16xf32>
    %swap3A_1416 = vector.shape_cast %mul3A_1412 : vector<16xf32> to vector<16xf32>
    tpu.vector_store %arg5[%swap3A_1413], %swap3A_1416 {strides = array<i32>} : memref<512xf32, #tpu.memory_space<vmem>>, vector<16xf32>,
    %mul3A_1417 = arith.mulf %select_n3A_1374, %div3A_1406 : vector<16xf32>
    %swap3A_1418 = arith.constant 176 : index
    %swap3A_1419 = tpu.vector_load %arg5[%swap3A_1418] {strides = array<i32>} : memref<512xf32, #tpu.memory_space<vmem>>, vector<16xf32>,
    %swap3A_1420 = vector.shape_cast %swap3A_1419 : vector<16xf32> to vector<16xf32>
    %swap3A_1421 = vector.shape_cast %mul3A_1417 : vector<16xf32> to vector<16xf32>
    tpu.vector_store %arg5[%swap3A_1418], %swap3A_1421 {strides = array<i32>} : memref<512xf32, #tpu.memory_space<vmem>>, vector<16xf32>,
    %mul3A_1422 = arith.mulf %select_n3A_1382, %div3A_1406 : vector<16xf32>
    %swap3A_1423 = arith.constant 240 : index
    %swap3A_1424 = tpu.vector_load %arg5[%swap3A_1423] {strides = array<i32>} : memref<512xf32, #tpu.memory_space<vmem>>, vector<16xf32>,
    %swap3A_1425 = vector.shape_cast %swap3A_1424 : vector<16xf32> to vector<16xf32>
    %swap3A_1426 = vector.shape_cast %mul3A_1422 : vector<16xf32> to vector<16xf32>
    tpu.vector_store %arg5[%swap3A_1423], %swap3A_1426 {strides = array<i32>} : memref<512xf32, #tpu.memory_space<vmem>>, vector<16xf32>,
    %mul3A_1427 = arith.mulf %select_n3A_1390, %div3A_1406 : vector<16xf32>
    %swap3A_1428 = arith.constant 304 : index
    %swap3A_1429 = tpu.vector_load %arg5[%swap3A_1428] {strides = array<i32>} : memref<512xf32, #tpu.memory_space<vmem>>, vector<16xf32>,
    %swap3A_1430 = vector.shape_cast %swap3A_1429 : vector<16xf32> to vector<16xf32>
    %swap3A_1431 = vector.shape_cast %mul3A_1427 : vector<16xf32> to vector<16xf32>
    tpu.vector_store %arg5[%swap3A_1428], %swap3A_1431 {strides = array<i32>} : memref<512xf32, #tpu.memory_space<vmem>>, vector<16xf32>,
    %mul3A_1432 = arith.mulf %select_n3A_1398, %div3A_1406 : vector<16xf32>
    %swap3A_1433 = arith.constant 368 : index
    %swap3A_1434 = tpu.vector_load %arg5[%swap3A_1433] {strides = array<i32>} : memref<512xf32, #tpu.memory_space<vmem>>, vector<16xf32>,
    %swap3A_1435 = vector.shape_cast %swap3A_1434 : vector<16xf32> to vector<16xf32>
    %swap3A_1436 = vector.shape_cast %mul3A_1432 : vector<16xf32> to vector<16xf32>
    tpu.vector_store %arg5[%swap3A_1433], %swap3A_1436 {strides = array<i32>} : memref<512xf32, #tpu.memory_space<vmem>>, vector<16xf32>,
    %swap3A_1437 = arith.constant 432 : index
    %swap3A_1438 = tpu.vector_load %arg5[%swap3A_1437] {strides = array<i32>} : memref<512xf32, #tpu.memory_space<vmem>>, vector<16xf32>,
    %swap3A_1439 = vector.shape_cast %swap3A_1438 : vector<16xf32> to vector<16xf32>
    %swap3A_1440 = vector.shape_cast %broadcast_in_dim3A_3 : vector<16xf32> to vector<16xf32>
    tpu.vector_store %arg5[%swap3A_1437], %swap3A_1440 {strides = array<i32>} : memref<512xf32, #tpu.memory_space<vmem>>, vector<16xf32>,
    %swap3A_1441 = arith.constant 496 : index
    %swap3A_1442 = tpu.vector_load %arg5[%swap3A_1441] {strides = array<i32>} : memref<512xf32, #tpu.memory_space<vmem>>, vector<16xf32>,
    %swap3A_1443 = vector.shape_cast %swap3A_1442 : vector<16xf32> to vector<16xf32>
    %swap3A_1444 = vector.shape_cast %broadcast_in_dim3A_3 : vector<16xf32> to vector<16xf32>
    tpu.vector_store %arg5[%swap3A_1441], %swap3A_1444 {strides = array<i32>} : memref<512xf32, #tpu.memory_space<vmem>>, vector<16xf32>,
    %mul3A_1445 = arith.constant 8 : i32
    %mul3A_1446 = arith.muli %add3A, %mul3A_1445 : i32
    %mul3A_1447 = arith.constant 64 : i32
    %mul3A_1448 = arith.muli %mul3A_1446, %mul3A_1447 : i32
    "tpu.region"() ({
      %run_scoped3A = tpu.sem_alloc : memref<!tpu.dma_semaphore, #tpu.memory_space<semaphore_mem>>
      %dma_start3A = tpu.memref_slice %arg3[%mul3A_1448] : memref<16384xf32, #tpu.memory_space<hbm>> -> memref<512xf32, #tpu.memory_space<hbm>>
      %dma_start3A_1449 = tpu.memref_slice %arg3[%mul3A_1448] : memref<16384xf32, #tpu.memory_space<hbm>> -> memref<512xf32, #tpu.memory_space<hbm>>
      tpu.enqueue_dma source(%arg5 : memref<512xf32, #tpu.memory_space<vmem>>) target(%dma_start3A_1449 : memref<512xf32, #tpu.memory_space<hbm>>) target_semaphore(%run_scoped3A : memref<!tpu.dma_semaphore, #tpu.memory_space<semaphore_mem>>)
      %dma_wait3A = tpu.memref_slice %arg3[%mul3A_1448] : memref<16384xf32, #tpu.memory_space<hbm>> -> memref<512xf32, #tpu.memory_space<hbm>>
      %dma_wait3A_1450 = tpu.memref_slice %arg3[%mul3A_1448] : memref<16384xf32, #tpu.memory_space<hbm>> -> memref<512xf32, #tpu.memory_space<hbm>>
      tpu.wait_dma2 semaphore(%run_scoped3A : memref<!tpu.dma_semaphore, #tpu.memory_space<semaphore_mem>>) src(%arg5 : memref<512xf32, #tpu.memory_space<vmem>>) dst(%dma_wait3A_1450 : memref<512xf32, #tpu.memory_space<hbm>>)
      tpu.yield
    }) : () -> ()
    return
  }
}

module attributes {stable_mosaic.version = 14 : i64} {
  func.func @_logits_body(%arg0: memref<2048x512xf32, #tpu.memory_space<vmem>>, %arg1: memref<512x6xf32, #tpu.memory_space<vmem>>, %arg2: memref<6x1xf32, #tpu.memory_space<vmem>>, %arg3: memref<8x2048xf32, #tpu.memory_space<vmem>>) attributes {dimension_semantics = [], scalar_prefetch = 0 : i64, scratch_operands = 0 : i64, tpu.core_type = #tpu.core_type<tc>} {
    %get3A = arith.constant 0 : index
    %get3A_0 = arith.constant 0 : index
    %get3A_1 = vector.load %arg1[%get3A, %get3A_0] : memref<512x6xf32, #tpu.memory_space<vmem>>, vector<512x6xf32>
    %get3A_2 = arith.constant 0 : index
    %get3A_3 = arith.constant 0 : index
    %get3A_4 = vector.load %arg0[%get3A_2, %get3A_3] : memref<2048x512xf32, #tpu.memory_space<vmem>>, vector<2048x512xf32>
    %dot_general3A = arith.constant dense<0.000000e+00> : vector<6x2048xf32>
    %dot_general3A_5 = tpu.matmul %get3A_1, %get3A_4, %dot_general3A {dimension_numbers = #tpu.dot_dimension_numbers<[0], [1], [1], [0], [0, 1, 1, 0], [], []>, transpose_lhs_hint = false} : vector<512x6xf32>, vector<2048x512xf32>, vector<6x2048xf32> -> vector<6x2048xf32>
    %get3A_6 = arith.constant 0 : index
    %get3A_7 = arith.constant 0 : index
    %get3A_8 = vector.load %arg2[%get3A_6, %get3A_7] : memref<6x1xf32, #tpu.memory_space<vmem>>, vector<6x1xf32>
    %add3A = vector.broadcast %get3A_8 : vector<6x1xf32> to vector<6x2048xf32>
    %add3A_9 = arith.addf %dot_general3A_5, %add3A : vector<6x2048xf32>
    %swap3A = arith.constant 0 : index
    %swap3A_10 = arith.constant 0 : index
    %swap3A_11 = vector.load %arg3[%swap3A, %swap3A_10] : memref<8x2048xf32, #tpu.memory_space<vmem>>, vector<6x2048xf32>
    tpu.vector_store %arg3[%swap3A, %swap3A_10], %add3A_9 {strides = array<i32>} : memref<8x2048xf32, #tpu.memory_space<vmem>>, vector<6x2048xf32>,
    %broadcast_in_dim3A = arith.constant 0.000000e+00 : f32
    %broadcast_in_dim3A_12 = vector.broadcast %broadcast_in_dim3A : f32 to vector<2x2048xf32>
    %swap3A_13 = arith.constant 6 : index
    %swap3A_14 = arith.constant 0 : index
    %swap3A_15 = vector.load %arg3[%swap3A_13, %swap3A_14] : memref<8x2048xf32, #tpu.memory_space<vmem>>, vector<2x2048xf32>
    tpu.vector_store %arg3[%swap3A_13, %swap3A_14], %broadcast_in_dim3A_12 {strides = array<i32>} : memref<8x2048xf32, #tpu.memory_space<vmem>>, vector<2x2048xf32>,
    return
  }
}

module attributes {stable_mosaic.version = 14 : i64} {
  func.func @_fused_body(%arg0: i32, %arg1: memref<512x512xf32, #tpu.memory_space<vmem>>, %arg2: memref<8x512xf32, #tpu.memory_space<vmem>>, %arg3: memref<96x113xbf16, #tpu.memory_space<vmem>>, %arg4: memref<48x51xbf16, #tpu.memory_space<vmem>>, %arg5: memref<24x24xbf16, #tpu.memory_space<vmem>>, %arg6: memref<12x1024xf32, #tpu.memory_space<vmem>>, %arg7: memref<6x1024xf32, #tpu.memory_space<vmem>>, %arg8: memref<3x1024xf32, #tpu.memory_space<vmem>>, %arg9: memref<1017x1024xf32, #tpu.memory_space<vmem>>, %arg10: memref<1020x1024xf32, #tpu.memory_space<vmem>>, %arg11: memref<984x1024xf32, #tpu.memory_space<vmem>>, %arg12: memref<1008x1024xf32, #tpu.memory_space<vmem>>, %arg13: memref<1014x1024xf32, #tpu.memory_space<vmem>>, %arg14: memref<1020x1024xf32, #tpu.memory_space<vmem>>, %arg15: memref<6x1024xf32, #tpu.memory_space<vmem>>, %arg16: memref<6x1024xf32, #tpu.memory_space<vmem>>, %arg17: memref<512x1024xf32, #tpu.memory_space<vmem>>, %arg18: memref<513x6144xbf16, #tpu.memory_space<vmem>>, %arg19: memref<513x1024xbf16, #tpu.memory_space<vmem>>, %arg20: memref<1024x1024xbf16, #tpu.memory_space<vmem>>) attributes {dimension_semantics = [#tpu.dimension_semantics<arbitrary>], iteration_bounds = array<i64: 5>, scalar_prefetch = 0 : i64, scratch_operands = 3 : i64, tpu.core_type = #tpu.core_type<tc>, window_params = [{transform_indices = @transform_0, window_bounds = array<i64: 512, 512>}, {transform_indices = @transform_1, window_bounds = array<i64: 8, 512>}, {pipeline_mode = #tpu.pipeline_mode<synchronous>, transform_indices = @transform_2, window_bounds = array<i64: 96, 113>}, {pipeline_mode = #tpu.pipeline_mode<synchronous>, transform_indices = @transform_3, window_bounds = array<i64: 48, 51>}, {pipeline_mode = #tpu.pipeline_mode<synchronous>, transform_indices = @transform_4, window_bounds = array<i64: 24, 24>}, {pipeline_mode = #tpu.pipeline_mode<synchronous>, transform_indices = @transform_5, window_bounds = array<i64: 12, 1024>}, {pipeline_mode = #tpu.pipeline_mode<synchronous>, transform_indices = @transform_6, window_bounds = array<i64: 6, 1024>}, {pipeline_mode = #tpu.pipeline_mode<synchronous>, transform_indices = @transform_7, window_bounds = array<i64: 3, 1024>}, {pipeline_mode = #tpu.pipeline_mode<synchronous>, transform_indices = @transform_8, window_bounds = array<i64: 1017, 1024>}, {pipeline_mode = #tpu.pipeline_mode<synchronous>, transform_indices = @transform_9, window_bounds = array<i64: 1020, 1024>}, {pipeline_mode = #tpu.pipeline_mode<synchronous>, transform_indices = @transform_10, window_bounds = array<i64: 984, 1024>}, {pipeline_mode = #tpu.pipeline_mode<synchronous>, transform_indices = @transform_11, window_bounds = array<i64: 1008, 1024>}, {pipeline_mode = #tpu.pipeline_mode<synchronous>, transform_indices = @transform_12, window_bounds = array<i64: 1014, 1024>}, {pipeline_mode = #tpu.pipeline_mode<synchronous>, transform_indices = @transform_13, window_bounds = array<i64: 1020, 1024>}, {pipeline_mode = #tpu.pipeline_mode<synchronous>, transform_indices = @transform_14, window_bounds = array<i64: 6, 1024>}, {pipeline_mode = #tpu.pipeline_mode<synchronous>, transform_indices = @transform_15, window_bounds = array<i64: 6, 1024>}, {transform_indices = @transform_16, window_bounds = array<i64: 512, 1024>}]} {
    %eq3A = arith.constant 0 : i32
    %eq3A_0 = arith.cmpi eq, %arg0, %eq3A : i32
    %convert_element_type3A = arith.extui %eq3A_0 : i1 to i32
    %cond3A = arith.constant 0 : i32
    %cond3A_1 = arith.cmpi ne, %convert_element_type3A, %cond3A : i32
    scf.if %cond3A_1 {
      %iota3A = tpu.iota {dimensions = array<i32: 0>} : vector<513x1024xi32>
      %iota3A_6 = tpu.iota {dimensions = array<i32: 1>} : vector<513x1024xi32>
      %broadcast_in_dim3A = arith.constant 0.000000e+00 : bf16
      %broadcast_in_dim3A_7 = vector.broadcast %broadcast_in_dim3A : bf16 to vector<513x1024xbf16>
      %swap3A = arith.constant 0 : index
      %swap3A_8 = arith.constant 0 : index
      %swap3A_9 = vector.load %arg19[%swap3A, %swap3A_8] : memref<513x1024xbf16, #tpu.memory_space<vmem>>, vector<513x1024xbf16>
      tpu.vector_store %arg19[%swap3A, %swap3A_8], %broadcast_in_dim3A_7 {strides = array<i32>} : memref<513x1024xbf16, #tpu.memory_space<vmem>>, vector<513x1024xbf16>,
      %get3A = arith.constant 0 : index
      %get3A_10 = arith.constant 0 : index
      %get3A_11 = vector.load %arg3[%get3A, %get3A_10] : memref<96x113xbf16, #tpu.memory_space<vmem>>, vector<96x113xbf16>
      %swap3A_12 = arith.constant 0 : index
      %swap3A_13 = arith.constant 0 : index
      %swap3A_14 = vector.load %arg19[%swap3A_12, %swap3A_13] : memref<513x1024xbf16, #tpu.memory_space<vmem>>, vector<96x113xbf16>
      tpu.vector_store %arg19[%swap3A_12, %swap3A_13], %get3A_11 {strides = array<i32>} : memref<513x1024xbf16, #tpu.memory_space<vmem>>, vector<96x113xbf16>,
      %swap3A_15 = arith.constant 48 : index
      %swap3A_16 = arith.constant 113 : index
      %swap3A_17 = vector.load %arg19[%swap3A_15, %swap3A_16] : memref<513x1024xbf16, #tpu.memory_space<vmem>>, vector<96x113xbf16>
      tpu.vector_store %arg19[%swap3A_15, %swap3A_16], %get3A_11 {strides = array<i32>} : memref<513x1024xbf16, #tpu.memory_space<vmem>>, vector<96x113xbf16>,
      %swap3A_18 = arith.constant 96 : index
      %swap3A_19 = arith.constant 226 : index
      %swap3A_20 = vector.load %arg19[%swap3A_18, %swap3A_19] : memref<513x1024xbf16, #tpu.memory_space<vmem>>, vector<96x113xbf16>
      tpu.vector_store %arg19[%swap3A_18, %swap3A_19], %get3A_11 {strides = array<i32>} : memref<513x1024xbf16, #tpu.memory_space<vmem>>, vector<96x113xbf16>,
      %swap3A_21 = arith.constant 144 : index
      %swap3A_22 = arith.constant 339 : index
      %swap3A_23 = vector.load %arg19[%swap3A_21, %swap3A_22] : memref<513x1024xbf16, #tpu.memory_space<vmem>>, vector<96x113xbf16>
      tpu.vector_store %arg19[%swap3A_21, %swap3A_22], %get3A_11 {strides = array<i32>} : memref<513x1024xbf16, #tpu.memory_space<vmem>>, vector<96x113xbf16>,
      %swap3A_24 = arith.constant 192 : index
      %swap3A_25 = arith.constant 452 : index
      %swap3A_26 = vector.load %arg19[%swap3A_24, %swap3A_25] : memref<513x1024xbf16, #tpu.memory_space<vmem>>, vector<96x113xbf16>
      tpu.vector_store %arg19[%swap3A_24, %swap3A_25], %get3A_11 {strides = array<i32>} : memref<513x1024xbf16, #tpu.memory_space<vmem>>, vector<96x113xbf16>,
      %swap3A_27 = arith.constant 240 : index
      %swap3A_28 = arith.constant 565 : index
      %swap3A_29 = vector.load %arg19[%swap3A_27, %swap3A_28] : memref<513x1024xbf16, #tpu.memory_space<vmem>>, vector<96x113xbf16>
      tpu.vector_store %arg19[%swap3A_27, %swap3A_28], %get3A_11 {strides = array<i32>} : memref<513x1024xbf16, #tpu.memory_space<vmem>>, vector<96x113xbf16>,
      %swap3A_30 = arith.constant 288 : index
      %swap3A_31 = arith.constant 678 : index
      %swap3A_32 = vector.load %arg19[%swap3A_30, %swap3A_31] : memref<513x1024xbf16, #tpu.memory_space<vmem>>, vector<96x113xbf16>
      tpu.vector_store %arg19[%swap3A_30, %swap3A_31], %get3A_11 {strides = array<i32>} : memref<513x1024xbf16, #tpu.memory_space<vmem>>, vector<96x113xbf16>,
      %swap3A_33 = arith.constant 336 : index
      %swap3A_34 = arith.constant 791 : index
      %swap3A_35 = vector.load %arg19[%swap3A_33, %swap3A_34] : memref<513x1024xbf16, #tpu.memory_space<vmem>>, vector<96x113xbf16>
      tpu.vector_store %arg19[%swap3A_33, %swap3A_34], %get3A_11 {strides = array<i32>} : memref<513x1024xbf16, #tpu.memory_space<vmem>>, vector<96x113xbf16>,
      %swap3A_36 = arith.constant 384 : index
      %swap3A_37 = arith.constant 904 : index
      %swap3A_38 = vector.load %arg19[%swap3A_36, %swap3A_37] : memref<513x1024xbf16, #tpu.memory_space<vmem>>, vector<96x113xbf16>
      tpu.vector_store %arg19[%swap3A_36, %swap3A_37], %get3A_11 {strides = array<i32>} : memref<513x1024xbf16, #tpu.memory_space<vmem>>, vector<96x113xbf16>,
      %get3A_39 = arith.constant 0 : index
      %get3A_40 = arith.constant 0 : index
      %get3A_41 = vector.load %arg15[%get3A_39, %get3A_40] : memref<6x1024xf32, #tpu.memory_space<vmem>>, vector<1x1024xf32>
      %convert_element_type3A_42 = arith.truncf %get3A_41 : vector<1x1024xf32> to vector<1x1024xbf16>
      %swap3A_43 = arith.constant 512 : index
      %swap3A_44 = arith.constant 0 : index
      %swap3A_45 = vector.load %arg19[%swap3A_43, %swap3A_44] : memref<513x1024xbf16, #tpu.memory_space<vmem>>, vector<1x1024xbf16>
      tpu.vector_store %arg19[%swap3A_43, %swap3A_44], %convert_element_type3A_42 {strides = array<i32>} : memref<513x1024xbf16, #tpu.memory_space<vmem>>, vector<1x1024xbf16>,
      %get3A_46 = arith.constant 0 : index
      %get3A_47 = arith.constant 0 : index
      %get3A_48 = vector.load %arg19[%get3A_46, %get3A_47] : memref<513x1024xbf16, #tpu.memory_space<vmem>>, vector<513x1024xbf16>
      %get3A_49 = arith.constant 0 : index
      %get3A_50 = arith.constant 0 : index
      %get3A_51 = vector.load %arg9[%get3A_49, %get3A_50] : memref<1017x1024xf32, #tpu.memory_space<vmem>>, vector<1017x1024xf32>
      %convert_element_type3A_52 = arith.truncf %get3A_51 : vector<1017x1024xf32> to vector<1017x1024xbf16>
      %swap3A_53 = arith.constant 0 : index
      %swap3A_54 = arith.constant 0 : index
      %swap3A_55 = vector.load %arg20[%swap3A_53, %swap3A_54] : memref<1024x1024xbf16, #tpu.memory_space<vmem>>, vector<1017x1024xbf16>
      tpu.vector_store %arg20[%swap3A_53, %swap3A_54], %convert_element_type3A_52 {strides = array<i32>} : memref<1024x1024xbf16, #tpu.memory_space<vmem>>, vector<1017x1024xbf16>,
      %broadcast_in_dim3A_56 = arith.constant 0.000000e+00 : bf16
      %broadcast_in_dim3A_57 = vector.broadcast %broadcast_in_dim3A_56 : bf16 to vector<7x1024xbf16>
      %swap3A_58 = arith.constant 1017 : index
      %swap3A_59 = arith.constant 0 : index
      %swap3A_60 = vector.load %arg20[%swap3A_58, %swap3A_59] : memref<1024x1024xbf16, #tpu.memory_space<vmem>>, vector<7x1024xbf16>
      tpu.vector_store %arg20[%swap3A_58, %swap3A_59], %broadcast_in_dim3A_57 {strides = array<i32>} : memref<1024x1024xbf16, #tpu.memory_space<vmem>>, vector<7x1024xbf16>,
      %get3A_61 = arith.constant 0 : index
      %get3A_62 = arith.constant 0 : index
      %get3A_63 = vector.load %arg20[%get3A_61, %get3A_62] : memref<1024x1024xbf16, #tpu.memory_space<vmem>>, vector<1024x1024xbf16>
      %dot_general3A = arith.constant dense<0.000000e+00> : vector<513x1024xf32>
      %dot_general3A_64 = tpu.matmul %get3A_48, %get3A_63, %dot_general3A {dimension_numbers = #tpu.dot_dimension_numbers<[1], [0], [0], [1], [0, 0, 1, 1], [], []>, transpose_lhs_hint = false} : vector<513x1024xbf16>, vector<1024x1024xbf16>, vector<513x1024xf32> -> vector<513x1024xf32>
      %convert_element_type3A_65 = arith.truncf %dot_general3A_64 : vector<513x1024xf32> to vector<513x1024xbf16>
      %swap3A_66 = arith.constant 0 : index
      %swap3A_67 = arith.constant 0 : index
      %swap3A_68 = vector.load %arg18[%swap3A_66, %swap3A_67] : memref<513x6144xbf16, #tpu.memory_space<vmem>>, vector<513x1024xbf16>
      tpu.vector_store %arg18[%swap3A_66, %swap3A_67], %convert_element_type3A_65 {strides = array<i32>} : memref<513x6144xbf16, #tpu.memory_space<vmem>>, vector<513x1024xbf16>,
      %get3A_69 = arith.constant 512 : index
      %get3A_70 = arith.constant 0 : index
      %get3A_71 = vector.load %arg18[%get3A_69, %get3A_70] : memref<513x6144xbf16, #tpu.memory_space<vmem>>, vector<1x1024xbf16>
      %get3A_72 = arith.constant 0 : index
      %get3A_73 = arith.constant 0 : index
      %get3A_74 = vector.load %arg16[%get3A_72, %get3A_73] : memref<6x1024xf32, #tpu.memory_space<vmem>>, vector<1x1024xf32>
      %convert_element_type3A_75 = arith.truncf %get3A_74 : vector<1x1024xf32> to vector<1x1024xbf16>
      %add3A = arith.addf %get3A_71, %convert_element_type3A_75 : vector<1x1024xbf16>
      %swap3A_76 = arith.constant 512 : index
      %swap3A_77 = arith.constant 0 : index
      %swap3A_78 = vector.load %arg18[%swap3A_76, %swap3A_77] : memref<513x6144xbf16, #tpu.memory_space<vmem>>, vector<1x1024xbf16>
      tpu.vector_store %arg18[%swap3A_76, %swap3A_77], %add3A {strides = array<i32>} : memref<513x6144xbf16, #tpu.memory_space<vmem>>, vector<1x1024xbf16>,
      %broadcast_in_dim3A_79 = arith.constant 0.000000e+00 : bf16
      %broadcast_in_dim3A_80 = vector.broadcast %broadcast_in_dim3A_79 : bf16 to vector<513x1024xbf16>
      %swap3A_81 = arith.constant 0 : index
      %swap3A_82 = arith.constant 0 : index
      %swap3A_83 = vector.load %arg19[%swap3A_81, %swap3A_82] : memref<513x1024xbf16, #tpu.memory_space<vmem>>, vector<513x1024xbf16>
      tpu.vector_store %arg19[%swap3A_81, %swap3A_82], %broadcast_in_dim3A_80 {strides = array<i32>} : memref<513x1024xbf16, #tpu.memory_space<vmem>>, vector<513x1024xbf16>,
      %get3A_84 = arith.constant 0 : index
      %get3A_85 = arith.constant 0 : index
      %get3A_86 = vector.load %arg4[%get3A_84, %get3A_85] : memref<48x51xbf16, #tpu.memory_space<vmem>>, vector<48x51xbf16>
      %swap3A_87 = arith.constant 0 : index
      %swap3A_88 = arith.constant 0 : index
      %swap3A_89 = vector.load %arg19[%swap3A_87, %swap3A_88] : memref<513x1024xbf16, #tpu.memory_space<vmem>>, vector<48x51xbf16>
      tpu.vector_store %arg19[%swap3A_87, %swap3A_88], %get3A_86 {strides = array<i32>} : memref<513x1024xbf16, #tpu.memory_space<vmem>>, vector<48x51xbf16>,
      %swap3A_90 = arith.constant 24 : index
      %swap3A_91 = arith.constant 51 : index
      %swap3A_92 = vector.load %arg19[%swap3A_90, %swap3A_91] : memref<513x1024xbf16, #tpu.memory_space<vmem>>, vector<48x51xbf16>
      tpu.vector_store %arg19[%swap3A_90, %swap3A_91], %get3A_86 {strides = array<i32>} : memref<513x1024xbf16, #tpu.memory_space<vmem>>, vector<48x51xbf16>,
      %swap3A_93 = arith.constant 48 : index
      %swap3A_94 = arith.constant 102 : index
      %swap3A_95 = vector.load %arg19[%swap3A_93, %swap3A_94] : memref<513x1024xbf16, #tpu.memory_space<vmem>>, vector<48x51xbf16>
      tpu.vector_store %arg19[%swap3A_93, %swap3A_94], %get3A_86 {strides = array<i32>} : memref<513x1024xbf16, #tpu.memory_space<vmem>>, vector<48x51xbf16>,
      %swap3A_96 = arith.constant 72 : index
      %swap3A_97 = arith.constant 153 : index
      %swap3A_98 = vector.load %arg19[%swap3A_96, %swap3A_97] : memref<513x1024xbf16, #tpu.memory_space<vmem>>, vector<48x51xbf16>
      tpu.vector_store %arg19[%swap3A_96, %swap3A_97], %get3A_86 {strides = array<i32>} : memref<513x1024xbf16, #tpu.memory_space<vmem>>, vector<48x51xbf16>,
      %swap3A_99 = arith.constant 96 : index
      %swap3A_100 = arith.constant 204 : index
      %swap3A_101 = vector.load %arg19[%swap3A_99, %swap3A_100] : memref<513x1024xbf16, #tpu.memory_space<vmem>>, vector<48x51xbf16>
      tpu.vector_store %arg19[%swap3A_99, %swap3A_100], %get3A_86 {strides = array<i32>} : memref<513x1024xbf16, #tpu.memory_space<vmem>>, vector<48x51xbf16>,
      %swap3A_102 = arith.constant 120 : index
      %swap3A_103 = arith.constant 255 : index
      %swap3A_104 = vector.load %arg19[%swap3A_102, %swap3A_103] : memref<513x1024xbf16, #tpu.memory_space<vmem>>, vector<48x51xbf16>
      tpu.vector_store %arg19[%swap3A_102, %swap3A_103], %get3A_86 {strides = array<i32>} : memref<513x1024xbf16, #tpu.memory_space<vmem>>, vector<48x51xbf16>,
      %swap3A_105 = arith.constant 144 : index
      %swap3A_106 = arith.constant 306 : index
      %swap3A_107 = vector.load %arg19[%swap3A_105, %swap3A_106] : memref<513x1024xbf16, #tpu.memory_space<vmem>>, vector<48x51xbf16>
      tpu.vector_store %arg19[%swap3A_105, %swap3A_106], %get3A_86 {strides = array<i32>} : memref<513x1024xbf16, #tpu.memory_space<vmem>>, vector<48x51xbf16>,
      %swap3A_108 = arith.constant 168 : index
      %swap3A_109 = arith.constant 357 : index
      %swap3A_110 = vector.load %arg19[%swap3A_108, %swap3A_109] : memref<513x1024xbf16, #tpu.memory_space<vmem>>, vector<48x51xbf16>
      tpu.vector_store %arg19[%swap3A_108, %swap3A_109], %get3A_86 {strides = array<i32>} : memref<513x1024xbf16, #tpu.memory_space<vmem>>, vector<48x51xbf16>,
      %swap3A_111 = arith.constant 192 : index
      %swap3A_112 = arith.constant 408 : index
      %swap3A_113 = vector.load %arg19[%swap3A_111, %swap3A_112] : memref<513x1024xbf16, #tpu.memory_space<vmem>>, vector<48x51xbf16>
      tpu.vector_store %arg19[%swap3A_111, %swap3A_112], %get3A_86 {strides = array<i32>} : memref<513x1024xbf16, #tpu.memory_space<vmem>>, vector<48x51xbf16>,
      %swap3A_114 = arith.constant 216 : index
      %swap3A_115 = arith.constant 459 : index
      %swap3A_116 = vector.load %arg19[%swap3A_114, %swap3A_115] : memref<513x1024xbf16, #tpu.memory_space<vmem>>, vector<48x51xbf16>
      tpu.vector_store %arg19[%swap3A_114, %swap3A_115], %get3A_86 {strides = array<i32>} : memref<513x1024xbf16, #tpu.memory_space<vmem>>, vector<48x51xbf16>,
      %swap3A_117 = arith.constant 240 : index
      %swap3A_118 = arith.constant 510 : index
      %swap3A_119 = vector.load %arg19[%swap3A_117, %swap3A_118] : memref<513x1024xbf16, #tpu.memory_space<vmem>>, vector<48x51xbf16>
      tpu.vector_store %arg19[%swap3A_117, %swap3A_118], %get3A_86 {strides = array<i32>} : memref<513x1024xbf16, #tpu.memory_space<vmem>>, vector<48x51xbf16>,
      %swap3A_120 = arith.constant 264 : index
      %swap3A_121 = arith.constant 561 : index
      %swap3A_122 = vector.load %arg19[%swap3A_120, %swap3A_121] : memref<513x1024xbf16, #tpu.memory_space<vmem>>, vector<48x51xbf16>
      tpu.vector_store %arg19[%swap3A_120, %swap3A_121], %get3A_86 {strides = array<i32>} : memref<513x1024xbf16, #tpu.memory_space<vmem>>, vector<48x51xbf16>,
      %swap3A_123 = arith.constant 288 : index
      %swap3A_124 = arith.constant 612 : index
      %swap3A_125 = vector.load %arg19[%swap3A_123, %swap3A_124] : memref<513x1024xbf16, #tpu.memory_space<vmem>>, vector<48x51xbf16>
      tpu.vector_store %arg19[%swap3A_123, %swap3A_124], %get3A_86 {strides = array<i32>} : memref<513x1024xbf16, #tpu.memory_space<vmem>>, vector<48x51xbf16>,
      %swap3A_126 = arith.constant 312 : index
      %swap3A_127 = arith.constant 663 : index
      %swap3A_128 = vector.load %arg19[%swap3A_126, %swap3A_127] : memref<513x1024xbf16, #tpu.memory_space<vmem>>, vector<48x51xbf16>
      tpu.vector_store %arg19[%swap3A_126, %swap3A_127], %get3A_86 {strides = array<i32>} : memref<513x1024xbf16, #tpu.memory_space<vmem>>, vector<48x51xbf16>,
      %swap3A_129 = arith.constant 336 : index
      %swap3A_130 = arith.constant 714 : index
      %swap3A_131 = vector.load %arg19[%swap3A_129, %swap3A_130] : memref<513x1024xbf16, #tpu.memory_space<vmem>>, vector<48x51xbf16>
      tpu.vector_store %arg19[%swap3A_129, %swap3A_130], %get3A_86 {strides = array<i32>} : memref<513x1024xbf16, #tpu.memory_space<vmem>>, vector<48x51xbf16>,
      %swap3A_132 = arith.constant 360 : index
      %swap3A_133 = arith.constant 765 : index
      %swap3A_134 = vector.load %arg19[%swap3A_132, %swap3A_133] : memref<513x1024xbf16, #tpu.memory_space<vmem>>, vector<48x51xbf16>
      tpu.vector_store %arg19[%swap3A_132, %swap3A_133], %get3A_86 {strides = array<i32>} : memref<513x1024xbf16, #tpu.memory_space<vmem>>, vector<48x51xbf16>,
      %swap3A_135 = arith.constant 384 : index
      %swap3A_136 = arith.constant 816 : index
      %swap3A_137 = vector.load %arg19[%swap3A_135, %swap3A_136] : memref<513x1024xbf16, #tpu.memory_space<vmem>>, vector<48x51xbf16>
      tpu.vector_store %arg19[%swap3A_135, %swap3A_136], %get3A_86 {strides = array<i32>} : memref<513x1024xbf16, #tpu.memory_space<vmem>>, vector<48x51xbf16>,
      %swap3A_138 = arith.constant 408 : index
      %swap3A_139 = arith.constant 867 : index
      %swap3A_140 = vector.load %arg19[%swap3A_138, %swap3A_139] : memref<513x1024xbf16, #tpu.memory_space<vmem>>, vector<48x51xbf16>
      tpu.vector_store %arg19[%swap3A_138, %swap3A_139], %get3A_86 {strides = array<i32>} : memref<513x1024xbf16, #tpu.memory_space<vmem>>, vector<48x51xbf16>,
      %swap3A_141 = arith.constant 432 : index
      %swap3A_142 = arith.constant 918 : index
      %swap3A_143 = vector.load %arg19[%swap3A_141, %swap3A_142] : memref<513x1024xbf16, #tpu.memory_space<vmem>>, vector<48x51xbf16>
      tpu.vector_store %arg19[%swap3A_141, %swap3A_142], %get3A_86 {strides = array<i32>} : memref<513x1024xbf16, #tpu.memory_space<vmem>>, vector<48x51xbf16>,
      %swap3A_144 = arith.constant 456 : index
      %swap3A_145 = arith.constant 969 : index
      %swap3A_146 = vector.load %arg19[%swap3A_144, %swap3A_145] : memref<513x1024xbf16, #tpu.memory_space<vmem>>, vector<48x51xbf16>
      tpu.vector_store %arg19[%swap3A_144, %swap3A_145], %get3A_86 {strides = array<i32>} : memref<513x1024xbf16, #tpu.memory_space<vmem>>, vector<48x51xbf16>,
      %get3A_147 = arith.constant 1 : index
      %get3A_148 = arith.constant 0 : index
      %get3A_149 = vector.load %arg15[%get3A_147, %get3A_148] : memref<6x1024xf32, #tpu.memory_space<vmem>>, vector<1x1024xf32>
      %convert_element_type3A_150 = arith.truncf %get3A_149 : vector<1x1024xf32> to vector<1x1024xbf16>
      %swap3A_151 = arith.constant 512 : index
      %swap3A_152 = arith.constant 0 : index
      %swap3A_153 = vector.load %arg19[%swap3A_151, %swap3A_152] : memref<513x1024xbf16, #tpu.memory_space<vmem>>, vector<1x1024xbf16>
      tpu.vector_store %arg19[%swap3A_151, %swap3A_152], %convert_element_type3A_150 {strides = array<i32>} : memref<513x1024xbf16, #tpu.memory_space<vmem>>, vector<1x1024xbf16>,
      %get3A_154 = arith.constant 0 : index
      %get3A_155 = arith.constant 0 : index
      %get3A_156 = vector.load %arg19[%get3A_154, %get3A_155] : memref<513x1024xbf16, #tpu.memory_space<vmem>>, vector<513x1024xbf16>
      %get3A_157 = arith.constant 0 : index
      %get3A_158 = arith.constant 0 : index
      %get3A_159 = vector.load %arg10[%get3A_157, %get3A_158] : memref<1020x1024xf32, #tpu.memory_space<vmem>>, vector<1020x1024xf32>
      %convert_element_type3A_160 = arith.truncf %get3A_159 : vector<1020x1024xf32> to vector<1020x1024xbf16>
      %swap3A_161 = arith.constant 0 : index
      %swap3A_162 = arith.constant 0 : index
      %swap3A_163 = vector.load %arg20[%swap3A_161, %swap3A_162] : memref<1024x1024xbf16, #tpu.memory_space<vmem>>, vector<1020x1024xbf16>
      tpu.vector_store %arg20[%swap3A_161, %swap3A_162], %convert_element_type3A_160 {strides = array<i32>} : memref<1024x1024xbf16, #tpu.memory_space<vmem>>, vector<1020x1024xbf16>,
      %broadcast_in_dim3A_164 = arith.constant 0.000000e+00 : bf16
      %broadcast_in_dim3A_165 = vector.broadcast %broadcast_in_dim3A_164 : bf16 to vector<4x1024xbf16>
      %swap3A_166 = arith.constant 1020 : index
      %swap3A_167 = arith.constant 0 : index
      %swap3A_168 = vector.load %arg20[%swap3A_166, %swap3A_167] : memref<1024x1024xbf16, #tpu.memory_space<vmem>>, vector<4x1024xbf16>
      tpu.vector_store %arg20[%swap3A_166, %swap3A_167], %broadcast_in_dim3A_165 {strides = array<i32>} : memref<1024x1024xbf16, #tpu.memory_space<vmem>>, vector<4x1024xbf16>,
      %get3A_169 = arith.constant 0 : index
      %get3A_170 = arith.constant 0 : index
      %get3A_171 = vector.load %arg20[%get3A_169, %get3A_170] : memref<1024x1024xbf16, #tpu.memory_space<vmem>>, vector<1024x1024xbf16>
      %dot_general3A_172 = arith.constant dense<0.000000e+00> : vector<513x1024xf32>
      %dot_general3A_173 = tpu.matmul %get3A_156, %get3A_171, %dot_general3A_172 {dimension_numbers = #tpu.dot_dimension_numbers<[1], [0], [0], [1], [0, 0, 1, 1], [], []>, transpose_lhs_hint = false} : vector<513x1024xbf16>, vector<1024x1024xbf16>, vector<513x1024xf32> -> vector<513x1024xf32>
      %convert_element_type3A_174 = arith.truncf %dot_general3A_173 : vector<513x1024xf32> to vector<513x1024xbf16>
      %swap3A_175 = arith.constant 0 : index
      %swap3A_176 = arith.constant 1024 : index
      %swap3A_177 = vector.load %arg18[%swap3A_175, %swap3A_176] : memref<513x6144xbf16, #tpu.memory_space<vmem>>, vector<513x1024xbf16>
      tpu.vector_store %arg18[%swap3A_175, %swap3A_176], %convert_element_type3A_174 {strides = array<i32>} : memref<513x6144xbf16, #tpu.memory_space<vmem>>, vector<513x1024xbf16>,
      %get3A_178 = arith.constant 512 : index
      %get3A_179 = arith.constant 1024 : index
      %get3A_180 = vector.load %arg18[%get3A_178, %get3A_179] : memref<513x6144xbf16, #tpu.memory_space<vmem>>, vector<1x1024xbf16>
      %get3A_181 = arith.constant 1 : index
      %get3A_182 = arith.constant 0 : index
      %get3A_183 = vector.load %arg16[%get3A_181, %get3A_182] : memref<6x1024xf32, #tpu.memory_space<vmem>>, vector<1x1024xf32>
      %convert_element_type3A_184 = arith.truncf %get3A_183 : vector<1x1024xf32> to vector<1x1024xbf16>
      %add3A_185 = arith.addf %get3A_180, %convert_element_type3A_184 : vector<1x1024xbf16>
      %swap3A_186 = arith.constant 512 : index
      %swap3A_187 = arith.constant 1024 : index
      %swap3A_188 = vector.load %arg18[%swap3A_186, %swap3A_187] : memref<513x6144xbf16, #tpu.memory_space<vmem>>, vector<1x1024xbf16>
      tpu.vector_store %arg18[%swap3A_186, %swap3A_187], %add3A_185 {strides = array<i32>} : memref<513x6144xbf16, #tpu.memory_space<vmem>>, vector<1x1024xbf16>,
      %broadcast_in_dim3A_189 = arith.constant 0.000000e+00 : bf16
      %broadcast_in_dim3A_190 = vector.broadcast %broadcast_in_dim3A_189 : bf16 to vector<513x1024xbf16>
      %swap3A_191 = arith.constant 0 : index
      %swap3A_192 = arith.constant 0 : index
      %swap3A_193 = vector.load %arg19[%swap3A_191, %swap3A_192] : memref<513x1024xbf16, #tpu.memory_space<vmem>>, vector<513x1024xbf16>
      tpu.vector_store %arg19[%swap3A_191, %swap3A_192], %broadcast_in_dim3A_190 {strides = array<i32>} : memref<513x1024xbf16, #tpu.memory_space<vmem>>, vector<513x1024xbf16>,
      %get3A_194 = arith.constant 0 : index
      %get3A_195 = arith.constant 0 : index
      %get3A_196 = vector.load %arg5[%get3A_194, %get3A_195] : memref<24x24xbf16, #tpu.memory_space<vmem>>, vector<24x24xbf16>
      %swap3A_197 = arith.constant 0 : index
      %swap3A_198 = arith.constant 0 : index
      %swap3A_199 = vector.load %arg19[%swap3A_197, %swap3A_198] : memref<513x1024xbf16, #tpu.memory_space<vmem>>, vector<24x24xbf16>
      tpu.vector_store %arg19[%swap3A_197, %swap3A_198], %get3A_196 {strides = array<i32>} : memref<513x1024xbf16, #tpu.memory_space<vmem>>, vector<24x24xbf16>,
      %swap3A_200 = arith.constant 12 : index
      %swap3A_201 = arith.constant 24 : index
      %swap3A_202 = vector.load %arg19[%swap3A_200, %swap3A_201] : memref<513x1024xbf16, #tpu.memory_space<vmem>>, vector<24x24xbf16>
      tpu.vector_store %arg19[%swap3A_200, %swap3A_201], %get3A_196 {strides = array<i32>} : memref<513x1024xbf16, #tpu.memory_space<vmem>>, vector<24x24xbf16>,
      %swap3A_203 = arith.constant 24 : index
      %swap3A_204 = arith.constant 48 : index
      %swap3A_205 = vector.load %arg19[%swap3A_203, %swap3A_204] : memref<513x1024xbf16, #tpu.memory_space<vmem>>, vector<24x24xbf16>
      tpu.vector_store %arg19[%swap3A_203, %swap3A_204], %get3A_196 {strides = array<i32>} : memref<513x1024xbf16, #tpu.memory_space<vmem>>, vector<24x24xbf16>,
      %swap3A_206 = arith.constant 36 : index
      %swap3A_207 = arith.constant 72 : index
      %swap3A_208 = vector.load %arg19[%swap3A_206, %swap3A_207] : memref<513x1024xbf16, #tpu.memory_space<vmem>>, vector<24x24xbf16>
      tpu.vector_store %arg19[%swap3A_206, %swap3A_207], %get3A_196 {strides = array<i32>} : memref<513x1024xbf16, #tpu.memory_space<vmem>>, vector<24x24xbf16>,
      %swap3A_209 = arith.constant 48 : index
      %swap3A_210 = arith.constant 96 : index
      %swap3A_211 = vector.load %arg19[%swap3A_209, %swap3A_210] : memref<513x1024xbf16, #tpu.memory_space<vmem>>, vector<24x24xbf16>
      tpu.vector_store %arg19[%swap3A_209, %swap3A_210], %get3A_196 {strides = array<i32>} : memref<513x1024xbf16, #tpu.memory_space<vmem>>, vector<24x24xbf16>,
      %swap3A_212 = arith.constant 60 : index
      %swap3A_213 = arith.constant 120 : index
      %swap3A_214 = vector.load %arg19[%swap3A_212, %swap3A_213] : memref<513x1024xbf16, #tpu.memory_space<vmem>>, vector<24x24xbf16>
      tpu.vector_store %arg19[%swap3A_212, %swap3A_213], %get3A_196 {strides = array<i32>} : memref<513x1024xbf16, #tpu.memory_space<vmem>>, vector<24x24xbf16>,
      %swap3A_215 = arith.constant 72 : index
      %swap3A_216 = arith.constant 144 : index
      %swap3A_217 = vector.load %arg19[%swap3A_215, %swap3A_216] : memref<513x1024xbf16, #tpu.memory_space<vmem>>, vector<24x24xbf16>
      tpu.vector_store %arg19[%swap3A_215, %swap3A_216], %get3A_196 {strides = array<i32>} : memref<513x1024xbf16, #tpu.memory_space<vmem>>, vector<24x24xbf16>,
      %swap3A_218 = arith.constant 84 : index
      %swap3A_219 = arith.constant 168 : index
      %swap3A_220 = vector.load %arg19[%swap3A_218, %swap3A_219] : memref<513x1024xbf16, #tpu.memory_space<vmem>>, vector<24x24xbf16>
      tpu.vector_store %arg19[%swap3A_218, %swap3A_219], %get3A_196 {strides = array<i32>} : memref<513x1024xbf16, #tpu.memory_space<vmem>>, vector<24x24xbf16>,
      %swap3A_221 = arith.constant 96 : index
      %swap3A_222 = arith.constant 192 : index
      %swap3A_223 = vector.load %arg19[%swap3A_221, %swap3A_222] : memref<513x1024xbf16, #tpu.memory_space<vmem>>, vector<24x24xbf16>
      tpu.vector_store %arg19[%swap3A_221, %swap3A_222], %get3A_196 {strides = array<i32>} : memref<513x1024xbf16, #tpu.memory_space<vmem>>, vector<24x24xbf16>,
      %swap3A_224 = arith.constant 108 : index
      %swap3A_225 = arith.constant 216 : index
      %swap3A_226 = vector.load %arg19[%swap3A_224, %swap3A_225] : memref<513x1024xbf16, #tpu.memory_space<vmem>>, vector<24x24xbf16>
      tpu.vector_store %arg19[%swap3A_224, %swap3A_225], %get3A_196 {strides = array<i32>} : memref<513x1024xbf16, #tpu.memory_space<vmem>>, vector<24x24xbf16>,
      %swap3A_227 = arith.constant 120 : index
      %swap3A_228 = arith.constant 240 : index
      %swap3A_229 = vector.load %arg19[%swap3A_227, %swap3A_228] : memref<513x1024xbf16, #tpu.memory_space<vmem>>, vector<24x24xbf16>
      tpu.vector_store %arg19[%swap3A_227, %swap3A_228], %get3A_196 {strides = array<i32>} : memref<513x1024xbf16, #tpu.memory_space<vmem>>, vector<24x24xbf16>,
      %swap3A_230 = arith.constant 132 : index
      %swap3A_231 = arith.constant 264 : index
      %swap3A_232 = vector.load %arg19[%swap3A_230, %swap3A_231] : memref<513x1024xbf16, #tpu.memory_space<vmem>>, vector<24x24xbf16>
      tpu.vector_store %arg19[%swap3A_230, %swap3A_231], %get3A_196 {strides = array<i32>} : memref<513x1024xbf16, #tpu.memory_space<vmem>>, vector<24x24xbf16>,
      %swap3A_233 = arith.constant 144 : index
      %swap3A_234 = arith.constant 288 : index
      %swap3A_235 = vector.load %arg19[%swap3A_233, %swap3A_234] : memref<513x1024xbf16, #tpu.memory_space<vmem>>, vector<24x24xbf16>
      tpu.vector_store %arg19[%swap3A_233, %swap3A_234], %get3A_196 {strides = array<i32>} : memref<513x1024xbf16, #tpu.memory_space<vmem>>, vector<24x24xbf16>,
      %swap3A_236 = arith.constant 156 : index
      %swap3A_237 = arith.constant 312 : index
      %swap3A_238 = vector.load %arg19[%swap3A_236, %swap3A_237] : memref<513x1024xbf16, #tpu.memory_space<vmem>>, vector<24x24xbf16>
      tpu.vector_store %arg19[%swap3A_236, %swap3A_237], %get3A_196 {strides = array<i32>} : memref<513x1024xbf16, #tpu.memory_space<vmem>>, vector<24x24xbf16>,
      %swap3A_239 = arith.constant 168 : index
      %swap3A_240 = arith.constant 336 : index
      %swap3A_241 = vector.load %arg19[%swap3A_239, %swap3A_240] : memref<513x1024xbf16, #tpu.memory_space<vmem>>, vector<24x24xbf16>
      tpu.vector_store %arg19[%swap3A_239, %swap3A_240], %get3A_196 {strides = array<i32>} : memref<513x1024xbf16, #tpu.memory_space<vmem>>, vector<24x24xbf16>,
      %swap3A_242 = arith.constant 180 : index
      %swap3A_243 = arith.constant 360 : index
      %swap3A_244 = vector.load %arg19[%swap3A_242, %swap3A_243] : memref<513x1024xbf16, #tpu.memory_space<vmem>>, vector<24x24xbf16>
      tpu.vector_store %arg19[%swap3A_242, %swap3A_243], %get3A_196 {strides = array<i32>} : memref<513x1024xbf16, #tpu.memory_space<vmem>>, vector<24x24xbf16>,
      %swap3A_245 = arith.constant 192 : index
      %swap3A_246 = arith.constant 384 : index
      %swap3A_247 = vector.load %arg19[%swap3A_245, %swap3A_246] : memref<513x1024xbf16, #tpu.memory_space<vmem>>, vector<24x24xbf16>
      tpu.vector_store %arg19[%swap3A_245, %swap3A_246], %get3A_196 {strides = array<i32>} : memref<513x1024xbf16, #tpu.memory_space<vmem>>, vector<24x24xbf16>,
      %swap3A_248 = arith.constant 204 : index
      %swap3A_249 = arith.constant 408 : index
      %swap3A_250 = vector.load %arg19[%swap3A_248, %swap3A_249] : memref<513x1024xbf16, #tpu.memory_space<vmem>>, vector<24x24xbf16>
      tpu.vector_store %arg19[%swap3A_248, %swap3A_249], %get3A_196 {strides = array<i32>} : memref<513x1024xbf16, #tpu.memory_space<vmem>>, vector<24x24xbf16>,
      %swap3A_251 = arith.constant 216 : index
      %swap3A_252 = arith.constant 432 : index
      %swap3A_253 = vector.load %arg19[%swap3A_251, %swap3A_252] : memref<513x1024xbf16, #tpu.memory_space<vmem>>, vector<24x24xbf16>
      tpu.vector_store %arg19[%swap3A_251, %swap3A_252], %get3A_196 {strides = array<i32>} : memref<513x1024xbf16, #tpu.memory_space<vmem>>, vector<24x24xbf16>,
      %swap3A_254 = arith.constant 228 : index
      %swap3A_255 = arith.constant 456 : index
      %swap3A_256 = vector.load %arg19[%swap3A_254, %swap3A_255] : memref<513x1024xbf16, #tpu.memory_space<vmem>>, vector<24x24xbf16>
      tpu.vector_store %arg19[%swap3A_254, %swap3A_255], %get3A_196 {strides = array<i32>} : memref<513x1024xbf16, #tpu.memory_space<vmem>>, vector<24x24xbf16>,
      %swap3A_257 = arith.constant 240 : index
      %swap3A_258 = arith.constant 480 : index
      %swap3A_259 = vector.load %arg19[%swap3A_257, %swap3A_258] : memref<513x1024xbf16, #tpu.memory_space<vmem>>, vector<24x24xbf16>
      tpu.vector_store %arg19[%swap3A_257, %swap3A_258], %get3A_196 {strides = array<i32>} : memref<513x1024xbf16, #tpu.memory_space<vmem>>, vector<24x24xbf16>,
      %swap3A_260 = arith.constant 252 : index
      %swap3A_261 = arith.constant 504 : index
      %swap3A_262 = vector.load %arg19[%swap3A_260, %swap3A_261] : memref<513x1024xbf16, #tpu.memory_space<vmem>>, vector<24x24xbf16>
      tpu.vector_store %arg19[%swap3A_260, %swap3A_261], %get3A_196 {strides = array<i32>} : memref<513x1024xbf16, #tpu.memory_space<vmem>>, vector<24x24xbf16>,
      %swap3A_263 = arith.constant 264 : index
      %swap3A_264 = arith.constant 528 : index
      %swap3A_265 = vector.load %arg19[%swap3A_263, %swap3A_264] : memref<513x1024xbf16, #tpu.memory_space<vmem>>, vector<24x24xbf16>
      tpu.vector_store %arg19[%swap3A_263, %swap3A_264], %get3A_196 {strides = array<i32>} : memref<513x1024xbf16, #tpu.memory_space<vmem>>, vector<24x24xbf16>,
      %swap3A_266 = arith.constant 276 : index
      %swap3A_267 = arith.constant 552 : index
      %swap3A_268 = vector.load %arg19[%swap3A_266, %swap3A_267] : memref<513x1024xbf16, #tpu.memory_space<vmem>>, vector<24x24xbf16>
      tpu.vector_store %arg19[%swap3A_266, %swap3A_267], %get3A_196 {strides = array<i32>} : memref<513x1024xbf16, #tpu.memory_space<vmem>>, vector<24x24xbf16>,
      %swap3A_269 = arith.constant 288 : index
      %swap3A_270 = arith.constant 576 : index
      %swap3A_271 = vector.load %arg19[%swap3A_269, %swap3A_270] : memref<513x1024xbf16, #tpu.memory_space<vmem>>, vector<24x24xbf16>
      tpu.vector_store %arg19[%swap3A_269, %swap3A_270], %get3A_196 {strides = array<i32>} : memref<513x1024xbf16, #tpu.memory_space<vmem>>, vector<24x24xbf16>,
      %swap3A_272 = arith.constant 300 : index
      %swap3A_273 = arith.constant 600 : index
      %swap3A_274 = vector.load %arg19[%swap3A_272, %swap3A_273] : memref<513x1024xbf16, #tpu.memory_space<vmem>>, vector<24x24xbf16>
      tpu.vector_store %arg19[%swap3A_272, %swap3A_273], %get3A_196 {strides = array<i32>} : memref<513x1024xbf16, #tpu.memory_space<vmem>>, vector<24x24xbf16>,
      %swap3A_275 = arith.constant 312 : index
      %swap3A_276 = arith.constant 624 : index
      %swap3A_277 = vector.load %arg19[%swap3A_275, %swap3A_276] : memref<513x1024xbf16, #tpu.memory_space<vmem>>, vector<24x24xbf16>
      tpu.vector_store %arg19[%swap3A_275, %swap3A_276], %get3A_196 {strides = array<i32>} : memref<513x1024xbf16, #tpu.memory_space<vmem>>, vector<24x24xbf16>,
      %swap3A_278 = arith.constant 324 : index
      %swap3A_279 = arith.constant 648 : index
      %swap3A_280 = vector.load %arg19[%swap3A_278, %swap3A_279] : memref<513x1024xbf16, #tpu.memory_space<vmem>>, vector<24x24xbf16>
      tpu.vector_store %arg19[%swap3A_278, %swap3A_279], %get3A_196 {strides = array<i32>} : memref<513x1024xbf16, #tpu.memory_space<vmem>>, vector<24x24xbf16>,
      %swap3A_281 = arith.constant 336 : index
      %swap3A_282 = arith.constant 672 : index
      %swap3A_283 = vector.load %arg19[%swap3A_281, %swap3A_282] : memref<513x1024xbf16, #tpu.memory_space<vmem>>, vector<24x24xbf16>
      tpu.vector_store %arg19[%swap3A_281, %swap3A_282], %get3A_196 {strides = array<i32>} : memref<513x1024xbf16, #tpu.memory_space<vmem>>, vector<24x24xbf16>,
      %swap3A_284 = arith.constant 348 : index
      %swap3A_285 = arith.constant 696 : index
      %swap3A_286 = vector.load %arg19[%swap3A_284, %swap3A_285] : memref<513x1024xbf16, #tpu.memory_space<vmem>>, vector<24x24xbf16>
      tpu.vector_store %arg19[%swap3A_284, %swap3A_285], %get3A_196 {strides = array<i32>} : memref<513x1024xbf16, #tpu.memory_space<vmem>>, vector<24x24xbf16>,
      %swap3A_287 = arith.constant 360 : index
      %swap3A_288 = arith.constant 720 : index
      %swap3A_289 = vector.load %arg19[%swap3A_287, %swap3A_288] : memref<513x1024xbf16, #tpu.memory_space<vmem>>, vector<24x24xbf16>
      tpu.vector_store %arg19[%swap3A_287, %swap3A_288], %get3A_196 {strides = array<i32>} : memref<513x1024xbf16, #tpu.memory_space<vmem>>, vector<24x24xbf16>,
      %swap3A_290 = arith.constant 372 : index
      %swap3A_291 = arith.constant 744 : index
      %swap3A_292 = vector.load %arg19[%swap3A_290, %swap3A_291] : memref<513x1024xbf16, #tpu.memory_space<vmem>>, vector<24x24xbf16>
      tpu.vector_store %arg19[%swap3A_290, %swap3A_291], %get3A_196 {strides = array<i32>} : memref<513x1024xbf16, #tpu.memory_space<vmem>>, vector<24x24xbf16>,
      %swap3A_293 = arith.constant 384 : index
      %swap3A_294 = arith.constant 768 : index
      %swap3A_295 = vector.load %arg19[%swap3A_293, %swap3A_294] : memref<513x1024xbf16, #tpu.memory_space<vmem>>, vector<24x24xbf16>
      tpu.vector_store %arg19[%swap3A_293, %swap3A_294], %get3A_196 {strides = array<i32>} : memref<513x1024xbf16, #tpu.memory_space<vmem>>, vector<24x24xbf16>,
      %swap3A_296 = arith.constant 396 : index
      %swap3A_297 = arith.constant 792 : index
      %swap3A_298 = vector.load %arg19[%swap3A_296, %swap3A_297] : memref<513x1024xbf16, #tpu.memory_space<vmem>>, vector<24x24xbf16>
      tpu.vector_store %arg19[%swap3A_296, %swap3A_297], %get3A_196 {strides = array<i32>} : memref<513x1024xbf16, #tpu.memory_space<vmem>>, vector<24x24xbf16>,
      %swap3A_299 = arith.constant 408 : index
      %swap3A_300 = arith.constant 816 : index
      %swap3A_301 = vector.load %arg19[%swap3A_299, %swap3A_300] : memref<513x1024xbf16, #tpu.memory_space<vmem>>, vector<24x24xbf16>
      tpu.vector_store %arg19[%swap3A_299, %swap3A_300], %get3A_196 {strides = array<i32>} : memref<513x1024xbf16, #tpu.memory_space<vmem>>, vector<24x24xbf16>,
      %swap3A_302 = arith.constant 420 : index
      %swap3A_303 = arith.constant 840 : index
      %swap3A_304 = vector.load %arg19[%swap3A_302, %swap3A_303] : memref<513x1024xbf16, #tpu.memory_space<vmem>>, vector<24x24xbf16>
      tpu.vector_store %arg19[%swap3A_302, %swap3A_303], %get3A_196 {strides = array<i32>} : memref<513x1024xbf16, #tpu.memory_space<vmem>>, vector<24x24xbf16>,
      %swap3A_305 = arith.constant 432 : index
      %swap3A_306 = arith.constant 864 : index
      %swap3A_307 = vector.load %arg19[%swap3A_305, %swap3A_306] : memref<513x1024xbf16, #tpu.memory_space<vmem>>, vector<24x24xbf16>
      tpu.vector_store %arg19[%swap3A_305, %swap3A_306], %get3A_196 {strides = array<i32>} : memref<513x1024xbf16, #tpu.memory_space<vmem>>, vector<24x24xbf16>,
      %swap3A_308 = arith.constant 444 : index
      %swap3A_309 = arith.constant 888 : index
      %swap3A_310 = vector.load %arg19[%swap3A_308, %swap3A_309] : memref<513x1024xbf16, #tpu.memory_space<vmem>>, vector<24x24xbf16>
      tpu.vector_store %arg19[%swap3A_308, %swap3A_309], %get3A_196 {strides = array<i32>} : memref<513x1024xbf16, #tpu.memory_space<vmem>>, vector<24x24xbf16>,
      %swap3A_311 = arith.constant 456 : index
      %swap3A_312 = arith.constant 912 : index
      %swap3A_313 = vector.load %arg19[%swap3A_311, %swap3A_312] : memref<513x1024xbf16, #tpu.memory_space<vmem>>, vector<24x24xbf16>
      tpu.vector_store %arg19[%swap3A_311, %swap3A_312], %get3A_196 {strides = array<i32>} : memref<513x1024xbf16, #tpu.memory_space<vmem>>, vector<24x24xbf16>,
      %swap3A_314 = arith.constant 468 : index
      %swap3A_315 = arith.constant 936 : index
      %swap3A_316 = vector.load %arg19[%swap3A_314, %swap3A_315] : memref<513x1024xbf16, #tpu.memory_space<vmem>>, vector<24x24xbf16>
      tpu.vector_store %arg19[%swap3A_314, %swap3A_315], %get3A_196 {strides = array<i32>} : memref<513x1024xbf16, #tpu.memory_space<vmem>>, vector<24x24xbf16>,
      %swap3A_317 = arith.constant 480 : index
      %swap3A_318 = arith.constant 960 : index
      %swap3A_319 = vector.load %arg19[%swap3A_317, %swap3A_318] : memref<513x1024xbf16, #tpu.memory_space<vmem>>, vector<24x24xbf16>
      tpu.vector_store %arg19[%swap3A_317, %swap3A_318], %get3A_196 {strides = array<i32>} : memref<513x1024xbf16, #tpu.memory_space<vmem>>, vector<24x24xbf16>,
      %get3A_320 = arith.constant 2 : index
      %get3A_321 = arith.constant 0 : index
      %get3A_322 = vector.load %arg15[%get3A_320, %get3A_321] : memref<6x1024xf32, #tpu.memory_space<vmem>>, vector<1x1024xf32>
      %convert_element_type3A_323 = arith.truncf %get3A_322 : vector<1x1024xf32> to vector<1x1024xbf16>
      %swap3A_324 = arith.constant 512 : index
      %swap3A_325 = arith.constant 0 : index
      %swap3A_326 = vector.load %arg19[%swap3A_324, %swap3A_325] : memref<513x1024xbf16, #tpu.memory_space<vmem>>, vector<1x1024xbf16>
      tpu.vector_store %arg19[%swap3A_324, %swap3A_325], %convert_element_type3A_323 {strides = array<i32>} : memref<513x1024xbf16, #tpu.memory_space<vmem>>, vector<1x1024xbf16>,
      %get3A_327 = arith.constant 0 : index
      %get3A_328 = arith.constant 0 : index
      %get3A_329 = vector.load %arg19[%get3A_327, %get3A_328] : memref<513x1024xbf16, #tpu.memory_space<vmem>>, vector<513x1024xbf16>
      %get3A_330 = arith.constant 0 : index
      %get3A_331 = arith.constant 0 : index
      %get3A_332 = vector.load %arg11[%get3A_330, %get3A_331] : memref<984x1024xf32, #tpu.memory_space<vmem>>, vector<984x1024xf32>
      %convert_element_type3A_333 = arith.truncf %get3A_332 : vector<984x1024xf32> to vector<984x1024xbf16>
      %swap3A_334 = arith.constant 0 : index
      %swap3A_335 = arith.constant 0 : index
      %swap3A_336 = vector.load %arg20[%swap3A_334, %swap3A_335] : memref<1024x1024xbf16, #tpu.memory_space<vmem>>, vector<984x1024xbf16>
      tpu.vector_store %arg20[%swap3A_334, %swap3A_335], %convert_element_type3A_333 {strides = array<i32>} : memref<1024x1024xbf16, #tpu.memory_space<vmem>>, vector<984x1024xbf16>,
      %broadcast_in_dim3A_337 = arith.constant 0.000000e+00 : bf16
      %broadcast_in_dim3A_338 = vector.broadcast %broadcast_in_dim3A_337 : bf16 to vector<40x1024xbf16>
      %swap3A_339 = arith.constant 984 : index
      %swap3A_340 = arith.constant 0 : index
      %swap3A_341 = vector.load %arg20[%swap3A_339, %swap3A_340] : memref<1024x1024xbf16, #tpu.memory_space<vmem>>, vector<40x1024xbf16>
      tpu.vector_store %arg20[%swap3A_339, %swap3A_340], %broadcast_in_dim3A_338 {strides = array<i32>} : memref<1024x1024xbf16, #tpu.memory_space<vmem>>, vector<40x1024xbf16>,
      %get3A_342 = arith.constant 0 : index
      %get3A_343 = arith.constant 0 : index
      %get3A_344 = vector.load %arg20[%get3A_342, %get3A_343] : memref<1024x1024xbf16, #tpu.memory_space<vmem>>, vector<1024x1024xbf16>
      %dot_general3A_345 = arith.constant dense<0.000000e+00> : vector<513x1024xf32>
      %dot_general3A_346 = tpu.matmul %get3A_329, %get3A_344, %dot_general3A_345 {dimension_numbers = #tpu.dot_dimension_numbers<[1], [0], [0], [1], [0, 0, 1, 1], [], []>, transpose_lhs_hint = false} : vector<513x1024xbf16>, vector<1024x1024xbf16>, vector<513x1024xf32> -> vector<513x1024xf32>
      %convert_element_type3A_347 = arith.truncf %dot_general3A_346 : vector<513x1024xf32> to vector<513x1024xbf16>
      %swap3A_348 = arith.constant 0 : index
      %swap3A_349 = arith.constant 2048 : index
      %swap3A_350 = vector.load %arg18[%swap3A_348, %swap3A_349] : memref<513x6144xbf16, #tpu.memory_space<vmem>>, vector<513x1024xbf16>
      tpu.vector_store %arg18[%swap3A_348, %swap3A_349], %convert_element_type3A_347 {strides = array<i32>} : memref<513x6144xbf16, #tpu.memory_space<vmem>>, vector<513x1024xbf16>,
      %get3A_351 = arith.constant 512 : index
      %get3A_352 = arith.constant 2048 : index
      %get3A_353 = vector.load %arg18[%get3A_351, %get3A_352] : memref<513x6144xbf16, #tpu.memory_space<vmem>>, vector<1x1024xbf16>
      %get3A_354 = arith.constant 2 : index
      %get3A_355 = arith.constant 0 : index
      %get3A_356 = vector.load %arg16[%get3A_354, %get3A_355] : memref<6x1024xf32, #tpu.memory_space<vmem>>, vector<1x1024xf32>
      %convert_element_type3A_357 = arith.truncf %get3A_356 : vector<1x1024xf32> to vector<1x1024xbf16>
      %add3A_358 = arith.addf %get3A_353, %convert_element_type3A_357 : vector<1x1024xbf16>
      %swap3A_359 = arith.constant 512 : index
      %swap3A_360 = arith.constant 2048 : index
      %swap3A_361 = vector.load %arg18[%swap3A_359, %swap3A_360] : memref<513x6144xbf16, #tpu.memory_space<vmem>>, vector<1x1024xbf16>
      tpu.vector_store %arg18[%swap3A_359, %swap3A_360], %add3A_358 {strides = array<i32>} : memref<513x6144xbf16, #tpu.memory_space<vmem>>, vector<1x1024xbf16>,
      %jit3A = arith.constant 12 : i32
      %div3A = vector.broadcast %jit3A : i32 to vector<513x1024xi32>
      %div3A_362 = arith.divsi %iota3A_6, %div3A : vector<513x1024xi32>
      %sign3A = arith.constant 0 : i32
      %sign3A_363 = vector.broadcast %sign3A : i32 to vector<513x1024xi32>
      %sign3A_364 = arith.cmpi sgt, %iota3A_6, %sign3A_363 : vector<513x1024xi32>
      %sign3A_365 = arith.extui %sign3A_364 : vector<513x1024xi1> to vector<513x1024xi32>
      %sign3A_366 = arith.constant 0 : i32
      %sign3A_367 = vector.broadcast %sign3A_366 : i32 to vector<513x1024xi32>
      %sign3A_368 = arith.cmpi slt, %iota3A_6, %sign3A_367 : vector<513x1024xi32>
      %sign3A_369 = arith.extui %sign3A_368 : vector<513x1024xi1> to vector<513x1024xi32>
      %sign3A_370 = arith.subi %sign3A_365, %sign3A_369 : vector<513x1024xi32>
      %sign3A_371 = arith.constant 0 : i32
      %sign3A_372 = arith.cmpi sgt, %jit3A, %sign3A_371 : i32
      %sign3A_373 = arith.extui %sign3A_372 : i1 to i32
      %sign3A_374 = arith.constant 0 : i32
      %sign3A_375 = arith.cmpi slt, %jit3A, %sign3A_374 : i32
      %sign3A_376 = arith.extui %sign3A_375 : i1 to i32
      %sign3A_377 = arith.subi %sign3A_373, %sign3A_376 : i32
      %ne3A = vector.broadcast %sign3A_377 : i32 to vector<513x1024xi32>
      %ne3A_378 = arith.cmpi ne, %sign3A_370, %ne3A : vector<513x1024xi32>
      %rem3A = vector.broadcast %jit3A : i32 to vector<513x1024xi32>
      %rem3A_379 = arith.remsi %iota3A_6, %rem3A : vector<513x1024xi32>
      %ne3A_380 = arith.constant 0 : i32
      %ne3A_381 = vector.broadcast %ne3A_380 : i32 to vector<513x1024xi32>
      %ne3A_382 = arith.cmpi ne, %rem3A_379, %ne3A_381 : vector<513x1024xi32>
      %and3A = arith.andi %ne3A_378, %ne3A_382 : vector<513x1024xi1>
      %sub3A = arith.constant 1 : i32
      %sub3A_383 = vector.broadcast %sub3A : i32 to vector<513x1024xi32>
      %sub3A_384 = arith.subi %div3A_362, %sub3A_383 : vector<513x1024xi32>
      %select_n3A = arith.select %and3A, %sub3A_384, %div3A_362 : vector<513x1024xi1>, vector<513x1024xi32>
      %lt3A = arith.constant 1008 : i32
      %lt3A_385 = vector.broadcast %lt3A : i32 to vector<513x1024xi32>
      %lt3A_386 = arith.cmpi slt, %iota3A_6, %lt3A_385 : vector<513x1024xi32>
      %lt3A_387 = arith.constant 512 : i32
      %lt3A_388 = vector.broadcast %lt3A_387 : i32 to vector<513x1024xi32>
      %lt3A_389 = arith.cmpi slt, %iota3A, %lt3A_388 : vector<513x1024xi32>
      %and3A_390 = arith.andi %lt3A_386, %lt3A_389 : vector<513x1024xi1>
      %mul3A = arith.constant 6 : i32
      %mul3A_391 = vector.broadcast %mul3A : i32 to vector<513x1024xi32>
      %mul3A_392 = arith.muli %select_n3A, %mul3A_391 : vector<513x1024xi32>
      %sub3A_393 = arith.subi %iota3A, %mul3A_392 : vector<513x1024xi32>
      %jit3A_394 = arith.constant -1 : i32
      %broadcast_in_dim3A_395 = vector.broadcast %jit3A_394 : i32 to vector<513x1024xi32>
      %select_n3A_396 = arith.select %and3A_390, %sub3A_393, %broadcast_in_dim3A_395 : vector<513x1024xi1>, vector<513x1024xi32>
      %eq3A_397 = arith.constant 512 : i32
      %eq3A_398 = vector.broadcast %eq3A_397 : i32 to vector<513x1024xi32>
      %eq3A_399 = arith.cmpi eq, %iota3A, %eq3A_398 : vector<513x1024xi32>
      %get3A_400 = arith.constant 3 : index
      %get3A_401 = arith.constant 0 : index
      %get3A_402 = vector.load %arg15[%get3A_400, %get3A_401] : memref<6x1024xf32, #tpu.memory_space<vmem>>, vector<1x1024xf32>
      %jit3A_403 = arith.constant 0.000000e+00 : f32
      %broadcast_in_dim3A_404 = vector.shape_cast %get3A_402 : vector<1x1024xf32> to vector<1x1024xf32>
      %broadcast_in_dim3A_405 = vector.broadcast %broadcast_in_dim3A_404 : vector<1x1024xf32> to vector<513x1024xf32>
      %broadcast_in_dim3A_406 = vector.broadcast %jit3A_403 : f32 to vector<513x1024xf32>
      %select_n3A_407 = arith.select %eq3A_399, %broadcast_in_dim3A_405, %broadcast_in_dim3A_406 : vector<513x1024xi1>, vector<513x1024xf32>
      %eq3A_408 = arith.constant 0 : i32
      %eq3A_409 = vector.broadcast %eq3A_408 : i32 to vector<513x1024xi32>
      %eq3A_410 = arith.cmpi eq, %select_n3A_396, %eq3A_409 : vector<513x1024xi32>
      %get3A_411 = arith.constant 0 : index
      %get3A_412 = arith.constant 0 : index
      %get3A_413 = vector.load %arg6[%get3A_411, %get3A_412] : memref<12x1024xf32, #tpu.memory_space<vmem>>, vector<1x1024xf32>
      %jit3A_414 = arith.constant 0.000000e+00 : f32
      %broadcast_in_dim3A_415 = vector.shape_cast %get3A_413 : vector<1x1024xf32> to vector<1x1024xf32>
      %broadcast_in_dim3A_416 = vector.broadcast %broadcast_in_dim3A_415 : vector<1x1024xf32> to vector<513x1024xf32>
      %broadcast_in_dim3A_417 = vector.broadcast %jit3A_414 : f32 to vector<513x1024xf32>
      %select_n3A_418 = arith.select %eq3A_410, %broadcast_in_dim3A_416, %broadcast_in_dim3A_417 : vector<513x1024xi1>, vector<513x1024xf32>
      %add3A_419 = arith.addf %select_n3A_407, %select_n3A_418 : vector<513x1024xf32>
      %eq3A_420 = arith.constant 1 : i32
      %eq3A_421 = vector.broadcast %eq3A_420 : i32 to vector<513x1024xi32>
      %eq3A_422 = arith.cmpi eq, %select_n3A_396, %eq3A_421 : vector<513x1024xi32>
      %get3A_423 = arith.constant 1 : index
      %get3A_424 = arith.constant 0 : index
      %get3A_425 = vector.load %arg6[%get3A_423, %get3A_424] : memref<12x1024xf32, #tpu.memory_space<vmem>>, vector<1x1024xf32>
      %jit3A_426 = arith.constant 0.000000e+00 : f32
      %broadcast_in_dim3A_427 = vector.shape_cast %get3A_425 : vector<1x1024xf32> to vector<1x1024xf32>
      %broadcast_in_dim3A_428 = vector.broadcast %broadcast_in_dim3A_427 : vector<1x1024xf32> to vector<513x1024xf32>
      %broadcast_in_dim3A_429 = vector.broadcast %jit3A_426 : f32 to vector<513x1024xf32>
      %select_n3A_430 = arith.select %eq3A_422, %broadcast_in_dim3A_428, %broadcast_in_dim3A_429 : vector<513x1024xi1>, vector<513x1024xf32>
      %add3A_431 = arith.addf %add3A_419, %select_n3A_430 : vector<513x1024xf32>
      %eq3A_432 = arith.constant 2 : i32
      %eq3A_433 = vector.broadcast %eq3A_432 : i32 to vector<513x1024xi32>
      %eq3A_434 = arith.cmpi eq, %select_n3A_396, %eq3A_433 : vector<513x1024xi32>
      %get3A_435 = arith.constant 2 : index
      %get3A_436 = arith.constant 0 : index
      %get3A_437 = vector.load %arg6[%get3A_435, %get3A_436] : memref<12x1024xf32, #tpu.memory_space<vmem>>, vector<1x1024xf32>
      %jit3A_438 = arith.constant 0.000000e+00 : f32
      %broadcast_in_dim3A_439 = vector.shape_cast %get3A_437 : vector<1x1024xf32> to vector<1x1024xf32>
      %broadcast_in_dim3A_440 = vector.broadcast %broadcast_in_dim3A_439 : vector<1x1024xf32> to vector<513x1024xf32>
      %broadcast_in_dim3A_441 = vector.broadcast %jit3A_438 : f32 to vector<513x1024xf32>
      %select_n3A_442 = arith.select %eq3A_434, %broadcast_in_dim3A_440, %broadcast_in_dim3A_441 : vector<513x1024xi1>, vector<513x1024xf32>
      %add3A_443 = arith.addf %add3A_431, %select_n3A_442 : vector<513x1024xf32>
      %eq3A_444 = arith.constant 3 : i32
      %eq3A_445 = vector.broadcast %eq3A_444 : i32 to vector<513x1024xi32>
      %eq3A_446 = arith.cmpi eq, %select_n3A_396, %eq3A_445 : vector<513x1024xi32>
      %get3A_447 = arith.constant 3 : index
      %get3A_448 = arith.constant 0 : index
      %get3A_449 = vector.load %arg6[%get3A_447, %get3A_448] : memref<12x1024xf32, #tpu.memory_space<vmem>>, vector<1x1024xf32>
      %jit3A_450 = arith.constant 0.000000e+00 : f32
      %broadcast_in_dim3A_451 = vector.shape_cast %get3A_449 : vector<1x1024xf32> to vector<1x1024xf32>
      %broadcast_in_dim3A_452 = vector.broadcast %broadcast_in_dim3A_451 : vector<1x1024xf32> to vector<513x1024xf32>
      %broadcast_in_dim3A_453 = vector.broadcast %jit3A_450 : f32 to vector<513x1024xf32>
      %select_n3A_454 = arith.select %eq3A_446, %broadcast_in_dim3A_452, %broadcast_in_dim3A_453 : vector<513x1024xi1>, vector<513x1024xf32>
      %add3A_455 = arith.addf %add3A_443, %select_n3A_454 : vector<513x1024xf32>
      %eq3A_456 = arith.constant 4 : i32
      %eq3A_457 = vector.broadcast %eq3A_456 : i32 to vector<513x1024xi32>
      %eq3A_458 = arith.cmpi eq, %select_n3A_396, %eq3A_457 : vector<513x1024xi32>
      %get3A_459 = arith.constant 4 : index
      %get3A_460 = arith.constant 0 : index
      %get3A_461 = vector.load %arg6[%get3A_459, %get3A_460] : memref<12x1024xf32, #tpu.memory_space<vmem>>, vector<1x1024xf32>
      %jit3A_462 = arith.constant 0.000000e+00 : f32
      %broadcast_in_dim3A_463 = vector.shape_cast %get3A_461 : vector<1x1024xf32> to vector<1x1024xf32>
      %broadcast_in_dim3A_464 = vector.broadcast %broadcast_in_dim3A_463 : vector<1x1024xf32> to vector<513x1024xf32>
      %broadcast_in_dim3A_465 = vector.broadcast %jit3A_462 : f32 to vector<513x1024xf32>
      %select_n3A_466 = arith.select %eq3A_458, %broadcast_in_dim3A_464, %broadcast_in_dim3A_465 : vector<513x1024xi1>, vector<513x1024xf32>
      %add3A_467 = arith.addf %add3A_455, %select_n3A_466 : vector<513x1024xf32>
      %eq3A_468 = arith.constant 5 : i32
      %eq3A_469 = vector.broadcast %eq3A_468 : i32 to vector<513x1024xi32>
      %eq3A_470 = arith.cmpi eq, %select_n3A_396, %eq3A_469 : vector<513x1024xi32>
      %get3A_471 = arith.constant 5 : index
      %get3A_472 = arith.constant 0 : index
      %get3A_473 = vector.load %arg6[%get3A_471, %get3A_472] : memref<12x1024xf32, #tpu.memory_space<vmem>>, vector<1x1024xf32>
      %jit3A_474 = arith.constant 0.000000e+00 : f32
      %broadcast_in_dim3A_475 = vector.shape_cast %get3A_473 : vector<1x1024xf32> to vector<1x1024xf32>
      %broadcast_in_dim3A_476 = vector.broadcast %broadcast_in_dim3A_475 : vector<1x1024xf32> to vector<513x1024xf32>
      %broadcast_in_dim3A_477 = vector.broadcast %jit3A_474 : f32 to vector<513x1024xf32>
      %select_n3A_478 = arith.select %eq3A_470, %broadcast_in_dim3A_476, %broadcast_in_dim3A_477 : vector<513x1024xi1>, vector<513x1024xf32>
      %add3A_479 = arith.addf %add3A_467, %select_n3A_478 : vector<513x1024xf32>
      %eq3A_480 = arith.constant 6 : i32
      %eq3A_481 = vector.broadcast %eq3A_480 : i32 to vector<513x1024xi32>
      %eq3A_482 = arith.cmpi eq, %select_n3A_396, %eq3A_481 : vector<513x1024xi32>
      %get3A_483 = arith.constant 6 : index
      %get3A_484 = arith.constant 0 : index
      %get3A_485 = vector.load %arg6[%get3A_483, %get3A_484] : memref<12x1024xf32, #tpu.memory_space<vmem>>, vector<1x1024xf32>
      %jit3A_486 = arith.constant 0.000000e+00 : f32
      %broadcast_in_dim3A_487 = vector.shape_cast %get3A_485 : vector<1x1024xf32> to vector<1x1024xf32>
      %broadcast_in_dim3A_488 = vector.broadcast %broadcast_in_dim3A_487 : vector<1x1024xf32> to vector<513x1024xf32>
      %broadcast_in_dim3A_489 = vector.broadcast %jit3A_486 : f32 to vector<513x1024xf32>
      %select_n3A_490 = arith.select %eq3A_482, %broadcast_in_dim3A_488, %broadcast_in_dim3A_489 : vector<513x1024xi1>, vector<513x1024xf32>
      %add3A_491 = arith.addf %add3A_479, %select_n3A_490 : vector<513x1024xf32>
      %eq3A_492 = arith.constant 7 : i32
      %eq3A_493 = vector.broadcast %eq3A_492 : i32 to vector<513x1024xi32>
      %eq3A_494 = arith.cmpi eq, %select_n3A_396, %eq3A_493 : vector<513x1024xi32>
      %get3A_495 = arith.constant 7 : index
      %get3A_496 = arith.constant 0 : index
      %get3A_497 = vector.load %arg6[%get3A_495, %get3A_496] : memref<12x1024xf32, #tpu.memory_space<vmem>>, vector<1x1024xf32>
      %jit3A_498 = arith.constant 0.000000e+00 : f32
      %broadcast_in_dim3A_499 = vector.shape_cast %get3A_497 : vector<1x1024xf32> to vector<1x1024xf32>
      %broadcast_in_dim3A_500 = vector.broadcast %broadcast_in_dim3A_499 : vector<1x1024xf32> to vector<513x1024xf32>
      %broadcast_in_dim3A_501 = vector.broadcast %jit3A_498 : f32 to vector<513x1024xf32>
      %select_n3A_502 = arith.select %eq3A_494, %broadcast_in_dim3A_500, %broadcast_in_dim3A_501 : vector<513x1024xi1>, vector<513x1024xf32>
      %add3A_503 = arith.addf %add3A_491, %select_n3A_502 : vector<513x1024xf32>
      %eq3A_504 = arith.constant 8 : i32
      %eq3A_505 = vector.broadcast %eq3A_504 : i32 to vector<513x1024xi32>
      %eq3A_506 = arith.cmpi eq, %select_n3A_396, %eq3A_505 : vector<513x1024xi32>
      %get3A_507 = arith.constant 8 : index
      %get3A_508 = arith.constant 0 : index
      %get3A_509 = vector.load %arg6[%get3A_507, %get3A_508] : memref<12x1024xf32, #tpu.memory_space<vmem>>, vector<1x1024xf32>
      %jit3A_510 = arith.constant 0.000000e+00 : f32
      %broadcast_in_dim3A_511 = vector.shape_cast %get3A_509 : vector<1x1024xf32> to vector<1x1024xf32>
      %broadcast_in_dim3A_512 = vector.broadcast %broadcast_in_dim3A_511 : vector<1x1024xf32> to vector<513x1024xf32>
      %broadcast_in_dim3A_513 = vector.broadcast %jit3A_510 : f32 to vector<513x1024xf32>
      %select_n3A_514 = arith.select %eq3A_506, %broadcast_in_dim3A_512, %broadcast_in_dim3A_513 : vector<513x1024xi1>, vector<513x1024xf32>
      %add3A_515 = arith.addf %add3A_503, %select_n3A_514 : vector<513x1024xf32>
      %eq3A_516 = arith.constant 9 : i32
      %eq3A_517 = vector.broadcast %eq3A_516 : i32 to vector<513x1024xi32>
      %eq3A_518 = arith.cmpi eq, %select_n3A_396, %eq3A_517 : vector<513x1024xi32>
      %get3A_519 = arith.constant 9 : index
      %get3A_520 = arith.constant 0 : index
      %get3A_521 = vector.load %arg6[%get3A_519, %get3A_520] : memref<12x1024xf32, #tpu.memory_space<vmem>>, vector<1x1024xf32>
      %jit3A_522 = arith.constant 0.000000e+00 : f32
      %broadcast_in_dim3A_523 = vector.shape_cast %get3A_521 : vector<1x1024xf32> to vector<1x1024xf32>
      %broadcast_in_dim3A_524 = vector.broadcast %broadcast_in_dim3A_523 : vector<1x1024xf32> to vector<513x1024xf32>
      %broadcast_in_dim3A_525 = vector.broadcast %jit3A_522 : f32 to vector<513x1024xf32>
      %select_n3A_526 = arith.select %eq3A_518, %broadcast_in_dim3A_524, %broadcast_in_dim3A_525 : vector<513x1024xi1>, vector<513x1024xf32>
      %add3A_527 = arith.addf %add3A_515, %select_n3A_526 : vector<513x1024xf32>
      %eq3A_528 = arith.constant 10 : i32
      %eq3A_529 = vector.broadcast %eq3A_528 : i32 to vector<513x1024xi32>
      %eq3A_530 = arith.cmpi eq, %select_n3A_396, %eq3A_529 : vector<513x1024xi32>
      %get3A_531 = arith.constant 10 : index
      %get3A_532 = arith.constant 0 : index
      %get3A_533 = vector.load %arg6[%get3A_531, %get3A_532] : memref<12x1024xf32, #tpu.memory_space<vmem>>, vector<1x1024xf32>
      %jit3A_534 = arith.constant 0.000000e+00 : f32
      %broadcast_in_dim3A_535 = vector.shape_cast %get3A_533 : vector<1x1024xf32> to vector<1x1024xf32>
      %broadcast_in_dim3A_536 = vector.broadcast %broadcast_in_dim3A_535 : vector<1x1024xf32> to vector<513x1024xf32>
      %broadcast_in_dim3A_537 = vector.broadcast %jit3A_534 : f32 to vector<513x1024xf32>
      %select_n3A_538 = arith.select %eq3A_530, %broadcast_in_dim3A_536, %broadcast_in_dim3A_537 : vector<513x1024xi1>, vector<513x1024xf32>
      %add3A_539 = arith.addf %add3A_527, %select_n3A_538 : vector<513x1024xf32>
      %eq3A_540 = arith.constant 11 : i32
      %eq3A_541 = vector.broadcast %eq3A_540 : i32 to vector<513x1024xi32>
      %eq3A_542 = arith.cmpi eq, %select_n3A_396, %eq3A_541 : vector<513x1024xi32>
      %get3A_543 = arith.constant 11 : index
      %get3A_544 = arith.constant 0 : index
      %get3A_545 = vector.load %arg6[%get3A_543, %get3A_544] : memref<12x1024xf32, #tpu.memory_space<vmem>>, vector<1x1024xf32>
      %jit3A_546 = arith.constant 0.000000e+00 : f32
      %broadcast_in_dim3A_547 = vector.shape_cast %get3A_545 : vector<1x1024xf32> to vector<1x1024xf32>
      %broadcast_in_dim3A_548 = vector.broadcast %broadcast_in_dim3A_547 : vector<1x1024xf32> to vector<513x1024xf32>
      %broadcast_in_dim3A_549 = vector.broadcast %jit3A_546 : f32 to vector<513x1024xf32>
      %select_n3A_550 = arith.select %eq3A_542, %broadcast_in_dim3A_548, %broadcast_in_dim3A_549 : vector<513x1024xi1>, vector<513x1024xf32>
      %add3A_551 = arith.addf %add3A_539, %select_n3A_550 : vector<513x1024xf32>
      %convert_element_type3A_552 = arith.truncf %add3A_551 : vector<513x1024xf32> to vector<513x1024xbf16>
      %get3A_553 = arith.constant 0 : index
      %get3A_554 = arith.constant 0 : index
      %get3A_555 = vector.load %arg12[%get3A_553, %get3A_554] : memref<1008x1024xf32, #tpu.memory_space<vmem>>, vector<1008x1024xf32>
      %convert_element_type3A_556 = arith.truncf %get3A_555 : vector<1008x1024xf32> to vector<1008x1024xbf16>
      %swap3A_557 = arith.constant 0 : index
      %swap3A_558 = arith.constant 0 : index
      %swap3A_559 = vector.load %arg20[%swap3A_557, %swap3A_558] : memref<1024x1024xbf16, #tpu.memory_space<vmem>>, vector<1008x1024xbf16>
      tpu.vector_store %arg20[%swap3A_557, %swap3A_558], %convert_element_type3A_556 {strides = array<i32>} : memref<1024x1024xbf16, #tpu.memory_space<vmem>>, vector<1008x1024xbf16>,
      %broadcast_in_dim3A_560 = arith.constant 0.000000e+00 : bf16
      %broadcast_in_dim3A_561 = vector.broadcast %broadcast_in_dim3A_560 : bf16 to vector<16x1024xbf16>
      %swap3A_562 = arith.constant 1008 : index
      %swap3A_563 = arith.constant 0 : index
      %swap3A_564 = vector.load %arg20[%swap3A_562, %swap3A_563] : memref<1024x1024xbf16, #tpu.memory_space<vmem>>, vector<16x1024xbf16>
      tpu.vector_store %arg20[%swap3A_562, %swap3A_563], %broadcast_in_dim3A_561 {strides = array<i32>} : memref<1024x1024xbf16, #tpu.memory_space<vmem>>, vector<16x1024xbf16>,
      %get3A_565 = arith.constant 0 : index
      %get3A_566 = arith.constant 0 : index
      %get3A_567 = vector.load %arg20[%get3A_565, %get3A_566] : memref<1024x1024xbf16, #tpu.memory_space<vmem>>, vector<1024x1024xbf16>
      %dot_general3A_568 = arith.constant dense<0.000000e+00> : vector<513x1024xf32>
      %dot_general3A_569 = tpu.matmul %convert_element_type3A_552, %get3A_567, %dot_general3A_568 {dimension_numbers = #tpu.dot_dimension_numbers<[1], [0], [0], [1], [0, 0, 1, 1], [], []>, transpose_lhs_hint = false} : vector<513x1024xbf16>, vector<1024x1024xbf16>, vector<513x1024xf32> -> vector<513x1024xf32>
      %convert_element_type3A_570 = arith.truncf %dot_general3A_569 : vector<513x1024xf32> to vector<513x1024xbf16>
      %swap3A_571 = arith.constant 0 : index
      %swap3A_572 = arith.constant 3072 : index
      %swap3A_573 = vector.load %arg18[%swap3A_571, %swap3A_572] : memref<513x6144xbf16, #tpu.memory_space<vmem>>, vector<513x1024xbf16>
      tpu.vector_store %arg18[%swap3A_571, %swap3A_572], %convert_element_type3A_570 {strides = array<i32>} : memref<513x6144xbf16, #tpu.memory_space<vmem>>, vector<513x1024xbf16>,
      %get3A_574 = arith.constant 512 : index
      %get3A_575 = arith.constant 3072 : index
      %get3A_576 = vector.load %arg18[%get3A_574, %get3A_575] : memref<513x6144xbf16, #tpu.memory_space<vmem>>, vector<1x1024xbf16>
      %get3A_577 = arith.constant 3 : index
      %get3A_578 = arith.constant 0 : index
      %get3A_579 = vector.load %arg16[%get3A_577, %get3A_578] : memref<6x1024xf32, #tpu.memory_space<vmem>>, vector<1x1024xf32>
      %convert_element_type3A_580 = arith.truncf %get3A_579 : vector<1x1024xf32> to vector<1x1024xbf16>
      %add3A_581 = arith.addf %get3A_576, %convert_element_type3A_580 : vector<1x1024xbf16>
      %swap3A_582 = arith.constant 512 : index
      %swap3A_583 = arith.constant 3072 : index
      %swap3A_584 = vector.load %arg18[%swap3A_582, %swap3A_583] : memref<513x6144xbf16, #tpu.memory_space<vmem>>, vector<1x1024xbf16>
      tpu.vector_store %arg18[%swap3A_582, %swap3A_583], %add3A_581 {strides = array<i32>} : memref<513x6144xbf16, #tpu.memory_space<vmem>>, vector<1x1024xbf16>,
      %jit3A_585 = arith.constant 6 : i32
      %div3A_586 = vector.broadcast %jit3A_585 : i32 to vector<513x1024xi32>
      %div3A_587 = arith.divsi %iota3A_6, %div3A_586 : vector<513x1024xi32>
      %sign3A_588 = arith.constant 0 : i32
      %sign3A_589 = vector.broadcast %sign3A_588 : i32 to vector<513x1024xi32>
      %sign3A_590 = arith.cmpi sgt, %iota3A_6, %sign3A_589 : vector<513x1024xi32>
      %sign3A_591 = arith.extui %sign3A_590 : vector<513x1024xi1> to vector<513x1024xi32>
      %sign3A_592 = arith.constant 0 : i32
      %sign3A_593 = vector.broadcast %sign3A_592 : i32 to vector<513x1024xi32>
      %sign3A_594 = arith.cmpi slt, %iota3A_6, %sign3A_593 : vector<513x1024xi32>
      %sign3A_595 = arith.extui %sign3A_594 : vector<513x1024xi1> to vector<513x1024xi32>
      %sign3A_596 = arith.subi %sign3A_591, %sign3A_595 : vector<513x1024xi32>
      %sign3A_597 = arith.constant 0 : i32
      %sign3A_598 = arith.cmpi sgt, %jit3A_585, %sign3A_597 : i32
      %sign3A_599 = arith.extui %sign3A_598 : i1 to i32
      %sign3A_600 = arith.constant 0 : i32
      %sign3A_601 = arith.cmpi slt, %jit3A_585, %sign3A_600 : i32
      %sign3A_602 = arith.extui %sign3A_601 : i1 to i32
      %sign3A_603 = arith.subi %sign3A_599, %sign3A_602 : i32
      %ne3A_604 = vector.broadcast %sign3A_603 : i32 to vector<513x1024xi32>
      %ne3A_605 = arith.cmpi ne, %sign3A_596, %ne3A_604 : vector<513x1024xi32>
      %rem3A_606 = vector.broadcast %jit3A_585 : i32 to vector<513x1024xi32>
      %rem3A_607 = arith.remsi %iota3A_6, %rem3A_606 : vector<513x1024xi32>
      %ne3A_608 = arith.constant 0 : i32
      %ne3A_609 = vector.broadcast %ne3A_608 : i32 to vector<513x1024xi32>
      %ne3A_610 = arith.cmpi ne, %rem3A_607, %ne3A_609 : vector<513x1024xi32>
      %and3A_611 = arith.andi %ne3A_605, %ne3A_610 : vector<513x1024xi1>
      %sub3A_612 = arith.constant 1 : i32
      %sub3A_613 = vector.broadcast %sub3A_612 : i32 to vector<513x1024xi32>
      %sub3A_614 = arith.subi %div3A_587, %sub3A_613 : vector<513x1024xi32>
      %select_n3A_615 = arith.select %and3A_611, %sub3A_614, %div3A_587 : vector<513x1024xi1>, vector<513x1024xi32>
      %lt3A_616 = arith.constant 1014 : i32
      %lt3A_617 = vector.broadcast %lt3A_616 : i32 to vector<513x1024xi32>
      %lt3A_618 = arith.cmpi slt, %iota3A_6, %lt3A_617 : vector<513x1024xi32>
      %lt3A_619 = arith.constant 512 : i32
      %lt3A_620 = vector.broadcast %lt3A_619 : i32 to vector<513x1024xi32>
      %lt3A_621 = arith.cmpi slt, %iota3A, %lt3A_620 : vector<513x1024xi32>
      %and3A_622 = arith.andi %lt3A_618, %lt3A_621 : vector<513x1024xi1>
      %mul3A_623 = arith.constant 3 : i32
      %mul3A_624 = vector.broadcast %mul3A_623 : i32 to vector<513x1024xi32>
      %mul3A_625 = arith.muli %select_n3A_615, %mul3A_624 : vector<513x1024xi32>
      %sub3A_626 = arith.subi %iota3A, %mul3A_625 : vector<513x1024xi32>
      %jit3A_627 = arith.constant -1 : i32
      %broadcast_in_dim3A_628 = vector.broadcast %jit3A_627 : i32 to vector<513x1024xi32>
      %select_n3A_629 = arith.select %and3A_622, %sub3A_626, %broadcast_in_dim3A_628 : vector<513x1024xi1>, vector<513x1024xi32>
      %eq3A_630 = arith.constant 512 : i32
      %eq3A_631 = vector.broadcast %eq3A_630 : i32 to vector<513x1024xi32>
      %eq3A_632 = arith.cmpi eq, %iota3A, %eq3A_631 : vector<513x1024xi32>
      %get3A_633 = arith.constant 4 : index
      %get3A_634 = arith.constant 0 : index
      %get3A_635 = vector.load %arg15[%get3A_633, %get3A_634] : memref<6x1024xf32, #tpu.memory_space<vmem>>, vector<1x1024xf32>
      %jit3A_636 = arith.constant 0.000000e+00 : f32
      %broadcast_in_dim3A_637 = vector.shape_cast %get3A_635 : vector<1x1024xf32> to vector<1x1024xf32>
      %broadcast_in_dim3A_638 = vector.broadcast %broadcast_in_dim3A_637 : vector<1x1024xf32> to vector<513x1024xf32>
      %broadcast_in_dim3A_639 = vector.broadcast %jit3A_636 : f32 to vector<513x1024xf32>
      %select_n3A_640 = arith.select %eq3A_632, %broadcast_in_dim3A_638, %broadcast_in_dim3A_639 : vector<513x1024xi1>, vector<513x1024xf32>
      %eq3A_641 = arith.constant 0 : i32
      %eq3A_642 = vector.broadcast %eq3A_641 : i32 to vector<513x1024xi32>
      %eq3A_643 = arith.cmpi eq, %select_n3A_629, %eq3A_642 : vector<513x1024xi32>
      %get3A_644 = arith.constant 0 : index
      %get3A_645 = arith.constant 0 : index
      %get3A_646 = vector.load %arg7[%get3A_644, %get3A_645] : memref<6x1024xf32, #tpu.memory_space<vmem>>, vector<1x1024xf32>
      %jit3A_647 = arith.constant 0.000000e+00 : f32
      %broadcast_in_dim3A_648 = vector.shape_cast %get3A_646 : vector<1x1024xf32> to vector<1x1024xf32>
      %broadcast_in_dim3A_649 = vector.broadcast %broadcast_in_dim3A_648 : vector<1x1024xf32> to vector<513x1024xf32>
      %broadcast_in_dim3A_650 = vector.broadcast %jit3A_647 : f32 to vector<513x1024xf32>
      %select_n3A_651 = arith.select %eq3A_643, %broadcast_in_dim3A_649, %broadcast_in_dim3A_650 : vector<513x1024xi1>, vector<513x1024xf32>
      %add3A_652 = arith.addf %select_n3A_640, %select_n3A_651 : vector<513x1024xf32>
      %eq3A_653 = arith.constant 1 : i32
      %eq3A_654 = vector.broadcast %eq3A_653 : i32 to vector<513x1024xi32>
      %eq3A_655 = arith.cmpi eq, %select_n3A_629, %eq3A_654 : vector<513x1024xi32>
      %get3A_656 = arith.constant 1 : index
      %get3A_657 = arith.constant 0 : index
      %get3A_658 = vector.load %arg7[%get3A_656, %get3A_657] : memref<6x1024xf32, #tpu.memory_space<vmem>>, vector<1x1024xf32>
      %jit3A_659 = arith.constant 0.000000e+00 : f32
      %broadcast_in_dim3A_660 = vector.shape_cast %get3A_658 : vector<1x1024xf32> to vector<1x1024xf32>
      %broadcast_in_dim3A_661 = vector.broadcast %broadcast_in_dim3A_660 : vector<1x1024xf32> to vector<513x1024xf32>
      %broadcast_in_dim3A_662 = vector.broadcast %jit3A_659 : f32 to vector<513x1024xf32>
      %select_n3A_663 = arith.select %eq3A_655, %broadcast_in_dim3A_661, %broadcast_in_dim3A_662 : vector<513x1024xi1>, vector<513x1024xf32>
      %add3A_664 = arith.addf %add3A_652, %select_n3A_663 : vector<513x1024xf32>
      %eq3A_665 = arith.constant 2 : i32
      %eq3A_666 = vector.broadcast %eq3A_665 : i32 to vector<513x1024xi32>
      %eq3A_667 = arith.cmpi eq, %select_n3A_629, %eq3A_666 : vector<513x1024xi32>
      %get3A_668 = arith.constant 2 : index
      %get3A_669 = arith.constant 0 : index
      %get3A_670 = vector.load %arg7[%get3A_668, %get3A_669] : memref<6x1024xf32, #tpu.memory_space<vmem>>, vector<1x1024xf32>
      %jit3A_671 = arith.constant 0.000000e+00 : f32
      %broadcast_in_dim3A_672 = vector.shape_cast %get3A_670 : vector<1x1024xf32> to vector<1x1024xf32>
      %broadcast_in_dim3A_673 = vector.broadcast %broadcast_in_dim3A_672 : vector<1x1024xf32> to vector<513x1024xf32>
      %broadcast_in_dim3A_674 = vector.broadcast %jit3A_671 : f32 to vector<513x1024xf32>
      %select_n3A_675 = arith.select %eq3A_667, %broadcast_in_dim3A_673, %broadcast_in_dim3A_674 : vector<513x1024xi1>, vector<513x1024xf32>
      %add3A_676 = arith.addf %add3A_664, %select_n3A_675 : vector<513x1024xf32>
      %eq3A_677 = arith.constant 3 : i32
      %eq3A_678 = vector.broadcast %eq3A_677 : i32 to vector<513x1024xi32>
      %eq3A_679 = arith.cmpi eq, %select_n3A_629, %eq3A_678 : vector<513x1024xi32>
      %get3A_680 = arith.constant 3 : index
      %get3A_681 = arith.constant 0 : index
      %get3A_682 = vector.load %arg7[%get3A_680, %get3A_681] : memref<6x1024xf32, #tpu.memory_space<vmem>>, vector<1x1024xf32>
      %jit3A_683 = arith.constant 0.000000e+00 : f32
      %broadcast_in_dim3A_684 = vector.shape_cast %get3A_682 : vector<1x1024xf32> to vector<1x1024xf32>
      %broadcast_in_dim3A_685 = vector.broadcast %broadcast_in_dim3A_684 : vector<1x1024xf32> to vector<513x1024xf32>
      %broadcast_in_dim3A_686 = vector.broadcast %jit3A_683 : f32 to vector<513x1024xf32>
      %select_n3A_687 = arith.select %eq3A_679, %broadcast_in_dim3A_685, %broadcast_in_dim3A_686 : vector<513x1024xi1>, vector<513x1024xf32>
      %add3A_688 = arith.addf %add3A_676, %select_n3A_687 : vector<513x1024xf32>
      %eq3A_689 = arith.constant 4 : i32
      %eq3A_690 = vector.broadcast %eq3A_689 : i32 to vector<513x1024xi32>
      %eq3A_691 = arith.cmpi eq, %select_n3A_629, %eq3A_690 : vector<513x1024xi32>
      %get3A_692 = arith.constant 4 : index
      %get3A_693 = arith.constant 0 : index
      %get3A_694 = vector.load %arg7[%get3A_692, %get3A_693] : memref<6x1024xf32, #tpu.memory_space<vmem>>, vector<1x1024xf32>
      %jit3A_695 = arith.constant 0.000000e+00 : f32
      %broadcast_in_dim3A_696 = vector.shape_cast %get3A_694 : vector<1x1024xf32> to vector<1x1024xf32>
      %broadcast_in_dim3A_697 = vector.broadcast %broadcast_in_dim3A_696 : vector<1x1024xf32> to vector<513x1024xf32>
      %broadcast_in_dim3A_698 = vector.broadcast %jit3A_695 : f32 to vector<513x1024xf32>
      %select_n3A_699 = arith.select %eq3A_691, %broadcast_in_dim3A_697, %broadcast_in_dim3A_698 : vector<513x1024xi1>, vector<513x1024xf32>
      %add3A_700 = arith.addf %add3A_688, %select_n3A_699 : vector<513x1024xf32>
      %eq3A_701 = arith.constant 5 : i32
      %eq3A_702 = vector.broadcast %eq3A_701 : i32 to vector<513x1024xi32>
      %eq3A_703 = arith.cmpi eq, %select_n3A_629, %eq3A_702 : vector<513x1024xi32>
      %get3A_704 = arith.constant 5 : index
      %get3A_705 = arith.constant 0 : index
      %get3A_706 = vector.load %arg7[%get3A_704, %get3A_705] : memref<6x1024xf32, #tpu.memory_space<vmem>>, vector<1x1024xf32>
      %jit3A_707 = arith.constant 0.000000e+00 : f32
      %broadcast_in_dim3A_708 = vector.shape_cast %get3A_706 : vector<1x1024xf32> to vector<1x1024xf32>
      %broadcast_in_dim3A_709 = vector.broadcast %broadcast_in_dim3A_708 : vector<1x1024xf32> to vector<513x1024xf32>
      %broadcast_in_dim3A_710 = vector.broadcast %jit3A_707 : f32 to vector<513x1024xf32>
      %select_n3A_711 = arith.select %eq3A_703, %broadcast_in_dim3A_709, %broadcast_in_dim3A_710 : vector<513x1024xi1>, vector<513x1024xf32>
      %add3A_712 = arith.addf %add3A_700, %select_n3A_711 : vector<513x1024xf32>
      %convert_element_type3A_713 = arith.truncf %add3A_712 : vector<513x1024xf32> to vector<513x1024xbf16>
      %get3A_714 = arith.constant 0 : index
      %get3A_715 = arith.constant 0 : index
      %get3A_716 = vector.load %arg13[%get3A_714, %get3A_715] : memref<1014x1024xf32, #tpu.memory_space<vmem>>, vector<1014x1024xf32>
      %convert_element_type3A_717 = arith.truncf %get3A_716 : vector<1014x1024xf32> to vector<1014x1024xbf16>
      %swap3A_718 = arith.constant 0 : index
      %swap3A_719 = arith.constant 0 : index
      %swap3A_720 = vector.load %arg20[%swap3A_718, %swap3A_719] : memref<1024x1024xbf16, #tpu.memory_space<vmem>>, vector<1014x1024xbf16>
      tpu.vector_store %arg20[%swap3A_718, %swap3A_719], %convert_element_type3A_717 {strides = array<i32>} : memref<1024x1024xbf16, #tpu.memory_space<vmem>>, vector<1014x1024xbf16>,
      %broadcast_in_dim3A_721 = arith.constant 0.000000e+00 : bf16
      %broadcast_in_dim3A_722 = vector.broadcast %broadcast_in_dim3A_721 : bf16 to vector<10x1024xbf16>
      %swap3A_723 = arith.constant 1014 : index
      %swap3A_724 = arith.constant 0 : index
      %swap3A_725 = vector.load %arg20[%swap3A_723, %swap3A_724] : memref<1024x1024xbf16, #tpu.memory_space<vmem>>, vector<10x1024xbf16>
      tpu.vector_store %arg20[%swap3A_723, %swap3A_724], %broadcast_in_dim3A_722 {strides = array<i32>} : memref<1024x1024xbf16, #tpu.memory_space<vmem>>, vector<10x1024xbf16>,
      %get3A_726 = arith.constant 0 : index
      %get3A_727 = arith.constant 0 : index
      %get3A_728 = vector.load %arg20[%get3A_726, %get3A_727] : memref<1024x1024xbf16, #tpu.memory_space<vmem>>, vector<1024x1024xbf16>
      %dot_general3A_729 = arith.constant dense<0.000000e+00> : vector<513x1024xf32>
      %dot_general3A_730 = tpu.matmul %convert_element_type3A_713, %get3A_728, %dot_general3A_729 {dimension_numbers = #tpu.dot_dimension_numbers<[1], [0], [0], [1], [0, 0, 1, 1], [], []>, transpose_lhs_hint = false} : vector<513x1024xbf16>, vector<1024x1024xbf16>, vector<513x1024xf32> -> vector<513x1024xf32>
      %convert_element_type3A_731 = arith.truncf %dot_general3A_730 : vector<513x1024xf32> to vector<513x1024xbf16>
      %swap3A_732 = arith.constant 0 : index
      %swap3A_733 = arith.constant 4096 : index
      %swap3A_734 = vector.load %arg18[%swap3A_732, %swap3A_733] : memref<513x6144xbf16, #tpu.memory_space<vmem>>, vector<513x1024xbf16>
      tpu.vector_store %arg18[%swap3A_732, %swap3A_733], %convert_element_type3A_731 {strides = array<i32>} : memref<513x6144xbf16, #tpu.memory_space<vmem>>, vector<513x1024xbf16>,
      %get3A_735 = arith.constant 512 : index
      %get3A_736 = arith.constant 4096 : index
      %get3A_737 = vector.load %arg18[%get3A_735, %get3A_736] : memref<513x6144xbf16, #tpu.memory_space<vmem>>, vector<1x1024xbf16>
      %get3A_738 = arith.constant 4 : index
      %get3A_739 = arith.constant 0 : index
      %get3A_740 = vector.load %arg16[%get3A_738, %get3A_739] : memref<6x1024xf32, #tpu.memory_space<vmem>>, vector<1x1024xf32>
      %convert_element_type3A_741 = arith.truncf %get3A_740 : vector<1x1024xf32> to vector<1x1024xbf16>
      %add3A_742 = arith.addf %get3A_737, %convert_element_type3A_741 : vector<1x1024xbf16>
      %swap3A_743 = arith.constant 512 : index
      %swap3A_744 = arith.constant 4096 : index
      %swap3A_745 = vector.load %arg18[%swap3A_743, %swap3A_744] : memref<513x6144xbf16, #tpu.memory_space<vmem>>, vector<1x1024xbf16>
      tpu.vector_store %arg18[%swap3A_743, %swap3A_744], %add3A_742 {strides = array<i32>} : memref<513x6144xbf16, #tpu.memory_space<vmem>>, vector<1x1024xbf16>,
      %jit3A_746 = arith.constant 2 : i32
      %div3A_747 = vector.broadcast %jit3A_746 : i32 to vector<513x1024xi32>
      %div3A_748 = arith.divsi %iota3A_6, %div3A_747 : vector<513x1024xi32>
      %sign3A_749 = arith.constant 0 : i32
      %sign3A_750 = vector.broadcast %sign3A_749 : i32 to vector<513x1024xi32>
      %sign3A_751 = arith.cmpi sgt, %iota3A_6, %sign3A_750 : vector<513x1024xi32>
      %sign3A_752 = arith.extui %sign3A_751 : vector<513x1024xi1> to vector<513x1024xi32>
      %sign3A_753 = arith.constant 0 : i32
      %sign3A_754 = vector.broadcast %sign3A_753 : i32 to vector<513x1024xi32>
      %sign3A_755 = arith.cmpi slt, %iota3A_6, %sign3A_754 : vector<513x1024xi32>
      %sign3A_756 = arith.extui %sign3A_755 : vector<513x1024xi1> to vector<513x1024xi32>
      %sign3A_757 = arith.subi %sign3A_752, %sign3A_756 : vector<513x1024xi32>
      %sign3A_758 = arith.constant 0 : i32
      %sign3A_759 = arith.cmpi sgt, %jit3A_746, %sign3A_758 : i32
      %sign3A_760 = arith.extui %sign3A_759 : i1 to i32
      %sign3A_761 = arith.constant 0 : i32
      %sign3A_762 = arith.cmpi slt, %jit3A_746, %sign3A_761 : i32
      %sign3A_763 = arith.extui %sign3A_762 : i1 to i32
      %sign3A_764 = arith.subi %sign3A_760, %sign3A_763 : i32
      %ne3A_765 = vector.broadcast %sign3A_764 : i32 to vector<513x1024xi32>
      %ne3A_766 = arith.cmpi ne, %sign3A_757, %ne3A_765 : vector<513x1024xi32>
      %rem3A_767 = vector.broadcast %jit3A_746 : i32 to vector<513x1024xi32>
      %rem3A_768 = arith.remsi %iota3A_6, %rem3A_767 : vector<513x1024xi32>
      %ne3A_769 = arith.constant 0 : i32
      %ne3A_770 = vector.broadcast %ne3A_769 : i32 to vector<513x1024xi32>
      %ne3A_771 = arith.cmpi ne, %rem3A_768, %ne3A_770 : vector<513x1024xi32>
      %and3A_772 = arith.andi %ne3A_766, %ne3A_771 : vector<513x1024xi1>
      %sub3A_773 = arith.constant 1 : i32
      %sub3A_774 = vector.broadcast %sub3A_773 : i32 to vector<513x1024xi32>
      %sub3A_775 = arith.subi %div3A_748, %sub3A_774 : vector<513x1024xi32>
      %select_n3A_776 = arith.select %and3A_772, %sub3A_775, %div3A_748 : vector<513x1024xi1>, vector<513x1024xi32>
      %lt3A_777 = arith.constant 1020 : i32
      %lt3A_778 = vector.broadcast %lt3A_777 : i32 to vector<513x1024xi32>
      %lt3A_779 = arith.cmpi slt, %iota3A_6, %lt3A_778 : vector<513x1024xi32>
      %lt3A_780 = arith.constant 512 : i32
      %lt3A_781 = vector.broadcast %lt3A_780 : i32 to vector<513x1024xi32>
      %lt3A_782 = arith.cmpi slt, %iota3A, %lt3A_781 : vector<513x1024xi32>
      %and3A_783 = arith.andi %lt3A_779, %lt3A_782 : vector<513x1024xi1>
      %mul3A_784 = arith.constant 1 : i32
      %mul3A_785 = vector.broadcast %mul3A_784 : i32 to vector<513x1024xi32>
      %mul3A_786 = arith.muli %select_n3A_776, %mul3A_785 : vector<513x1024xi32>
      %sub3A_787 = arith.subi %iota3A, %mul3A_786 : vector<513x1024xi32>
      %jit3A_788 = arith.constant -1 : i32
      %broadcast_in_dim3A_789 = vector.broadcast %jit3A_788 : i32 to vector<513x1024xi32>
      %select_n3A_790 = arith.select %and3A_783, %sub3A_787, %broadcast_in_dim3A_789 : vector<513x1024xi1>, vector<513x1024xi32>
      %eq3A_791 = arith.constant 512 : i32
      %eq3A_792 = vector.broadcast %eq3A_791 : i32 to vector<513x1024xi32>
      %eq3A_793 = arith.cmpi eq, %iota3A, %eq3A_792 : vector<513x1024xi32>
      %get3A_794 = arith.constant 5 : index
      %get3A_795 = arith.constant 0 : index
      %get3A_796 = vector.load %arg15[%get3A_794, %get3A_795] : memref<6x1024xf32, #tpu.memory_space<vmem>>, vector<1x1024xf32>
      %jit3A_797 = arith.constant 0.000000e+00 : f32
      %broadcast_in_dim3A_798 = vector.shape_cast %get3A_796 : vector<1x1024xf32> to vector<1x1024xf32>
      %broadcast_in_dim3A_799 = vector.broadcast %broadcast_in_dim3A_798 : vector<1x1024xf32> to vector<513x1024xf32>
      %broadcast_in_dim3A_800 = vector.broadcast %jit3A_797 : f32 to vector<513x1024xf32>
      %select_n3A_801 = arith.select %eq3A_793, %broadcast_in_dim3A_799, %broadcast_in_dim3A_800 : vector<513x1024xi1>, vector<513x1024xf32>
      %eq3A_802 = arith.constant 0 : i32
      %eq3A_803 = vector.broadcast %eq3A_802 : i32 to vector<513x1024xi32>
      %eq3A_804 = arith.cmpi eq, %select_n3A_790, %eq3A_803 : vector<513x1024xi32>
      %get3A_805 = arith.constant 0 : index
      %get3A_806 = arith.constant 0 : index
      %get3A_807 = vector.load %arg8[%get3A_805, %get3A_806] : memref<3x1024xf32, #tpu.memory_space<vmem>>, vector<1x1024xf32>
      %jit3A_808 = arith.constant 0.000000e+00 : f32
      %broadcast_in_dim3A_809 = vector.shape_cast %get3A_807 : vector<1x1024xf32> to vector<1x1024xf32>
      %broadcast_in_dim3A_810 = vector.broadcast %broadcast_in_dim3A_809 : vector<1x1024xf32> to vector<513x1024xf32>
      %broadcast_in_dim3A_811 = vector.broadcast %jit3A_808 : f32 to vector<513x1024xf32>
      %select_n3A_812 = arith.select %eq3A_804, %broadcast_in_dim3A_810, %broadcast_in_dim3A_811 : vector<513x1024xi1>, vector<513x1024xf32>
      %add3A_813 = arith.addf %select_n3A_801, %select_n3A_812 : vector<513x1024xf32>
      %eq3A_814 = arith.constant 1 : i32
      %eq3A_815 = vector.broadcast %eq3A_814 : i32 to vector<513x1024xi32>
      %eq3A_816 = arith.cmpi eq, %select_n3A_790, %eq3A_815 : vector<513x1024xi32>
      %get3A_817 = arith.constant 1 : index
      %get3A_818 = arith.constant 0 : index
      %get3A_819 = vector.load %arg8[%get3A_817, %get3A_818] : memref<3x1024xf32, #tpu.memory_space<vmem>>, vector<1x1024xf32>
      %jit3A_820 = arith.constant 0.000000e+00 : f32
      %broadcast_in_dim3A_821 = vector.shape_cast %get3A_819 : vector<1x1024xf32> to vector<1x1024xf32>
      %broadcast_in_dim3A_822 = vector.broadcast %broadcast_in_dim3A_821 : vector<1x1024xf32> to vector<513x1024xf32>
      %broadcast_in_dim3A_823 = vector.broadcast %jit3A_820 : f32 to vector<513x1024xf32>
      %select_n3A_824 = arith.select %eq3A_816, %broadcast_in_dim3A_822, %broadcast_in_dim3A_823 : vector<513x1024xi1>, vector<513x1024xf32>
      %add3A_825 = arith.addf %add3A_813, %select_n3A_824 : vector<513x1024xf32>
      %eq3A_826 = arith.constant 2 : i32
      %eq3A_827 = vector.broadcast %eq3A_826 : i32 to vector<513x1024xi32>
      %eq3A_828 = arith.cmpi eq, %select_n3A_790, %eq3A_827 : vector<513x1024xi32>
      %get3A_829 = arith.constant 2 : index
      %get3A_830 = arith.constant 0 : index
      %get3A_831 = vector.load %arg8[%get3A_829, %get3A_830] : memref<3x1024xf32, #tpu.memory_space<vmem>>, vector<1x1024xf32>
      %jit3A_832 = arith.constant 0.000000e+00 : f32
      %broadcast_in_dim3A_833 = vector.shape_cast %get3A_831 : vector<1x1024xf32> to vector<1x1024xf32>
      %broadcast_in_dim3A_834 = vector.broadcast %broadcast_in_dim3A_833 : vector<1x1024xf32> to vector<513x1024xf32>
      %broadcast_in_dim3A_835 = vector.broadcast %jit3A_832 : f32 to vector<513x1024xf32>
      %select_n3A_836 = arith.select %eq3A_828, %broadcast_in_dim3A_834, %broadcast_in_dim3A_835 : vector<513x1024xi1>, vector<513x1024xf32>
      %add3A_837 = arith.addf %add3A_825, %select_n3A_836 : vector<513x1024xf32>
      %convert_element_type3A_838 = arith.truncf %add3A_837 : vector<513x1024xf32> to vector<513x1024xbf16>
      %get3A_839 = arith.constant 0 : index
      %get3A_840 = arith.constant 0 : index
      %get3A_841 = vector.load %arg14[%get3A_839, %get3A_840] : memref<1020x1024xf32, #tpu.memory_space<vmem>>, vector<1020x1024xf32>
      %convert_element_type3A_842 = arith.truncf %get3A_841 : vector<1020x1024xf32> to vector<1020x1024xbf16>
      %swap3A_843 = arith.constant 0 : index
      %swap3A_844 = arith.constant 0 : index
      %swap3A_845 = vector.load %arg20[%swap3A_843, %swap3A_844] : memref<1024x1024xbf16, #tpu.memory_space<vmem>>, vector<1020x1024xbf16>
      tpu.vector_store %arg20[%swap3A_843, %swap3A_844], %convert_element_type3A_842 {strides = array<i32>} : memref<1024x1024xbf16, #tpu.memory_space<vmem>>, vector<1020x1024xbf16>,
      %broadcast_in_dim3A_846 = arith.constant 0.000000e+00 : bf16
      %broadcast_in_dim3A_847 = vector.broadcast %broadcast_in_dim3A_846 : bf16 to vector<4x1024xbf16>
      %swap3A_848 = arith.constant 1020 : index
      %swap3A_849 = arith.constant 0 : index
      %swap3A_850 = vector.load %arg20[%swap3A_848, %swap3A_849] : memref<1024x1024xbf16, #tpu.memory_space<vmem>>, vector<4x1024xbf16>
      tpu.vector_store %arg20[%swap3A_848, %swap3A_849], %broadcast_in_dim3A_847 {strides = array<i32>} : memref<1024x1024xbf16, #tpu.memory_space<vmem>>, vector<4x1024xbf16>,
      %get3A_851 = arith.constant 0 : index
      %get3A_852 = arith.constant 0 : index
      %get3A_853 = vector.load %arg20[%get3A_851, %get3A_852] : memref<1024x1024xbf16, #tpu.memory_space<vmem>>, vector<1024x1024xbf16>
      %dot_general3A_854 = arith.constant dense<0.000000e+00> : vector<513x1024xf32>
      %dot_general3A_855 = tpu.matmul %convert_element_type3A_838, %get3A_853, %dot_general3A_854 {dimension_numbers = #tpu.dot_dimension_numbers<[1], [0], [0], [1], [0, 0, 1, 1], [], []>, transpose_lhs_hint = false} : vector<513x1024xbf16>, vector<1024x1024xbf16>, vector<513x1024xf32> -> vector<513x1024xf32>
      %convert_element_type3A_856 = arith.truncf %dot_general3A_855 : vector<513x1024xf32> to vector<513x1024xbf16>
      %swap3A_857 = arith.constant 0 : index
      %swap3A_858 = arith.constant 5120 : index
      %swap3A_859 = vector.load %arg18[%swap3A_857, %swap3A_858] : memref<513x6144xbf16, #tpu.memory_space<vmem>>, vector<513x1024xbf16>
      tpu.vector_store %arg18[%swap3A_857, %swap3A_858], %convert_element_type3A_856 {strides = array<i32>} : memref<513x6144xbf16, #tpu.memory_space<vmem>>, vector<513x1024xbf16>,
      %get3A_860 = arith.constant 512 : index
      %get3A_861 = arith.constant 5120 : index
      %get3A_862 = vector.load %arg18[%get3A_860, %get3A_861] : memref<513x6144xbf16, #tpu.memory_space<vmem>>, vector<1x1024xbf16>
      %get3A_863 = arith.constant 5 : index
      %get3A_864 = arith.constant 0 : index
      %get3A_865 = vector.load %arg16[%get3A_863, %get3A_864] : memref<6x1024xf32, #tpu.memory_space<vmem>>, vector<1x1024xf32>
      %convert_element_type3A_866 = arith.truncf %get3A_865 : vector<1x1024xf32> to vector<1x1024xbf16>
      %add3A_867 = arith.addf %get3A_862, %convert_element_type3A_866 : vector<1x1024xbf16>
      %swap3A_868 = arith.constant 512 : index
      %swap3A_869 = arith.constant 5120 : index
      %swap3A_870 = vector.load %arg18[%swap3A_868, %swap3A_869] : memref<513x6144xbf16, #tpu.memory_space<vmem>>, vector<1x1024xbf16>
      tpu.vector_store %arg18[%swap3A_868, %swap3A_869], %add3A_867 {strides = array<i32>} : memref<513x6144xbf16, #tpu.memory_space<vmem>>, vector<1x1024xbf16>,
    } else {
    }
    %gt3A = arith.constant 0 : i32
    %gt3A_2 = arith.cmpi sgt, %arg0, %gt3A : i32
    %convert_element_type3A_3 = arith.extui %gt3A_2 : i1 to i32
    %cond3A_4 = arith.constant 0 : i32
    %cond3A_5 = arith.cmpi ne, %convert_element_type3A_3, %cond3A_4 : i32
    scf.if %cond3A_5 {
      %get3A = arith.constant 0 : index
      %get3A_6 = arith.constant 0 : index
      %get3A_7 = vector.load %arg1[%get3A, %get3A_6] : memref<512x512xf32, #tpu.memory_space<vmem>>, vector<512x512xf32>
      %convert_element_type3A_8 = arith.truncf %get3A_7 : vector<512x512xf32> to vector<512x512xbf16>
      %get3A_9 = arith.constant 0 : index
      %get3A_10 = arith.constant 0 : index
      %get3A_11 = vector.load %arg2[%get3A_9, %get3A_10] : memref<8x512xf32, #tpu.memory_space<vmem>>, vector<8x512xf32>
      %transpose3A = tpu.transpose %get3A_11, [1, 0] : vector<8x512xf32> -> vector<512x8xf32>
      %get3A_12 = arith.constant 0 : index
      %get3A_13 = arith.constant 0 : index
      %get3A_14 = vector.load %arg18[%get3A_12, %get3A_13] : memref<513x6144xbf16, #tpu.memory_space<vmem>>, vector<512x6144xbf16>
      %dot_general3A = arith.constant dense<0.000000e+00> : vector<512x6144xf32>
      %dot_general3A_15 = tpu.matmul %convert_element_type3A_8, %get3A_14, %dot_general3A {dimension_numbers = #tpu.dot_dimension_numbers<[1], [0], [0], [1], [0, 0, 1, 1], [], []>, transpose_lhs_hint = false} : vector<512x512xbf16>, vector<512x6144xbf16>, vector<512x6144xf32> -> vector<512x6144xf32>
      %get3A_16 = arith.constant 512 : index
      %get3A_17 = arith.constant 0 : index
      %get3A_18 = vector.load %arg18[%get3A_16, %get3A_17] : memref<513x6144xbf16, #tpu.memory_space<vmem>>, vector<1x6144xbf16>
      %convert_element_type3A_19 = arith.extf %get3A_18 : vector<1x6144xbf16> to vector<1x6144xf32>
      %add3A = vector.broadcast %convert_element_type3A_19 : vector<1x6144xf32> to vector<512x6144xf32>
      %add3A_20 = arith.addf %dot_general3A_15, %add3A : vector<512x6144xf32>
      %broadcast_in_dim3A = arith.constant 0.000000e+00 : f32
      %broadcast_in_dim3A_21 = vector.broadcast %broadcast_in_dim3A : f32 to vector<512x1024xf32>
      %slice3A = vector.extract_strided_slice %transpose3A {offsets = [0, 0], sizes = [512, 1], strides = [1, 1]} : vector<512x8xf32> to vector<512x1xf32>
      %slice3A_22 = vector.extract_strided_slice %add3A_20 {offsets = [0, 0], sizes = [512, 1024], strides = [1, 1]} : vector<512x6144xf32> to vector<512x1024xf32>
      %mul3A = vector.broadcast %slice3A : vector<512x1xf32> to vector<512x1024xf32>
      %mul3A_23 = arith.mulf %mul3A, %slice3A_22 : vector<512x1024xf32>
      %add3A_24 = arith.addf %broadcast_in_dim3A_21, %mul3A_23 : vector<512x1024xf32>
      %slice3A_25 = vector.extract_strided_slice %transpose3A {offsets = [0, 1], sizes = [512, 1], strides = [1, 1]} : vector<512x8xf32> to vector<512x1xf32>
      %slice3A_26 = vector.extract_strided_slice %add3A_20 {offsets = [0, 1024], sizes = [512, 1024], strides = [1, 1]} : vector<512x6144xf32> to vector<512x1024xf32>
      %mul3A_27 = vector.broadcast %slice3A_25 : vector<512x1xf32> to vector<512x1024xf32>
      %mul3A_28 = arith.mulf %mul3A_27, %slice3A_26 : vector<512x1024xf32>
      %add3A_29 = arith.addf %add3A_24, %mul3A_28 : vector<512x1024xf32>
      %slice3A_30 = vector.extract_strided_slice %transpose3A {offsets = [0, 2], sizes = [512, 1], strides = [1, 1]} : vector<512x8xf32> to vector<512x1xf32>
      %slice3A_31 = vector.extract_strided_slice %add3A_20 {offsets = [0, 2048], sizes = [512, 1024], strides = [1, 1]} : vector<512x6144xf32> to vector<512x1024xf32>
      %mul3A_32 = vector.broadcast %slice3A_30 : vector<512x1xf32> to vector<512x1024xf32>
      %mul3A_33 = arith.mulf %mul3A_32, %slice3A_31 : vector<512x1024xf32>
      %add3A_34 = arith.addf %add3A_29, %mul3A_33 : vector<512x1024xf32>
      %slice3A_35 = vector.extract_strided_slice %transpose3A {offsets = [0, 3], sizes = [512, 1], strides = [1, 1]} : vector<512x8xf32> to vector<512x1xf32>
      %slice3A_36 = vector.extract_strided_slice %add3A_20 {offsets = [0, 3072], sizes = [512, 1024], strides = [1, 1]} : vector<512x6144xf32> to vector<512x1024xf32>
      %mul3A_37 = vector.broadcast %slice3A_35 : vector<512x1xf32> to vector<512x1024xf32>
      %mul3A_38 = arith.mulf %mul3A_37, %slice3A_36 : vector<512x1024xf32>
      %add3A_39 = arith.addf %add3A_34, %mul3A_38 : vector<512x1024xf32>
      %slice3A_40 = vector.extract_strided_slice %transpose3A {offsets = [0, 4], sizes = [512, 1], strides = [1, 1]} : vector<512x8xf32> to vector<512x1xf32>
      %slice3A_41 = vector.extract_strided_slice %add3A_20 {offsets = [0, 4096], sizes = [512, 1024], strides = [1, 1]} : vector<512x6144xf32> to vector<512x1024xf32>
      %mul3A_42 = vector.broadcast %slice3A_40 : vector<512x1xf32> to vector<512x1024xf32>
      %mul3A_43 = arith.mulf %mul3A_42, %slice3A_41 : vector<512x1024xf32>
      %add3A_44 = arith.addf %add3A_39, %mul3A_43 : vector<512x1024xf32>
      %slice3A_45 = vector.extract_strided_slice %transpose3A {offsets = [0, 5], sizes = [512, 1], strides = [1, 1]} : vector<512x8xf32> to vector<512x1xf32>
      %slice3A_46 = vector.extract_strided_slice %add3A_20 {offsets = [0, 5120], sizes = [512, 1024], strides = [1, 1]} : vector<512x6144xf32> to vector<512x1024xf32>
      %mul3A_47 = vector.broadcast %slice3A_45 : vector<512x1xf32> to vector<512x1024xf32>
      %mul3A_48 = arith.mulf %mul3A_47, %slice3A_46 : vector<512x1024xf32>
      %add3A_49 = arith.addf %add3A_44, %mul3A_48 : vector<512x1024xf32>
      %swap3A = arith.constant 0 : index
      %swap3A_50 = arith.constant 0 : index
      %swap3A_51 = vector.load %arg17[%swap3A, %swap3A_50] : memref<512x1024xf32, #tpu.memory_space<vmem>>, vector<512x1024xf32>
      tpu.vector_store %arg17[%swap3A, %swap3A_50], %add3A_49 {strides = array<i32>} : memref<512x1024xf32, #tpu.memory_space<vmem>>, vector<512x1024xf32>,
    } else {
    }
    return
  }
  func.func @transform_0(%arg0: i32) -> (i32, i32) {
    %sub3A = arith.constant 1 : i32
    %sub3A_0 = arith.subi %arg0, %sub3A : i32
    %max3A = arith.constant 0 : i32
    %max3A_1 = arith.maxsi %sub3A_0, %max3A : i32
    %c0_i32 = arith.constant 0 : i32
    %c0_i32_2 = arith.constant 0 : i32
    return %max3A_1, %c0_i32 : i32, i32
  }
  func.func @transform_1(%arg0: i32) -> (i32, i32) {
    %sub3A = arith.constant 1 : i32
    %sub3A_0 = arith.subi %arg0, %sub3A : i32
    %max3A = arith.constant 0 : i32
    %max3A_1 = arith.maxsi %sub3A_0, %max3A : i32
    %c0_i32 = arith.constant 0 : i32
    %c0_i32_2 = arith.constant 0 : i32
    return %c0_i32, %max3A_1 : i32, i32
  }
  func.func @transform_2(%arg0: i32) -> (i32, i32) {
    %c0_i32 = arith.constant 0 : i32
    %c0_i32_0 = arith.constant 0 : i32
    %c0_i32_1 = arith.constant 0 : i32
    return %c0_i32, %c0_i32_0 : i32, i32
  }
  func.func @transform_3(%arg0: i32) -> (i32, i32) {
    %c0_i32 = arith.constant 0 : i32
    %c0_i32_0 = arith.constant 0 : i32
    %c0_i32_1 = arith.constant 0 : i32
    return %c0_i32, %c0_i32_0 : i32, i32
  }
  func.func @transform_4(%arg0: i32) -> (i32, i32) {
    %c0_i32 = arith.constant 0 : i32
    %c0_i32_0 = arith.constant 0 : i32
    %c0_i32_1 = arith.constant 0 : i32
    return %c0_i32, %c0_i32_0 : i32, i32
  }
  func.func @transform_5(%arg0: i32) -> (i32, i32) {
    %c0_i32 = arith.constant 0 : i32
    %c0_i32_0 = arith.constant 0 : i32
    %c0_i32_1 = arith.constant 0 : i32
    return %c0_i32, %c0_i32_0 : i32, i32
  }
  func.func @transform_6(%arg0: i32) -> (i32, i32) {
    %c0_i32 = arith.constant 0 : i32
    %c0_i32_0 = arith.constant 0 : i32
    %c0_i32_1 = arith.constant 0 : i32
    return %c0_i32, %c0_i32_0 : i32, i32
  }
  func.func @transform_7(%arg0: i32) -> (i32, i32) {
    %c0_i32 = arith.constant 0 : i32
    %c0_i32_0 = arith.constant 0 : i32
    %c0_i32_1 = arith.constant 0 : i32
    return %c0_i32, %c0_i32_0 : i32, i32
  }
  func.func @transform_8(%arg0: i32) -> (i32, i32) {
    %c0_i32 = arith.constant 0 : i32
    %c0_i32_0 = arith.constant 0 : i32
    %c0_i32_1 = arith.constant 0 : i32
    return %c0_i32, %c0_i32_0 : i32, i32
  }
  func.func @transform_9(%arg0: i32) -> (i32, i32) {
    %c0_i32 = arith.constant 0 : i32
    %c0_i32_0 = arith.constant 0 : i32
    %c0_i32_1 = arith.constant 0 : i32
    return %c0_i32, %c0_i32_0 : i32, i32
  }
  func.func @transform_10(%arg0: i32) -> (i32, i32) {
    %c0_i32 = arith.constant 0 : i32
    %c0_i32_0 = arith.constant 0 : i32
    %c0_i32_1 = arith.constant 0 : i32
    return %c0_i32, %c0_i32_0 : i32, i32
  }
  func.func @transform_11(%arg0: i32) -> (i32, i32) {
    %c0_i32 = arith.constant 0 : i32
    %c0_i32_0 = arith.constant 0 : i32
    %c0_i32_1 = arith.constant 0 : i32
    return %c0_i32, %c0_i32_0 : i32, i32
  }
  func.func @transform_12(%arg0: i32) -> (i32, i32) {
    %c0_i32 = arith.constant 0 : i32
    %c0_i32_0 = arith.constant 0 : i32
    %c0_i32_1 = arith.constant 0 : i32
    return %c0_i32, %c0_i32_0 : i32, i32
  }
  func.func @transform_13(%arg0: i32) -> (i32, i32) {
    %c0_i32 = arith.constant 0 : i32
    %c0_i32_0 = arith.constant 0 : i32
    %c0_i32_1 = arith.constant 0 : i32
    return %c0_i32, %c0_i32_0 : i32, i32
  }
  func.func @transform_14(%arg0: i32) -> (i32, i32) {
    %c0_i32 = arith.constant 0 : i32
    %c0_i32_0 = arith.constant 0 : i32
    %c0_i32_1 = arith.constant 0 : i32
    return %c0_i32, %c0_i32_0 : i32, i32
  }
  func.func @transform_15(%arg0: i32) -> (i32, i32) {
    %c0_i32 = arith.constant 0 : i32
    %c0_i32_0 = arith.constant 0 : i32
    %c0_i32_1 = arith.constant 0 : i32
    return %c0_i32, %c0_i32_0 : i32, i32
  }
  func.func @transform_16(%arg0: i32) -> (i32, i32) {
    %sub3A = arith.constant 1 : i32
    %sub3A_0 = arith.subi %arg0, %sub3A : i32
    %max3A = arith.constant 0 : i32
    %max3A_1 = arith.maxsi %sub3A_0, %max3A : i32
    %c0_i32 = arith.constant 0 : i32
    %c0_i32_2 = arith.constant 0 : i32
    return %max3A_1, %c0_i32 : i32, i32
  }
}

</mosaic_0001>

<sc_bundles>
// kernel: kernel.5.cloned.1.call-start
scs
__scs_entry_jumppad:
0x0: {  	(pc) =	sbr.rel $0x88, $3  }
0x1: {  	(tag) =	ssettag $0x0;
	lr =	simm.s32 $0x1  }
0x2: {  	[smem:$0x3F86] =	sst lr;
	_ =	strace $0xD0000000  }
0x3: {  	_ = 	snop  }
0x4: {  	_ = 	snop  }
0x5: {  	_ = 	snop  }
0x6: {  	_ = 	snop  }
0x7: {  	_ = 	snop  }
__scs_overlays_trampoline_lowered:
0x8: {  	[smem:$0x3F95] =	sst s0  }
0x9: {  	[smem:$0x3F96] =	sst s1  }
0xa: {  	[smem:$0x3F97] =	sst s2  }
0xb: {  	[smem:$0x3F98] =	sst s3  }
0xc: {  	[smem:$0x3F99] =	sst s4  }
0xd: {  	[smem:$0x3F9A] =	sst s5  }
0xe: {  	[smem:$0x3F9B] =	sst s6  }
0xf: {  	[smem:$0x3F9C] =	sst s7  }
0x10: {  	[smem:$0x3F9D] =	sst s8  }
0x11: {  	[smem:$0x3F9E] =	sst s9;
	s0 =	simm.s32 @!p0 $0x0  }
0x12: {  	s1 =	sld [smem:$0x3F84];
	s0 =	simm.s32 @p0 $0x1  }
0x13: {  	[smem:$0x3F9F] =	sst s0;
	s0 =	simm.s32 @!p1 $0x0  }
0x14: {  	s2 =	sld [smem:$0x3F83];
	s0 =	simm.s32 @p1 $0x1  }
0x15: {  	[smem:$0x3FA0] =	sst s0;
	s0 =	simm.s32 @!p2 $0x0  }
0x16: {  	s3 =	sld [smem:$0x3FDB];
	s0 =	simm.s32 @p2 $0x1  }
0x17: {  	s4 =	simm.s32 $0x1BF5;
	[smem:$0x3FA2] =	sst s0  }
0x18: {  	s0 =	sld [smem:$0x3F85];
	_ =	swait.ge [sflag:s4], $0x0  }
0x19: {  	s7 =	sld [smem:$0x3F86]  }
0x1a: {  	s8 =	sadd.s32 $0xFFFFE003, lr  }
0x1b: {  	s9 =	sadd.s32 $0xFFFFFEF7, lr;
	s5 =	simm.s32 $0xFFFFFFFF;
	p2 =	slt.u32 s8, $0xFFFFF086  }
0x1c: {  	p1 =	slt.u32 s9, $0xF7A;
	s5 =	simm.s32 @!p2 $0x0  }
0x1d: {  	s5 =	simm.s32 @p1 $0x1;
	p0 =	seq.s32 s7, s2  }
0x1e: {  	s7 =	smul.u32 @!p0 $0xF7A, s2;
	p2 =	seq.s32 @!p0 s5, $0x0  }
0x1f: {  	s9 =	smul.u32 $0xF7A, s1;
	s8 =	simm.s32 @!p0 $0x1BF5;
	p2 =	por !p2, p0  }
0x20: {  	[sflag:s8] =	ssyncset.s32 @!p0 $0xFFFFF086;
	s6 =	sadd.s32 @!p0 s3, s7;
	s7 =	simm.s32 @!p0 $0x108  }
0x21: {  	s3 =	sadd.s32 s3, s9;
	s6 =	sadd.s32 @!p0 $0x88, s6;
	s7 =	simm.s32 @p2 $0x1082  }
0x22: {  	[simem:s7], [sflag:s8] =	dma.local @!p0 [hbm:s6], $0xF7A  }
0x23: {  	s9 =	sor.u32 $0xD0000000, s2;
	s6 =	simm.s32 $0x108;
	_ =	swait.ge @!p0 [sflag:s8], $0x0  }
0x24: {  	s3 =	sadd.s32 $0x88, s3;
	s6 =	simm.s32 @!p1 $0x1082;
	[sflag:s4] =	ssyncset.s32 $0xFFFFF086  }
0x25: {  	[simem:s6], [sflag:s4] =	dma.local [hbm:s3], $0xF7A  }
0x26: {  	[smem:$0x3F86] =	sst s1;
	(tag) =	ssettag s2;
	_ =	strace s9  }
0x27: {  	s1 =	sld [smem:$0x3F96]  }
0x28: {  	s2 =	sld [smem:$0x3F97]  }
0x29: {  	s4 =	sld [smem:$0x3F99]  }
0x2a: {  	p0 =	seq.s32 s5, $0x0;
	s5 =	sld [smem:$0x3F9A]  }
0x2b: {  	s6 =	sld [smem:$0x3F9B]  }
0x2c: {  	s7 =	sld [smem:$0x3F9C]  }
0x2d: {  	s3 =	simm.s32 $0x108;
	s8 =	sld [smem:$0x3F9D]  }
0x2e: {  	s3 =	simm.s32 @!p0 $0x1082;
	s9 =	sld [smem:$0x3F9E]  }
0x2f: {  	lr =	sadd.s32 s0, s3;
	s0 =	sld [smem:$0x3F95]  }
0x30: {  	s3 =	sld [smem:$0x3F98]  }
0x31: {  	[smem:$0x3FA1] =	sst s10  }
0x32: {  	s10 =	sld [smem:$0x3F9F];
	_ =	sdelay $0x3  }
0x33: {  	p0 =	seq.s32 s10, $0x1;
	s10 =	sld [smem:$0x3FA1];
	_ =	sdelay $0x3  }
0x34: {  	[smem:$0x3FA1] =	sst s10  }
0x35: {  	s10 =	sld [smem:$0x3FA0];
	_ =	sdelay $0x3  }
0x36: {  	p1 =	seq.s32 s10, $0x1;
	s10 =	sld [smem:$0x3FA1];
	_ =	sdelay $0x3  }
0x37: {  	[smem:$0x3FA1] =	sst s10  }
0x38: {  	s10 =	sld [smem:$0x3FA2]  }
0x39: {  	_ = 	snop;
	(pc) =	sbr.ind lr, $3  }
0x3a: {  	_ = 	snop  }
0x3b: {  	_ = 	snop  }
0x3c: {  	p2 =	seq.s32 s10, $0x1;
	s10 =	sld [smem:$0x3FA1]  }
0x3d: {  	_ =	shalt  }
0x3e: {  	_ =	shalt  }
0x3f: {  	_ =	shalt  }
0x40: {  	_ =	shalt  }
0x41: {  	_ =	shalt  }
0x42: {  	_ =	shalt  }
0x43: {  	_ =	shalt  }
0x44: {  	_ =	shalt  }
0x45: {  	_ =	shalt  }
0x46: {  	_ =	shalt  }
0x47: {  	_ =	shalt  }
0x48: {  	_ =	shalt  }
0x49: {  	_ =	shalt  }
0x4a: {  	_ =	shalt  }
0x4b: {  	_ =	shalt  }
0x4c: {  	_ =	shalt  }
0x4d: {  	_ =	shalt  }
0x4e: {  	_ =	shalt  }
0x4f: {  	_ =	shalt  }
0x50: {  	_ =	shalt  }
0x51: {  	_ =	shalt  }
0x52: {  	_ =	shalt  }
0x53: {  	_ =	shalt  }
0x54: {  	_ =	shalt  }
0x55: {  	_ =	shalt  }
0x56: {  	_ =	shalt  }
0x57: {  	_ =	shalt  }
0x58: {  	_ =	shalt  }
0x59: {  	_ =	shalt  }
0x5a: {  	_ =	shalt  }
0x5b: {  	_ =	shalt  }
0x5c: {  	_ =	shalt  }
0x5d: {  	_ =	shalt  }
0x5e: {  	_ =	shalt  }
0x5f: {  	_ =	shalt  }
0x60: {  	_ =	shalt  }
0x61: {  	_ =	shalt  }
0x62: {  	_ =	shalt  }
0x63: {  	_ =	shalt  }
0x64: {  	_ =	shalt  }
0x65: {  	_ =	shalt  }
0x66: {  	_ =	shalt  }
0x67: {  	_ =	shalt  }
0x68: {  	_ =	shalt  }
0x69: {  	_ =	shalt  }
0x6a: {  	_ =	shalt  }
0x6b: {  	_ =	shalt  }
0x6c: {  	_ =	shalt  }
0x6d: {  	_ =	shalt  }
0x6e: {  	_ =	shalt  }
0x6f: {  	_ =	shalt  }
0x70: {  	_ =	shalt  }
0x71: {  	_ =	shalt  }
0x72: {  	_ =	shalt  }
0x73: {  	_ =	shalt  }
0x74: {  	_ =	shalt  }
0x75: {  	_ =	shalt  }
0x76: {  	_ =	shalt  }
0x77: {  	_ =	shalt  }
0x78: {  	_ =	shalt  }
0x79: {  	_ =	shalt  }
0x7a: {  	_ =	shalt  }
0x7b: {  	_ =	shalt  }
0x7c: {  	_ =	shalt  }
0x7d: {  	_ =	shalt  }
0x7e: {  	_ =	shalt  }
0x7f: {  	_ =	shalt  }
0x80: {  	_ =	shalt  }
0x81: {  	_ =	shalt  }
0x82: {  	_ =	shalt  }
0x83: {  	_ =	shalt  }
0x84: {  	_ =	shalt  }
0x85: {  	_ =	shalt  }
0x86: {  	_ =	shalt  }
0x87: {  	_ =	shalt  }
.Lfunc_end0:
.L_simem_size_0:
called_computation_lowered:
.L_overlay_start_0:
0x88: {  	s2 =	sld [smem:$0x3FD9]  }
0x89: {  	s3 =	sld [smem:$0x3FFE];
	_ =	sdelay $0x1  }
0x8a: {  	s1 =	srdreg.scid  }
0x8b: {  	s0 =	sand.u32 $0x1, s1  }
0x8c: {  	s17 =	sshll.u32 s0, $0xA;
	s2 =	sadd.s32 s3, s2  }
0x8d: {  	s2 =	sadd.s32 s2, s17  }
0x8e: {  	[smem:$0x3FAD] =	sst s2  }
0x8f: {  	_ = 	snop  }
0x90: {  	s2 =	sld [smem:$0x3FD0];
	(tm) =	ssettm $0x1  }
0x91: {  	s18 =	sld [smem:$0x3FFB];
	_ =	sdelay $0x3  }
0x92: {  	_ =	strace s18  }
0x93: {  	s3 =	sld [smem:$0x3FFC];
	_ =	sdelay $0x3  }
0x94: {  	_ =	strace s3  }
0x95: {  	s3 =	sld [smem:$0x3FFD];
	_ =	sdelay $0x3  }
0x96: {  	_ =	strace s3  }
0x97: {  	_ =	strace $0x8FFFFFFF  }
0x98: {  	s19 =	sld [smem:$0x3FDB];
	_ =	sdelay $0x1  }
0x99: {  	s4 =	simm.s32 $_scs_section_size  }
0x9a: {  	s5 =	simm.s32 $_size__tile_overlayer_lowered;
	s6 =	simm.s32 $_tile_overlayer_lowered  }
0x9b: {  	s22 =	simm.s32 $0x1BFF;
	s21 =	sshll.u32 s6, $0x1;
	s3 =	sadd.s32 s4, s19  }
0x9c: {  	s7 =	simm.s32 $0x0;
	s20 =	sshll.u32 s5, $0x1;
	s5 =	sadd.s32 s21, s3  }
0x9d: {  	[timem:s7], [sflag:s22] =	dma.local [hbm:s5], s20  }
0x9e: {  	_ =	swait.ge [sflag:s22], s20  }
0x9f: {  	s4 =	ssub.s32 $0x0, s20;
	[sflag:s22] =	ssyncset.done $0x0  }
0xa0: {  	[sflag:s22] =	ssyncadd.s32 s4;
	_ =	sdelay $0x1  }
0xa1: {  	s23 =	simm.s32 $0x1B8B  }
0xa2: {  	_ =	swait.ge [sflag:s23], $0x1  }
0xa3: {  	[sflag:s23] =	ssyncset.done $0x0  }
0xa4: {  	s25 =	simm.s32 $0x1B8E;
	s24 =	sld [smem:$0x3FFE];
	[sflag:s23] =	ssyncadd.s32 $0xFFFFFFFF  }
0xa5: {  	s26 =	simm.s32 $execute0_lowered;
	[smem:$0x3FD2] =	sst s25  }
0xa6: {  	s5 =	sshll.u32 s26, $0x1;
	_ =	strace $0x80000046;
	[dreg:$0x1] =	wrdreg $0xFFFFFFFF  }
0xa7: {  	s28 =	simm.s32 $_size_execute0_lowered;
	s3 =	sadd.s32 s3, s5;
	[dreg:$0x0] =	wrdreg $0x0  }
0xa8: {  	s5 =	sshll.u32 s28, $0x1;
	[dreg:$0x2] =	wrdreg s3  }
0xa9: {  	[dreg:$0x3] =	wrdreg s5  }
0xaa: {  	[dreg:$0x4] =	wrdreg $0xC0  }
0xab: {  	_ =	task [dreg:s7], $0x5FFFF  }
0xac: {  	[dreg:$0x1] =	wrdreg $0xFFFFFFFF  }
0xad: {  	[dreg:$0x0] =	wrdreg $0x60  }
0xae: {  	[dreg:$0x2] =	wrdreg s2  }
0xaf: {  	[dreg:$0x3] =	wrdreg s24  }
0xb0: {  	[dreg:$0x4] =	wrdreg $0x9  }
0xb1: {  	_ =	task.clear_ibuf [dreg:s7], $0x5FFFF;
	_ =	strace $0x90000046  }
0xb2: {  	s29 =	simm.s32 $0x9;
	_ =	strace $0x80000048  }
0xb3: {  	_ =	swait.ge [sflag:s29], $0x1  }
0xb4: {  	[sflag:s29] =	ssyncadd.s32 $0xFFFFFFFF  }
0xb5: {  	_ =	strace $0x90000048  }
0xb6: {  	_ =	sfence  }
0xb7: {  	s30 =	sld [smem:$0x0];
	_ =	sdelay $0x2  }
0xb8: {  	s31 =	sshll.u32 s1, $0xD;
	s1 =	sshrl.u32 s1, $0x2  }
0xb9: {  	s3 =	sand.u32 $0x4000, s31;
	s1 =	sadd.s32 s1, s30  }
0xba: {  	s0 =	sor.u32 s3, s0;
	s1 =	sshll.u32 s1, $0x11  }
0xbb: {  	s0 =	sor.u32 s1, s0  }
0xbc: {  	s0 =	sadd.s32 $0x8F2B, s0  }
0xbd: {  	[sflag:s0] =	ssyncadd.remote.s32 $0x1  }
0xbe: {  	_ =	sfence.sel $0xFFFF  }
0xbf: {  	[dreg:$0x0] =	wrdreg $0xFFFFFFFF;
	(pc) =	sbr.abs _section_cstart, $3  }
0xc0: {  	[dreg:$0x1] =	wrdreg $0xFFFFFFFF  }
0xc1: {  	_ =	task.clear_ibuf [dreg:s7], $0x2FFFF;
	_ =	strace $0x9FFFFFFF  }
0xc2: {  	(tm) =	ssettm $0x7FFFFFFF  }
0xc3: {  	_ =	shalt  }
tec
execute0_lowered:
.L_overlay_start_1:
0x0: {  	(tag) =	ssettag $0x1  }
0x1: {  	s1 =	rddreg [dreg:$0x0]  }
0x2: {  	s5 =	rddreg [dreg:$0x1]  }
0x3: {  	s0 =	rddreg [dreg:$0x2];
	s4 =	srdreg.scid  }
0x4: {  	s3 =	simm.s32 $0x0;
	s2 =	stileid.u32;
	s12 =	simm.s32 $0x1  }
0x5: {  	s13 =	simm.s32 $0x4000;
	s4 =	sand.u32 $0x1, s4;
	s6 =	sshll.u32 s2, $0x7  }
0x6: {  	[smem:$0x7FF] =	sst s3;
	s7 =	sshll.u32 s4, $0x6;
	s8 =	ssub.s32 $0x2, s4  }
0x7: {  	_ =	strace $0x80000047;
	s4 =	sor.u32 s7, s6;
	s31 =	sshrl.u32 s8, $0x1  }
0x8: {  	s10 =	sadd.s32 s4, s5;
	s11 =	ssub.s32 s8, s31;
	s5 =	sor.u32 $0x800, s4  }
0x9: {  	s6 =	sor.u32 $0x1000, s4;
	s7 =	sor.u32 $0x1800, s4;
	s8 =	sor.u32 $0x2000, s4  }
0xa: {  	v0 =	vimm.f32 $0.0e+00;
	s9 =	sor.u32 $0x2800, s4;
	s10 =	sadd.s32 $0x3200, s10;
	s11 =	smax.u32 s11, $0x1  }
.LBB2_1:
0xb: {  	[tilespmem:s3], [sflag:$0x1] =	stream.linear.gather [hbm4b:s1+s3], $0x4000, $0x38;
	[tilespmem:$0x4200] =	vst v63  }
0xc: {  	_ =	swait.ge [sflag:s12], $0x4000  }
0xd: {  	[sflag:s12] =	ssyncset.done $0x0  }
0xe: {  	[sflag:s12] =	ssyncadd.s32 $0xFFFFC000  }
0xf: {  	v1 =	vld [tilespmem:s4+$0x0]  }
0x10: {  	v2 =	vld [tilespmem:s5+$0x0]  }
0x11: {  	v3 =	vld [tilespmem:s6+$0x0]  }
0x12: {  	v4 =	vld [tilespmem:s7+$0x0]  }
0x13: {  	v5 =	vld [tilespmem:s8+$0x0]  }
0x14: {  	v8 =	vld [tilespmem:s9+$0x0];
	_ =	sdelay $0x2  }
0x15: {  	vm0 =	vgt.f32 v2, v1;
	vm1 =	vgt.f32 v3, v1;
	vm6 =	vgt.f32 v4, v1  }
0x16: {  	vm7 =	vgt.f32 v5, v1;
	vm8 =	vge.f32 v1, v2;
	vm9 =	vgt.f32 v3, v2  }
0x17: {  	vm10 =	vgt.f32 v8, v1;
	vm11 =	vgt.f32 v4, v2;
	vm12 =	vge.f32 v1, v3  }
0x18: {  	vm13 =	vge.f32 v2, v3;
	vm14 =	vgt.f32 v5, v2;
	vm15 =	vgt.f32 v4, v3  }
0x19: {  	vm4 =	vgt.f32 v8, v2;
	vm5 =	vgt.f32 v5, v3;
	v12 =	vmax.f32 v1, v2  }
0x1a: {  	v6 =	vsel vm0, $0x3F800000, v0;
	v7 =	vsel vm1, $0x3F800000, v0;
	v45 =	vsel vm6, $0x3F800000, v0  }
0x1b: {  	v46 =	vsel vm7, $0x3F800000, v0;
	v47 =	vsel vm8, $0x3F800000, v0;
	v9 =	vsel vm9, $0x3F800000, v0  }
0x1c: {  	v10 =	vsel vm10, $0x3F800000, v0;
	v48 =	vsel vm11, $0x3F800000, v0;
	v49 =	vsel vm12, $0x3F800000, v0  }
0x1d: {  	v50 =	vsel vm13, $0x3F800000, v0;
	v11 =	vsel vm14, $0x3F800000, v0;
	v51 =	vsel vm15, $0x3F800000, v0  }
0x1e: {  	v52 =	vsel vm4, $0x3F800000, v0;
	v53 =	vsel vm5, $0x3F800000, v0;
	vm6 =	vge.f32 v1, v4  }
0x1f: {  	vm7 =	vge.f32 v2, v4;
	vm8 =	vgt.f32 v8, v3;
	vm9 =	vge.f32 v3, v4  }
0x20: {  	v56 =	vmax.f32 v12, v3;
	vm10 =	vgt.f32 v5, v4;
	vm11 =	vgt.f32 v8, v4  }
0x21: {  	vm12 =	vge.f32 v1, v5;
	vm13 =	vge.f32 v2, v5;
	vm14 =	vge.f32 v3, v5  }
0x22: {  	vm15 =	vge.f32 v4, v5;
	v6 =	vadd.f32 v7, v6;
	v7 =	vadd.f32 v9, v47  }
0x23: {  	vm4 =	vge.f32 v1, v8;
	vm5 =	vge.f32 v2, v8;
	v9 =	vadd.f32 v50, v49  }
0x24: {  	v54 =	vsel vm6, $0x3F800000, v0;
	v55 =	vsel vm7, $0x3F800000, v0;
	v7 =	vadd.f32 v48, v7  }
0x25: {  	v57 =	vsel vm8, $0x3F800000, v0;
	v13 =	vsel vm9, $0x3F800000, v0;
	v58 =	vsel vm10, $0x3F800000, v0  }
0x26: {  	v60 =	vsel vm11, $0x3F800000, v0;
	v7 =	vadd.f32 v11, v7;
	v11 =	vmax.f32 v56, v4  }
0x27: {  	v61 =	vsel vm12, $0x3F800000, v0;
	v62 =	vsel vm13, $0x3F800000, v0;
	v11 =	vmax.f32 v11, v5  }
0x28: {  	v19 =	vsel vm14, $0x3F800000, v0;
	v22 =	vsel vm15, $0x3F800000, v0;
	v11 =	vmax.f32 v11, v8  }
0x29: {  	v23 =	vsel vm4, $0x3F800000, v0;
	v6 =	vadd.f32 v45, v6;
	v59 =	vsub.f32 v1, v11  }
0x2a: {  	vm6 =	vgt.f32 v8, v5;
	vm7 =	vge.f32 v3, v8;
	v14 =	vsub.f32 v2, v11  }
0x2b: {  	v9 =	vadd.f32 v51, v9;
	v6 =	vadd.f32 v46, v6;
	v12 =	vmul.f32 $1.442695020e+00, v59  }
0x2c: {  	vm10 =	vge.f32 v4, v8;
	v15 =	vsub.f32 v3, v11;
	v14 =	vmul.f32 $1.442695020e+00, v14  }
0x2d: {  	v9 =	vadd.f32 v53, v9;
	v6 =	vadd.f32 v10, v6;
	(erf) = vpow2.f32 v12  }
0x2e: {  	v18 =	vsub.f32 v4, v11;
	v63 =	vmul.f32 $1.442695020e+00, v15;
	(erf) = vpow2.f32 v14  }
0x2f: {  	vm12 =	vge.f32 v5, v8;
	v7 =	vadd.f32 v52, v7;
	v10 =	vadd.f32 v55, v54  }
0x30: {  	v21 =	vsub.f32 v5, v11;
	v20 =	vmul.f32 $1.442695020e+00, v18;
	(erf) = vpow2.f32 v63  }
0x31: {  	v9 =	vadd.f32 v57, v9;
	v11 =	vsub.f32 v8, v11;
	v2 =	vsel vm5, $0x3F800000, v0  }
0x32: {  	v1 =	vmul.f32 $1.442695020e+00, v21;
	v12 =	vadd.f32 v62, v61;
	(erf) = vpow2.f32 v20  }
0x33: {  	v24 =	vsel vm7, $0x3F800000, v0;
	v10 =	vadd.f32 v10, v13;
	v2 =	vadd.f32 v2, v23  }
0x34: {  	v12 =	vadd.f32 v12, v19;
	(erf) = vpow2.f32 v1;
	v1 =	vmul.f32 $1.442695020e+00, v11  }
0x35: {  	v3 =	vsel vm6, $0x3F800000, v0;
	v4 =	vsel vm10, $0x3F800000, v0;
	v10 =	vadd.f32 v10, v58  }
0x36: {  	vm8 =	vlt.f32 v6, $4.000000000e+00;
	v12 =	vadd.f32 v12, v22;
	v25 =	vpop (erf);
	(erf) = vpow2.f32 v1  }
0x37: {  	vm9 =	vlt.f32 v7, $4.000000000e+00;
	v10 =	vadd.f32 v10, v60;
	v1 =	vadd.f32 v2, v24;
	v2 =	vpop (erf)  }
0x38: {  	v3 =	vadd.f32 v12, v3;
	v6 =	vnsel vm8, $0x0, v25;
	v2 =	vnsel vm9, $0x0, v2  }
0x39: {  	vm11 =	vlt.f32 v9, $4.000000000e+00;
	v26 =	vpop (erf);
	v1 =	vadd.f32 v1, v4;
	v27 =	vadd.f32 v2, v6  }
0x3a: {  	v8 =	vsel vm12, $0x3F800000, v0;
	v28 =	vnsel vm11, $0x0, v26  }
0x3b: {  	vm13 =	vlt.f32 v10, $4.000000000e+00;
	v29 =	vpop (erf);
	v1 =	vadd.f32 v1, v8;
	v7 =	vadd.f32 v27, v28  }
0x3c: {  	v5 =	vnsel vm13, $0x0, v29  }
0x3d: {  	vm14 =	vlt.f32 v3, $4.000000000e+00;
	v3 =	vpop (erf);
	v7 =	vadd.f32 v7, v5  }
0x3e: {  	v3 =	vnsel vm14, $0x0, v3  }
0x3f: {  	vm15 =	vlt.f32 v1, $4.000000000e+00;
	v1 =	vpop (erf);
	v7 =	vadd.f32 v7, v3  }
0x40: {  	v1 =	vnsel vm15, $0x0, v1  }
0x41: {  	v7 =	vadd.f32 v7, v1;
	_ =	sdelay $0x1  }
0x42: {  	(erf) = vrcp.f32 v7;
	_ =	sdelay $0x8  }
0x43: {  	v7 =	vpop (erf)  }
0x44: {  	[tilespmem:$0x4180] =	vst v0;
	v6 =	vmul.f32 v7, v6  }
0x45: {  	[tilespmem:$0x41C0] =	vst v0;
	v2 =	vmul.f32 v7, v2  }
0x46: {  	v4 =	vmul.f32 v7, v28;
	[tilespmem:$0x4000] =	vst v6  }
0x47: {  	v3 =	vmul.f32 v7, v3;
	[tilespmem:$0x4040] =	vst v2  }
0x48: {  	v1 =	vmul.f32 v7, v1;
	[tilespmem:$0x4080] =	vst v4  }
0x49: {  	v2 =	vmul.f32 v7, v5;
	[tilespmem:$0x4100] =	vst v3  }
0x4a: {  	[tilespmem:$0x4140] =	vst v1  }
0x4b: {  	[tilespmem:$0x40C0] =	vst v2  }
0x4c: {  	v1 =	vld [tilespmem:s4+$0x10]  }
0x4d: {  	v2 =	vld [tilespmem:s4+$0x810]  }
0x4e: {  	v3 =	vld [tilespmem:s4+$0x1010]  }
0x4f: {  	v4 =	vld [tilespmem:s4+$0x1810]  }
0x50: {  	v30 =	vld [tilespmem:s4+$0x2010]  }
0x51: {  	v33 =	vld [tilespmem:s4+$0x2810];
	_ =	sdelay $0x2  }
0x52: {  	vm4 =	vgt.f32 v2, v1;
	vm5 =	vgt.f32 v3, v1;
	vm6 =	vgt.f32 v4, v1  }
0x53: {  	vm7 =	vgt.f32 v30, v1;
	vm8 =	vge.f32 v1, v2;
	vm9 =	vgt.f32 v3, v2  }
0x54: {  	vm10 =	vgt.f32 v33, v1;
	vm11 =	vgt.f32 v4, v2;
	vm12 =	vge.f32 v1, v3  }
0x55: {  	vm13 =	vge.f32 v2, v3;
	vm14 =	vgt.f32 v30, v2;
	vm15 =	vgt.f32 v4, v3  }
0x56: {  	v48 =	vmax.f32 v1, v2;
	v31 =	vsel vm4, $0x3F800000, v0;
	v32 =	vsel vm5, $0x3F800000, v0  }
0x57: {  	v34 =	vsel vm6, $0x3F800000, v0;
	v35 =	vsel vm7, $0x3F800000, v0;
	v36 =	vsel vm8, $0x3F800000, v0  }
0x58: {  	v37 =	vsel vm9, $0x3F800000, v0;
	v38 =	vsel vm10, $0x3F800000, v0;
	v39 =	vsel vm11, $0x3F800000, v0  }
0x59: {  	v40 =	vsel vm12, $0x3F800000, v0;
	v41 =	vsel vm13, $0x3F800000, v0;
	v42 =	vsel vm14, $0x3F800000, v0  }
0x5a: {  	vm4 =	vgt.f32 v33, v2;
	v43 =	vsel vm15, $0x3F800000, v0;
	vm5 =	vgt.f32 v30, v3  }
0x5b: {  	vm6 =	vge.f32 v1, v4;
	vm7 =	vge.f32 v2, v4;
	vm8 =	vgt.f32 v33, v3  }
0x5c: {  	vm9 =	vge.f32 v3, v4;
	v49 =	vmax.f32 v48, v3;
	vm10 =	vgt.f32 v30, v4  }
0x5d: {  	vm11 =	vgt.f32 v33, v4;
	vm12 =	vge.f32 v1, v30;
	vm13 =	vge.f32 v2, v30  }
0x5e: {  	vm14 =	vge.f32 v3, v30;
	vm15 =	vge.f32 v4, v30;
	v6 =	vadd.f32 v32, v31  }
0x5f: {  	v7 =	vadd.f32 v37, v36;
	v9 =	vadd.f32 v41, v40;
	v44 =	vsel vm4, $0x3F800000, v0  }
0x60: {  	v45 =	vsel vm5, $0x3F800000, v0;
	v46 =	vsel vm6, $0x3F800000, v0;
	v47 =	vsel vm7, $0x3F800000, v0  }
0x61: {  	v50 =	vsel vm8, $0x3F800000, v0;
	v51 =	vsel vm9, $0x3F800000, v0;
	v11 =	vmax.f32 v49, v4  }
0x62: {  	v52 =	vsel vm10, $0x3F800000, v0;
	v54 =	vsel vm11, $0x3F800000, v0;
	v56 =	vsel vm12, $0x3F800000, v0  }
0x63: {  	v58 =	vsel vm13, $0x3F800000, v0;
	v61 =	vsel vm14, $0x3F800000, v0;
	v18 =	vsel vm15, $0x3F800000, v0  }
0x64: {  	vm4 =	vge.f32 v1, v33;
	vm5 =	vge.f32 v2, v33;
	v11 =	vmax.f32 v11, v30  }
0x65: {  	vm6 =	vgt.f32 v33, v30;
	vm7 =	vge.f32 v3, v33;
	v11 =	vmax.f32 v11, v33  }
0x66: {  	vm10 =	vge.f32 v4, v33;
	vm12 =	vge.f32 v30, v33;
	v53 =	vsub.f32 v1, v11  }
0x67: {  	v10 =	vadd.f32 v47, v46;
	v19 =	vsel vm4, $0x3F800000, v0;
	v55 =	vsub.f32 v2, v11  }
0x68: {  	v6 =	vadd.f32 v34, v6;
	v7 =	vadd.f32 v39, v7;
	v12 =	vmul.f32 $1.442695020e+00, v53  }
0x69: {  	v9 =	vadd.f32 v43, v9;
	v57 =	vsub.f32 v3, v11;
	v14 =	vmul.f32 $1.442695020e+00, v55  }
0x6a: {  	v10 =	vadd.f32 v10, v51;
	v60 =	vsub.f32 v4, v11;
	(erf) = vpow2.f32 v12  }
0x6b: {  	v63 =	vsub.f32 v30, v11;
	v59 =	vmul.f32 $1.442695020e+00, v57;
	(erf) = vpow2.f32 v14  }
0x6c: {  	v11 =	vsub.f32 v33, v11;
	v2 =	vsel vm5, $0x3F800000, v0;
	v6 =	vadd.f32 v35, v6  }
0x6d: {  	v7 =	vadd.f32 v42, v7;
	v62 =	vmul.f32 $1.442695020e+00, v60;
	(erf) = vpow2.f32 v59  }
0x6e: {  	v20 =	vsel vm7, $0x3F800000, v0;
	v9 =	vadd.f32 v45, v9;
	v2 =	vadd.f32 v2, v19  }
0x6f: {  	v1 =	vmul.f32 $1.442695020e+00, v63;
	v12 =	vadd.f32 v58, v56;
	(erf) = vpow2.f32 v62  }
0x70: {  	v3 =	vsel vm6, $0x3F800000, v0;
	v10 =	vadd.f32 v10, v52;
	v6 =	vadd.f32 v38, v6  }
0x71: {  	v12 =	vadd.f32 v12, v61;
	(erf) = vpow2.f32 v1;
	v1 =	vmul.f32 $1.442695020e+00, v11  }
0x72: {  	v4 =	vsel vm10, $0x3F800000, v0;
	v7 =	vadd.f32 v44, v7;
	v9 =	vadd.f32 v50, v9  }
0x73: {  	v10 =	vadd.f32 v10, v54;
	v12 =	vadd.f32 v12, v18;
	v21 =	vpop (erf);
	(erf) = vpow2.f32 v1  }
0x74: {  	vm8 =	vlt.f32 v6, $4.000000000e+00;
	vm9 =	vlt.f32 v7, $4.000000000e+00;
	v1 =	vadd.f32 v2, v20;
	v2 =	vpop (erf)  }
0x75: {  	v3 =	vadd.f32 v12, v3;
	v6 =	vnsel vm8, $0x0, v21;
	v2 =	vnsel vm9, $0x0, v2  }
0x76: {  	vm11 =	vlt.f32 v9, $4.000000000e+00;
	v22 =	vpop (erf);
	v1 =	vadd.f32 v1, v4;
	v23 =	vadd.f32 v2, v6  }
0x77: {  	v8 =	vsel vm12, $0x3F800000, v0;
	v24 =	vnsel vm11, $0x0, v22  }
0x78: {  	vm13 =	vlt.f32 v10, $4.000000000e+00;
	v25 =	vpop (erf);
	v1 =	vadd.f32 v1, v8;
	v7 =	vadd.f32 v23, v24  }
0x79: {  	v5 =	vnsel vm13, $0x0, v25  }
0x7a: {  	vm14 =	vlt.f32 v3, $4.000000000e+00;
	v3 =	vpop (erf);
	v7 =	vadd.f32 v7, v5  }
0x7b: {  	v3 =	vnsel vm14, $0x0, v3  }
0x7c: {  	vm15 =	vlt.f32 v1, $4.000000000e+00;
	v1 =	vpop (erf);
	v7 =	vadd.f32 v7, v3  }
0x7d: {  	v1 =	vnsel vm15, $0x0, v1  }
0x7e: {  	v7 =	vadd.f32 v7, v1;
	_ =	sdelay $0x1  }
0x7f: {  	(erf) = vrcp.f32 v7;
	_ =	sdelay $0x8  }
0x80: {  	v7 =	vpop (erf)  }
0x81: {  	[tilespmem:$0x4190] =	vst v0;
	v6 =	vmul.f32 v7, v6  }
0x82: {  	[tilespmem:$0x41D0] =	vst v0;
	v2 =	vmul.f32 v7, v2  }
0x83: {  	v4 =	vmul.f32 v7, v24;
	[tilespmem:$0x4010] =	vst v6  }
0x84: {  	v3 =	vmul.f32 v7, v3;
	[tilespmem:$0x4050] =	vst v2  }
0x85: {  	v1 =	vmul.f32 v7, v1;
	[tilespmem:$0x4090] =	vst v4  }
0x86: {  	v2 =	vmul.f32 v7, v5;
	[tilespmem:$0x4110] =	vst v3  }
0x87: {  	[tilespmem:$0x4150] =	vst v1  }
0x88: {  	[tilespmem:$0x40D0] =	vst v2  }
0x89: {  	v1 =	vld [tilespmem:s4+$0x20]  }
0x8a: {  	v2 =	vld [tilespmem:s4+$0x820]  }
0x8b: {  	v3 =	vld [tilespmem:s4+$0x1020]  }
0x8c: {  	v4 =	vld [tilespmem:s4+$0x1820]  }
0x8d: {  	v26 =	vld [tilespmem:s4+$0x2020]  }
0x8e: {  	v29 =	vld [tilespmem:s4+$0x2820];
	_ =	sdelay $0x2  }
0x8f: {  	vm4 =	vgt.f32 v2, v1;
	vm5 =	vgt.f32 v3, v1;
	vm6 =	vgt.f32 v4, v1  }
0x90: {  	vm7 =	vgt.f32 v26, v1;
	vm8 =	vge.f32 v1, v2;
	vm9 =	vgt.f32 v3, v2  }
0x91: {  	vm10 =	vgt.f32 v29, v1;
	vm11 =	vgt.f32 v4, v2;
	vm12 =	vge.f32 v1, v3  }
0x92: {  	vm13 =	vge.f32 v2, v3;
	vm14 =	vgt.f32 v26, v2;
	vm15 =	vgt.f32 v4, v3  }
0x93: {  	v44 =	vmax.f32 v1, v2;
	v27 =	vsel vm4, $0x3F800000, v0;
	v28 =	vsel vm5, $0x3F800000, v0  }
0x94: {  	v30 =	vsel vm6, $0x3F800000, v0;
	v31 =	vsel vm7, $0x3F800000, v0;
	v32 =	vsel vm8, $0x3F800000, v0  }
0x95: {  	v33 =	vsel vm9, $0x3F800000, v0;
	v34 =	vsel vm10, $0x3F800000, v0;
	v35 =	vsel vm11, $0x3F800000, v0  }
0x96: {  	v36 =	vsel vm12, $0x3F800000, v0;
	v37 =	vsel vm13, $0x3F800000, v0;
	v38 =	vsel vm14, $0x3F800000, v0  }
0x97: {  	vm4 =	vgt.f32 v29, v2;
	v39 =	vsel vm15, $0x3F800000, v0;
	vm5 =	vgt.f32 v26, v3  }
0x98: {  	vm6 =	vge.f32 v1, v4;
	vm7 =	vge.f32 v2, v4;
	vm8 =	vgt.f32 v29, v3  }
0x99: {  	vm9 =	vge.f32 v3, v4;
	v45 =	vmax.f32 v44, v3;
	vm10 =	vgt.f32 v26, v4  }
0x9a: {  	vm11 =	vgt.f32 v29, v4;
	vm12 =	vge.f32 v1, v26;
	vm13 =	vge.f32 v2, v26  }
0x9b: {  	vm14 =	vge.f32 v3, v26;
	vm15 =	vge.f32 v4, v26;
	v6 =	vadd.f32 v28, v27  }
0x9c: {  	v7 =	vadd.f32 v33, v32;
	v9 =	vadd.f32 v37, v36;
	v40 =	vsel vm4, $0x3F800000, v0  }
0x9d: {  	v41 =	vsel vm5, $0x3F800000, v0;
	v42 =	vsel vm6, $0x3F800000, v0;
	v43 =	vsel vm7, $0x3F800000, v0  }
0x9e: {  	v46 =	vsel vm8, $0x3F800000, v0;
	v47 =	vsel vm9, $0x3F800000, v0;
	v11 =	vmax.f32 v45, v4  }
0x9f: {  	v48 =	vsel vm10, $0x3F800000, v0;
	v50 =	vsel vm11, $0x3F800000, v0;
	v52 =	vsel vm12, $0x3F800000, v0  }
0xa0: {  	v54 =	vsel vm13, $0x3F800000, v0;
	v57 =	vsel vm14, $0x3F800000, v0;
	v60 =	vsel vm15, $0x3F800000, v0  }
0xa1: {  	vm4 =	vge.f32 v1, v29;
	vm5 =	vge.f32 v2, v29;
	v11 =	vmax.f32 v11, v26  }
0xa2: {  	vm6 =	vgt.f32 v29, v26;
	vm7 =	vge.f32 v3, v29;
	v11 =	vmax.f32 v11, v29  }
0xa3: {  	vm10 =	vge.f32 v4, v29;
	vm12 =	vge.f32 v26, v29;
	v49 =	vsub.f32 v1, v11  }
0xa4: {  	v10 =	vadd.f32 v43, v42;
	v61 =	vsel vm4, $0x3F800000, v0;
	v51 =	vsub.f32 v2, v11  }
0xa5: {  	v6 =	vadd.f32 v30, v6;
	v7 =	vadd.f32 v35, v7;
	v12 =	vmul.f32 $1.442695020e+00, v49  }
0xa6: {  	v9 =	vadd.f32 v39, v9;
	v53 =	vsub.f32 v3, v11;
	v14 =	vmul.f32 $1.442695020e+00, v51  }
0xa7: {  	v10 =	vadd.f32 v10, v47;
	v56 =	vsub.f32 v4, v11;
	(erf) = vpow2.f32 v12  }
0xa8: {  	v59 =	vsub.f32 v26, v11;
	v55 =	vmul.f32 $1.442695020e+00, v53;
	(erf) = vpow2.f32 v14  }
0xa9: {  	v11 =	vsub.f32 v29, v11;
	v2 =	vsel vm5, $0x3F800000, v0;
	v6 =	vadd.f32 v31, v6  }
0xaa: {  	v7 =	vadd.f32 v38, v7;
	v58 =	vmul.f32 $1.442695020e+00, v56;
	(erf) = vpow2.f32 v55  }
0xab: {  	v62 =	vsel vm7, $0x3F800000, v0;
	v9 =	vadd.f32 v41, v9;
	v2 =	vadd.f32 v2, v61  }
0xac: {  	v1 =	vmul.f32 $1.442695020e+00, v59;
	v12 =	vadd.f32 v54, v52;
	(erf) = vpow2.f32 v58  }
0xad: {  	v3 =	vsel vm6, $0x3F800000, v0;
	v10 =	vadd.f32 v10, v48;
	v6 =	vadd.f32 v34, v6  }
0xae: {  	v12 =	vadd.f32 v12, v57;
	(erf) = vpow2.f32 v1;
	v1 =	vmul.f32 $1.442695020e+00, v11  }
0xaf: {  	v4 =	vsel vm10, $0x3F800000, v0;
	v7 =	vadd.f32 v40, v7;
	v9 =	vadd.f32 v46, v9  }
0xb0: {  	v10 =	vadd.f32 v10, v50;
	v12 =	vadd.f32 v12, v60;
	v63 =	vpop (erf);
	(erf) = vpow2.f32 v1  }
0xb1: {  	vm8 =	vlt.f32 v6, $4.000000000e+00;
	vm9 =	vlt.f32 v7, $4.000000000e+00;
	v1 =	vadd.f32 v2, v62;
	v2 =	vpop (erf)  }
0xb2: {  	v3 =	vadd.f32 v12, v3;
	v6 =	vnsel vm8, $0x0, v63;
	v2 =	vnsel vm9, $0x0, v2  }
0xb3: {  	vm11 =	vlt.f32 v9, $4.000000000e+00;
	v15 =	vpop (erf);
	v1 =	vadd.f32 v1, v4;
	v16 =	vadd.f32 v2, v6  }
0xb4: {  	v8 =	vsel vm12, $0x3F800000, v0;
	v17 =	vnsel vm11, $0x0, v15  }
0xb5: {  	vm13 =	vlt.f32 v10, $4.000000000e+00;
	v18 =	vpop (erf);
	v1 =	vadd.f32 v1, v8;
	v7 =	vadd.f32 v16, v17  }
0xb6: {  	v5 =	vnsel vm13, $0x0, v18  }
0xb7: {  	vm14 =	vlt.f32 v3, $4.000000000e+00;
	v3 =	vpop (erf);
	v7 =	vadd.f32 v7, v5  }
0xb8: {  	v3 =	vnsel vm14, $0x0, v3  }
0xb9: {  	vm15 =	vlt.f32 v1, $4.000000000e+00;
	v1 =	vpop (erf);
	v7 =	vadd.f32 v7, v3  }
0xba: {  	v1 =	vnsel vm15, $0x0, v1  }
0xbb: {  	v7 =	vadd.f32 v7, v1;
	_ =	sdelay $0x1  }
0xbc: {  	(erf) = vrcp.f32 v7;
	_ =	sdelay $0x8  }
0xbd: {  	v7 =	vpop (erf)  }
0xbe: {  	[tilespmem:$0x41A0] =	vst v0;
	v6 =	vmul.f32 v7, v6  }
0xbf: {  	[tilespmem:$0x41E0] =	vst v0;
	v2 =	vmul.f32 v7, v2  }
0xc0: {  	v4 =	vmul.f32 v7, v17;
	[tilespmem:$0x4020] =	vst v6  }
0xc1: {  	v3 =	vmul.f32 v7, v3;
	[tilespmem:$0x4060] =	vst v2  }
0xc2: {  	v1 =	vmul.f32 v7, v1;
	[tilespmem:$0x40A0] =	vst v4  }
0xc3: {  	v2 =	vmul.f32 v7, v5;
	[tilespmem:$0x4120] =	vst v3  }
0xc4: {  	[tilespmem:$0x4160] =	vst v1  }
0xc5: {  	[tilespmem:$0x40E0] =	vst v2  }
0xc6: {  	v1 =	vld [tilespmem:s4+$0x30]  }
0xc7: {  	v2 =	vld [tilespmem:s4+$0x830]  }
0xc8: {  	v3 =	vld [tilespmem:s4+$0x1030]  }
0xc9: {  	v4 =	vld [tilespmem:s4+$0x1830]  }
0xca: {  	v19 =	vld [tilespmem:s4+$0x2030];
	_ =	sdelay $0x1  }
0xcb: {  	v23 =	vld [tilespmem:s4+$0x2830];
	_ =	sdelay $0x1  }
0xcc: {  	vm4 =	vgt.f32 v2, v1;
	vm5 =	vgt.f32 v3, v1  }
0xcd: {  	vm6 =	vgt.f32 v4, v1;
	vm7 =	vgt.f32 v19, v1;
	vm8 =	vge.f32 v1, v2  }
0xce: {  	vm9 =	vgt.f32 v3, v2;
	vm10 =	vgt.f32 v4, v2;
	vm11 =	vge.f32 v1, v3  }
0xcf: {  	vm12 =	vgt.f32 v23, v1;
	vm13 =	vge.f32 v2, v3;
	vm14 =	vgt.f32 v19, v2  }
0xd0: {  	vm15 =	vgt.f32 v4, v3;
	v36 =	vmax.f32 v1, v2;
	v20 =	vsel vm4, $0x3F800000, v0  }
0xd1: {  	v21 =	vsel vm5, $0x3F800000, v0;
	v22 =	vsel vm6, $0x3F800000, v0;
	v24 =	vsel vm7, $0x3F800000, v0  }
0xd2: {  	v25 =	vsel vm8, $0x3F800000, v0;
	v26 =	vsel vm9, $0x3F800000, v0;
	v27 =	vsel vm10, $0x3F800000, v0  }
0xd3: {  	v28 =	vsel vm11, $0x3F800000, v0;
	v29 =	vsel vm13, $0x3F800000, v0;
	v30 =	vsel vm14, $0x3F800000, v0  }
0xd4: {  	v31 =	vsel vm12, $0x3F800000, v0;
	v32 =	vsel vm15, $0x3F800000, v0;
	vm4 =	vgt.f32 v23, v2  }
0xd5: {  	vm5 =	vgt.f32 v19, v3;
	vm6 =	vge.f32 v1, v4;
	vm7 =	vge.f32 v2, v4  }
0xd6: {  	vm8 =	vgt.f32 v23, v3;
	v11 =	vmax.f32 v36, v3;
	vm9 =	vge.f32 v3, v4  }
0xd7: {  	vm10 =	vgt.f32 v19, v4;
	vm11 =	vgt.f32 v23, v4;
	vm12 =	vge.f32 v1, v19  }
0xd8: {  	vm13 =	vge.f32 v2, v19;
	vm14 =	vge.f32 v3, v19;
	v6 =	vadd.f32 v21, v20  }
0xd9: {  	vm15 =	vge.f32 v4, v19;
	v7 =	vadd.f32 v26, v25;
	v9 =	vadd.f32 v29, v28  }
0xda: {  	v33 =	vsel vm4, $0x3F800000, v0;
	v34 =	vsel vm5, $0x3F800000, v0;
	v35 =	vsel vm6, $0x3F800000, v0  }
0xdb: {  	v37 =	vsel vm7, $0x3F800000, v0;
	v11 =	vmax.f32 v11, v4;
	v38 =	vsel vm8, $0x3F800000, v0  }
0xdc: {  	v39 =	vsel vm9, $0x3F800000, v0;
	v40 =	vsel vm10, $0x3F800000, v0;
	v43 =	vsel vm12, $0x3F800000, v0  }
0xdd: {  	v44 =	vsel vm13, $0x3F800000, v0;
	v47 =	vsel vm11, $0x3F800000, v0;
	v48 =	vsel vm14, $0x3F800000, v0  }
0xde: {  	vm4 =	vge.f32 v1, v23;
	vm5 =	vge.f32 v2, v23;
	v11 =	vmax.f32 v11, v19  }
0xdf: {  	vm6 =	vgt.f32 v23, v19;
	vm7 =	vge.f32 v3, v23;
	v11 =	vmax.f32 v11, v23  }
0xe0: {  	vm10 =	vge.f32 v4, v23;
	v10 =	vadd.f32 v37, v35;
	v41 =	vsub.f32 v1, v11  }
0xe1: {  	vm12 =	vge.f32 v19, v23;
	v14 =	vadd.f32 v44, v43;
	v42 =	vsub.f32 v2, v11  }
0xe2: {  	v51 =	vsel vm4, $0x3F800000, v0;
	v52 =	vsel vm7, $0x3F800000, v0;
	v13 =	vmul.f32 $1.442695020e+00, v41  }
0xe3: {  	v6 =	vadd.f32 v22, v6;
	v45 =	vsub.f32 v3, v11;
	v12 =	vmul.f32 $1.442695020e+00, v42  }
0xe4: {  	v7 =	vadd.f32 v27, v7;
	v9 =	vadd.f32 v32, v9;
	(erf) = vpow2.f32 v13  }
0xe5: {  	v46 =	vsub.f32 v4, v11;
	v13 =	vmul.f32 $1.442695020e+00, v45;
	(erf) = vpow2.f32 v12  }
0xe6: {  	v57 =	vsel vm10, $0x3F800000, v0;
	v10 =	vadd.f32 v10, v39;
	v14 =	vadd.f32 v14, v48  }
0xe7: {  	v49 =	vsub.f32 v19, v11;
	v12 =	vmul.f32 $1.442695020e+00, v46;
	(erf) = vpow2.f32 v13  }
0xe8: {  	v11 =	vsub.f32 v23, v11;
	v2 =	vsel vm5, $0x3F800000, v0;
	v6 =	vadd.f32 v24, v6  }
0xe9: {  	v7 =	vadd.f32 v30, v7;
	v50 =	vmul.f32 $1.442695020e+00, v49;
	(erf) = vpow2.f32 v12  }
0xea: {  	v1 =	vsel vm15, $0x3F800000, v0;
	v9 =	vadd.f32 v34, v9;
	v2 =	vadd.f32 v2, v51  }
0xeb: {  	v10 =	vadd.f32 v10, v40;
	v11 =	vmul.f32 $1.442695020e+00, v11;
	(erf) = vpow2.f32 v50  }
0xec: {  	v3 =	vsel vm6, $0x3F800000, v0;
	v6 =	vadd.f32 v31, v6;
	v7 =	vadd.f32 v33, v7  }
0xed: {  	v1 =	vadd.f32 v14, v1;
	v9 =	vadd.f32 v38, v9;
	v53 =	vpop (erf);
	(erf) = vpow2.f32 v11  }
0xee: {  	v2 =	vadd.f32 v2, v52;
	vm8 =	vlt.f32 v6, $4.000000000e+00;
	vm9 =	vlt.f32 v7, $4.000000000e+00;
	v54 =	vpop (erf)  }
0xef: {  	v10 =	vadd.f32 v10, v47;
	v6 =	vnsel vm8, $0x0, v53;
	v55 =	vnsel vm9, $0x0, v54  }
0xf0: {  	vm11 =	vlt.f32 v9, $4.000000000e+00;
	v2 =	vadd.f32 v2, v57;
	v56 =	vpop (erf);
	v58 =	vadd.f32 v55, v6  }
0xf1: {  	v8 =	vsel vm12, $0x3F800000, v0;
	v1 =	vadd.f32 v1, v3;
	v3 =	vnsel vm11, $0x0, v56  }
0xf2: {  	vm13 =	vlt.f32 v10, $4.000000000e+00;
	v2 =	vadd.f32 v2, v8;
	v59 =	vpop (erf);
	v60 =	vadd.f32 v58, v3  }
0xf3: {  	v7 =	vnsel vm13, $0x0, v59  }
0xf4: {  	vm14 =	vlt.f32 v1, $4.000000000e+00;
	v61 =	vpop (erf);
	v1 =	vadd.f32 v60, v7  }
0xf5: {  	v62 =	vnsel vm14, $0x0, v61  }
0xf6: {  	vm15 =	vlt.f32 v2, $4.000000000e+00;
	v2 =	vpop (erf);
	v1 =	vadd.f32 v1, v62  }
0xf7: {  	v2 =	vnsel vm15, $0x0, v2  }
0xf8: {  	v1 =	vadd.f32 v1, v2;
	_ =	sdelay $0x1  }
0xf9: {  	(erf) = vrcp.f32 v1;
	_ =	sdelay $0x8  }
0xfa: {  	v1 =	vpop (erf)  }
0xfb: {  	[tilespmem:$0x41B0] =	vst v0;
	v6 =	vmul.f32 v1, v6  }
0xfc: {  	[tilespmem:$0x41F0] =	vst v0;
	v4 =	vmul.f32 v1, v55  }
0xfd: {  	v3 =	vmul.f32 v1, v3;
	[tilespmem:$0x4030] =	vst v6  }
0xfe: {  	v63 =	vmul.f32 v1, v7;
	[tilespmem:$0x4070] =	vst v4  }
0xff: {  	[tilespmem:$0x40B0] =	vst v3;
	v3 =	vmul.f32 v1, v62  }
0x100: {  	[tilespmem:$0x40F0] =	vst v63;
	v1 =	vmul.f32 v1, v2  }
0x101: {  	p0 =	sne.s32 s11, $0x1;
	[tilespmem:$0x4130] =	vst v3  }
.Ltmp0:
0x102: {  	[tilespmem:$0x4170] =	vst v1;
	(pc) =	sbr.rel @p0 .LBB2_1-.Ltmp0, $4  }
0x103: {  	[hbm4b:s10+s3] =	stream.linear.scatter [tilespmem:s13], [sflag:$0x1], $0x200, $0x38;
	[tilespmem:$0x4200] =	vst v63  }
0x104: {  	_ =	swait.ge [sflag:s12], $0x200  }
0x105: {  	[sflag:s12] =	ssyncset.done $0x0  }
0x106: {  	s11 =	sadd.s32 $0xFFFFFFFF, s11;
	[sflag:s12] =	ssyncadd.s32 $0xFFFFFE00  }
0x107: {  	_ =	sfence.sel $0x180000  }
0x108: {  	[bflag:$0x0] =	sbarrier.arrive $0xFFFF  }
0x109: {  	p0 =	sne.s32 s2, $0x0;
	_ =	strace $0x90000047  }
0x10a: {  	s0 =	sadd.s32 @!p0 $0x100000, s0;
	[bflag:$0x2] =	sbarrier.arrive $0xFFFF  }
0x10b: {  	[sflag:s0] =	ssyncadd.tile.s32 @!p0 $0x1;
	_ =	shalt  }
.Lfunc_end2:
_tile_overlayer_lowered:
.L_overlay_start_2:
0x10c: {  	(tag) =	ssettag $0x2  }
0x10d: {  	s0 =	rddreg [dreg:$0x0];
	s2 =	stileid.u32  }
0x10e: {  	s1 =	rddreg [dreg:$0x1];
	p0 =	sne.s32 s2, $0x0  }
0x10f: {  	s3 =	rddreg [dreg:$0x2];
	[bflag:$0x3] =	sbarrier.arrive $0xFFFF;
	s2 =	simm.s32 @!p0 $0x1C01  }
0x110: {  	[timem:s3], [sflag:s2] =	dma.local @!p0 [hbm:s0], s1  }
0x111: {  	s0 =	simm.s32 @!p0 $0x1  }
0x112: {  	_ =	swait.ge @!p0 [sflag:s0], s1  }
0x113: {  	s1 =	ssub.s32 @!p0 $0x0, s1;
	[sflag:s0] =	ssyncset.done @!p0 $0x0  }
0x114: {  	[sflag:s0] =	ssyncadd.s32 @!p0 s1  }
0x115: {  	[bflag:$0x3] =	sbarrier.arrive $0xFFFF  }
0x116: {  	_ =	shalt  }

</sc_bundles>
